<compile_context>
chip_gen: v7x
topology: tpu7x:2x2x1
jax: 0.10.2.dev20260603
libtpu: 0.0.44.dev20260713+nightly
codegen_flags: <defaults>
</compile_context>

<pallas_src>
import jax
import jax.numpy as jnp
from jax import lax
from jax.experimental import pallas as pl
from jax.experimental.pallas import tpu as pltpu
from jax.experimental.pallas import tpu_sc as plsc

N = 10000
E = 320000
D = 128
NC = 2
NS = 16
NW = NC * NS
CHUNK = 128
NCHUNKS = 2560
IB = 16
E_PAD = NCHUNKS * CHUNK
K0 = 144
K1 = 16
KSYM = NCHUNKS // NW
N_ACC = 10112
RPT = N_ACC // NS
LANES = 16
ROWB = 1000


def _make_segsum(gather):
  mesh = plsc.VectorSubcoreMesh(core_axis_name="c", subcore_axis_name="s")
  out_type = [jax.ShapeDtypeStruct((NC, N_ACC, D), jnp.float32)]
  nbuf = 2 if gather else 1
  scratch = [
      pltpu.VMEM((IB, CHUNK), jnp.int32),
      pltpu.VMEM((IB, CHUNK), jnp.int32),
      pltpu.VMEM((nbuf, CHUNK, D), jnp.float32),
      pltpu.VMEM_SHARED((N_ACC, D), jnp.float32),
      pltpu.SemaphoreType.DMA,
  ]

  def body(y_hbm, src_hbm, dst_hbm, agg_out, src_v, dst_v, rows_v, acc, sem):
    c = lax.axis_index("c")
    s = lax.axis_index("s")
    if gather:
      base = (1 - c) * s * K0 + c * (NS * K0 + s * K1)
      nblk = (1 - c) * (K0 // IB) + c * (K1 // IB)
    else:
      base = (c * NS + s) * KSYM
      nblk = KSYM // IB

    z = jnp.zeros((LANES,), jnp.float32)

    def zrow(i, _):
      for k in range(D // LANES):
        rows_v[0, i, pl.ds(k * LANES, LANES)] = z
      return 0

    lax.fori_loop(0, CHUNK, zrow, 0)

    r0 = s * RPT
    for m in range(RPT // CHUNK):
      pltpu.sync_copy(rows_v.at[0], acc.at[pl.ds(r0 + m * CHUNK, CHUNK)])
    rem = RPT % CHUNK
    if rem:
      zb = r0 + (RPT // CHUNK) * CHUNK
      pltpu.sync_copy(rows_v.at[0, pl.ds(0, rem)], acc.at[pl.ds(zb, rem)])

    if not gather:
      one = jnp.ones((LANES,), jnp.float32)

      def orow(i, _):
        for k in range(D // LANES):
          rows_v[0, i, pl.ds(k * LANES, LANES)] = one
        return 0

      lax.fori_loop(0, CHUNK, orow, 0)

    plsc.subcore_barrier()

    def block(blk, _):
      @pl.when(blk < nblk)
      def _():
        _block_body(blk)
      return 0

    def _block_body(blk):
      off = pl.multiple_of(base + blk * IB, IB)
      if gather:
        pltpu.sync_copy(src_hbm.at[pl.ds(off, IB)], src_v)
      pltpu.sync_copy(dst_hbm.at[pl.ds(off, IB)], dst_v)

      if gather:
        pltpu.async_copy(y_hbm.at[src_v.at[0]], rows_v.at[0], sem)

        def step(j, _):
          p = lax.rem(j, 2)
          pltpu.make_async_copy(y_hbm.at[src_v.at[j]],
                                rows_v.at[p], sem).wait()

          @pl.when(j + 1 < IB)
          def _():
            pltpu.async_copy(y_hbm.at[src_v.at[j + 1]],
                             rows_v.at[lax.rem(j + 1, 2)], sem)

          pltpu.sync_copy(rows_v.at[p], acc.at[dst_v.at[j]], add=True)
          return 0
      else:

        def step(j, _):
          pltpu.sync_copy(rows_v.at[0], acc.at[dst_v.at[j]], add=True)
          return 0

      lax.fori_loop(0, IB, step, 0)

    lax.fori_loop(0, (K0 if gather else KSYM) // IB, block, 0)
    plsc.subcore_barrier()

    pltpu.sync_copy(acc.at[pl.ds(r0, RPT)], agg_out.at[c, pl.ds(r0, RPT)])

  return pl.kernel(body, out_type=out_type, mesh=mesh, scratch_types=scratch,
                   name="segsum" if gather else "degcnt")


_segsum = _make_segsum(True)
_degcnt = _make_segsum(False)


def _mm2_body(x_ref, ws_ref, wn_ref, hs_ref, y_ref):
  xb = x_ref[...]
  hs_ref[...] = jnp.dot(xb, ws_ref[...], preferred_element_type=jnp.float32)
  y_ref[...] = jnp.dot(xb, wn_ref[...], preferred_element_type=jnp.float32)


_mm2 = pl.pallas_call(
    _mm2_body,
    grid=(N // ROWB,),
    in_specs=[
        pl.BlockSpec((ROWB, D), lambda i: (i, 0)),
        pl.BlockSpec((D, D), lambda i: (0, 0)),
        pl.BlockSpec((D, D), lambda i: (0, 0)),
    ],
    out_specs=[pl.BlockSpec((ROWB, D), lambda i: (i, 0))] * 2,
    out_shape=[jax.ShapeDtypeStruct((N, D), jnp.float32)] * 2,
)


def _combine1_body(hs_ref, aggp_ref, cntp_ref, b_ref, ws_ref, wn_ref,
                   hs2_ref, y2_ref):
  agg = aggp_ref[0] + aggp_ref[1]
  deg = cntp_ref[0, :, 0:1] + cntp_ref[1, :, 0:1]
  recip = 1.0 / jnp.maximum(deg, 1.0)
  h = hs_ref[...] + agg * recip + b_ref[...]
  h = jnp.maximum(h, 0.0)
  hs2_ref[...] = jnp.dot(h, ws_ref[...], preferred_element_type=jnp.float32)
  y2_ref[...] = jnp.dot(h, wn_ref[...], preferred_element_type=jnp.float32)


_combine1 = pl.pallas_call(
    _combine1_body,
    grid=(N // ROWB,),
    in_specs=[
        pl.BlockSpec((ROWB, D), lambda i: (i, 0)),
        pl.BlockSpec((NC, ROWB, D), lambda i: (0, i, 0)),
        pl.BlockSpec((NC, ROWB, D), lambda i: (0, i, 0)),
        pl.BlockSpec((1, D), lambda i: (0, 0)),
        pl.BlockSpec((D, D), lambda i: (0, 0)),
        pl.BlockSpec((D, D), lambda i: (0, 0)),
    ],
    out_specs=[pl.BlockSpec((ROWB, D), lambda i: (i, 0))] * 2,
    out_shape=[jax.ShapeDtypeStruct((N, D), jnp.float32)] * 2,
)


def _combine2_body(hs_ref, aggp_ref, cntp_ref, b_ref, out_ref):
  agg = aggp_ref[0] + aggp_ref[1]
  deg = cntp_ref[0, :, 0:1] + cntp_ref[1, :, 0:1]
  recip = 1.0 / jnp.maximum(deg, 1.0)
  out_ref[...] = hs_ref[...] + agg * recip + b_ref[...]


_combine2 = pl.pallas_call(
    _combine2_body,
    grid=(N // ROWB,),
    in_specs=[
        pl.BlockSpec((ROWB, D), lambda i: (i, 0)),
        pl.BlockSpec((NC, ROWB, D), lambda i: (0, i, 0)),
        pl.BlockSpec((NC, ROWB, D), lambda i: (0, i, 0)),
        pl.BlockSpec((1, D), lambda i: (0, 0)),
    ],
    out_specs=pl.BlockSpec((ROWB, D), lambda i: (i, 0)),
    out_shape=jax.ShapeDtypeStruct((N, D), jnp.float32),
)


def kernel(x, edge_index, W_self1, W_neigh1, b1, W_self2, W_neigh2, b2):
  src = edge_index[0]
  dst = edge_index[1]
  pad = E_PAD - E
  srcp = jnp.concatenate([src, jnp.zeros((pad,), jnp.int32)])
  dstp = jnp.concatenate([dst, jnp.full((pad,), N, jnp.int32)])
  srcp = srcp.reshape(NCHUNKS, CHUNK)
  dstp = dstp.reshape(NCHUNKS, CHUNK)

  (cntp,) = _degcnt(x, srcp, dstp)
  hs1, y1 = _mm2(x, W_self1, W_neigh1)
  (aggp1,) = _segsum(y1, srcp, dstp)
  hs2, y2 = _combine1(hs1, aggp1, cntp, b1.reshape(1, D), W_self2, W_neigh2)
  (aggp2,) = _segsum(y2, srcp, dstp)
  out = _combine2(hs2, aggp2, cntp, b2.reshape(1, D))
  return out

# --- scband reference (transcript-rebuilt; emitter-appended) ---
"""Pipeline reference for scband-dist-sage-42167988912731 (READ-ONLY COPY).

The authoritative reference and input builder live on the scoring server;
editing this copy changes nothing except your own understanding.
"""

import jax, jax.numpy as jnp
import numpy as np

N_NODES = 10000
N_EDGES = 320000
D_IN = 128
D_HID = 128
D_OUT = 128


def setup_inputs(seed: int = 0) -> dict:
    key = jax.random.key(seed)
    ks = jax.random.split(key, 9)
    x = jax.random.normal(ks[0], (N_NODES, D_IN), dtype=jnp.float32)
    edge_index = jax.random.randint(ks[1], (2, N_EDGES), 0, N_NODES, dtype=jnp.int32)
    s_in = 1.0 / np.sqrt(D_IN)
    s_hid = 1.0 / np.sqrt(D_HID)
    W_self1 = jax.random.normal(ks[2], (D_IN, D_HID), dtype=jnp.float32) * s_in
    W_neigh1 = jax.random.normal(ks[3], (D_IN, D_HID), dtype=jnp.float32) * s_in
    b1 = jnp.zeros((D_HID,), dtype=jnp.float32)
    W_self2 = jax.random.normal(ks[4], (D_HID, D_OUT), dtype=jnp.float32) * s_hid
    W_neigh2 = jax.random.normal(ks[5], (D_HID, D_OUT), dtype=jnp.float32) * s_hid
    b2 = jnp.zeros((D_OUT,), dtype=jnp.float32)
    return {"x": x, "edge_index": edge_index, "W_self1": W_self1, "W_neigh1": W_neigh1, "b1": b1, "W_self2": W_self2, "W_neigh2": W_neigh2, "b2": b2}


def _sage_layer(h, src, dst, W_self, W_neigh, b, n_nodes):
    # DGL SAGEConv(aggregator_type='mean'):
    # h_neigh = mean over in-neighbors; out = h_dst @ W_self + h_neigh @ W_neigh + b
    msgs = jnp.take(h, src, axis=0)
    agg = jax.ops.segment_sum(msgs, dst, num_segments=n_nodes)
    deg = jax.ops.segment_sum(jnp.ones((src.shape[0],), dtype=h.dtype), dst, num_segments=n_nodes)
    h_neigh = agg / jnp.maximum(deg, 1.0)[:, None]
    return h @ W_self + h_neigh @ W_neigh + b


def reference(x, edge_index, W_self1, W_neigh1, b1, W_self2, W_neigh2, b2):
    src = edge_index[0]
    dst = edge_index[1]
    h = _sage_layer(x, src, dst, W_self1, W_neigh1, b1, N_NODES)
    h = jax.nn.relu(h)
    # dropout p=0.0 -> identity
    out = _sage_layer(h, src, dst, W_self2, W_neigh2, b2, N_NODES)
    return out

if __name__ == "__main__":
    import jax
    _d = setup_inputs()
    print(jax.jit(kernel)(*tuple(_d.values())))

</pallas_src>

<mosaic_0001>
#map = affine_map<(d0, d1) -> (0, 0)>
#map1 = affine_map<(d0, d1) -> (0, 0, 0)>
module attributes {stable_mosaic.version = 14 : i64} {
  func.func @segsum(%arg0: i32, %arg1: i32, %arg2: memref<10000x128xf32, #tpu.memory_space<hbm>>, %arg3: memref<2560x128xi32, #tpu.memory_space<hbm>>, %arg4: memref<2560x128xi32, #tpu.memory_space<hbm>>, %arg5: memref<2x10112x128xf32, #tpu.memory_space<hbm>>, %arg6: memref<16x128xi32, #tpu.memory_space<vmem>>, %arg7: memref<16x128xi32, #tpu.memory_space<vmem>>, %arg8: memref<2x128x128xf32, #tpu.memory_space<vmem>>, %arg9: memref<10112x128xf32, #tpu.memory_space<vmem_shared>>, %arg10: memref<!tpu.dma_semaphore, #tpu.memory_space<semaphore_mem>>) attributes {dimension_semantics = [#tpu.dimension_semantics<core_parallel>, #tpu.dimension_semantics<subcore_parallel>], iteration_bounds = array<i64: 2, 16>, scalar_prefetch = 0 : i64, scratch_operands = 5 : i64, tpu.core_type = #tpu.core_type<sc_vector_subcore>, window_params = [{transform_indices = #map}, {transform_indices = #map}, {transform_indices = #map}, {transform_indices = #map1}]} {
    %sub3A = arith.constant 1 : i32
    %sub3A_0 = arith.subi %sub3A, %arg0 : i32
    %mul3A = arith.muli %sub3A_0, %arg1 : i32
    %mul3A_1 = arith.constant 144 : i32
    %mul3A_2 = arith.muli %mul3A, %mul3A_1 : i32
    %mul3A_3 = arith.constant 16 : i32
    %mul3A_4 = arith.muli %arg1, %mul3A_3 : i32
    %add3A = arith.constant 2304 : i32
    %add3A_5 = arith.addi %add3A, %mul3A_4 : i32
    %mul3A_6 = arith.muli %arg0, %add3A_5 : i32
    %add3A_7 = arith.addi %mul3A_2, %mul3A_6 : i32
    %sub3A_8 = arith.constant 1 : i32
    %sub3A_9 = arith.subi %sub3A_8, %arg0 : i32
    %mul3A_10 = arith.constant 9 : i32
    %mul3A_11 = arith.muli %sub3A_9, %mul3A_10 : i32
    %mul3A_12 = arith.constant 1 : i32
    %mul3A_13 = arith.muli %arg0, %mul3A_12 : i32
    %add3A_14 = arith.addi %mul3A_11, %mul3A_13 : i32
    %broadcast_in_dim3A = arith.constant 0.000000e+00 : f32
    %broadcast_in_dim3A_15 = vector.broadcast %broadcast_in_dim3A : f32 to vector<16xf32>
    %scan3A = arith.constant 0 : i32
    %scan3A_16 = arith.constant 0 : i32
    %scan3A_17 = arith.constant 128 : i32
    %scan3A_18 = arith.addi %scan3A_16, %scan3A_17 : i32
    %scan3A_19 = arith.constant 1 : i32
    %scan3A_20 = scf.for %scan3A_46 = %scan3A_16 to %scan3A_18 step %scan3A_19 iter_args(%scan3A_47 = %scan3A) -> (i32)  : i32 {
      %swap3A = arith.constant 0 : i32
      %swap3A_48 = arith.index_cast %swap3A : i32 to index
      %swap3A_49 = arith.index_cast %scan3A_46 : i32 to index
      %swap3A_50 = arith.constant 0 : index
      %swap3A_51 = tpu.vector_load %arg8[%swap3A_48, %swap3A_49, %swap3A_50] {strides = array<i32>} : memref<2x128x128xf32, #tpu.memory_space<vmem>>, vector<1x1x16xf32>,
      %swap3A_52 = vector.shape_cast %swap3A_51 : vector<1x1x16xf32> to vector<16xf32>
      %swap3A_53 = vector.shape_cast %broadcast_in_dim3A_15 : vector<16xf32> to vector<1x1x16xf32>
      tpu.vector_store %arg8[%swap3A_48, %swap3A_49, %swap3A_50], %swap3A_53 {strides = array<i32>} : memref<2x128x128xf32, #tpu.memory_space<vmem>>, vector<1x1x16xf32>,
      %swap3A_54 = arith.constant 0 : i32
      %swap3A_55 = arith.index_cast %swap3A_54 : i32 to index
      %swap3A_56 = arith.index_cast %scan3A_46 : i32 to index
      %swap3A_57 = arith.constant 16 : index
      %swap3A_58 = tpu.vector_load %arg8[%swap3A_55, %swap3A_56, %swap3A_57] {strides = array<i32>} : memref<2x128x128xf32, #tpu.memory_space<vmem>>, vector<1x1x16xf32>,
      %swap3A_59 = vector.shape_cast %swap3A_58 : vector<1x1x16xf32> to vector<16xf32>
      %swap3A_60 = vector.shape_cast %broadcast_in_dim3A_15 : vector<16xf32> to vector<1x1x16xf32>
      tpu.vector_store %arg8[%swap3A_55, %swap3A_56, %swap3A_57], %swap3A_60 {strides = array<i32>} : memref<2x128x128xf32, #tpu.memory_space<vmem>>, vector<1x1x16xf32>,
      %swap3A_61 = arith.constant 0 : i32
      %swap3A_62 = arith.index_cast %swap3A_61 : i32 to index
      %swap3A_63 = arith.index_cast %scan3A_46 : i32 to index
      %swap3A_64 = arith.constant 32 : index
      %swap3A_65 = tpu.vector_load %arg8[%swap3A_62, %swap3A_63, %swap3A_64] {strides = array<i32>} : memref<2x128x128xf32, #tpu.memory_space<vmem>>, vector<1x1x16xf32>,
      %swap3A_66 = vector.shape_cast %swap3A_65 : vector<1x1x16xf32> to vector<16xf32>
      %swap3A_67 = vector.shape_cast %broadcast_in_dim3A_15 : vector<16xf32> to vector<1x1x16xf32>
      tpu.vector_store %arg8[%swap3A_62, %swap3A_63, %swap3A_64], %swap3A_67 {strides = array<i32>} : memref<2x128x128xf32, #tpu.memory_space<vmem>>, vector<1x1x16xf32>,
      %swap3A_68 = arith.constant 0 : i32
      %swap3A_69 = arith.index_cast %swap3A_68 : i32 to index
      %swap3A_70 = arith.index_cast %scan3A_46 : i32 to index
      %swap3A_71 = arith.constant 48 : index
      %swap3A_72 = tpu.vector_load %arg8[%swap3A_69, %swap3A_70, %swap3A_71] {strides = array<i32>} : memref<2x128x128xf32, #tpu.memory_space<vmem>>, vector<1x1x16xf32>,
      %swap3A_73 = vector.shape_cast %swap3A_72 : vector<1x1x16xf32> to vector<16xf32>
      %swap3A_74 = vector.shape_cast %broadcast_in_dim3A_15 : vector<16xf32> to vector<1x1x16xf32>
      tpu.vector_store %arg8[%swap3A_69, %swap3A_70, %swap3A_71], %swap3A_74 {strides = array<i32>} : memref<2x128x128xf32, #tpu.memory_space<vmem>>, vector<1x1x16xf32>,
      %swap3A_75 = arith.constant 0 : i32
      %swap3A_76 = arith.index_cast %swap3A_75 : i32 to index
      %swap3A_77 = arith.index_cast %scan3A_46 : i32 to index
      %swap3A_78 = arith.constant 64 : index
      %swap3A_79 = tpu.vector_load %arg8[%swap3A_76, %swap3A_77, %swap3A_78] {strides = array<i32>} : memref<2x128x128xf32, #tpu.memory_space<vmem>>, vector<1x1x16xf32>,
      %swap3A_80 = vector.shape_cast %swap3A_79 : vector<1x1x16xf32> to vector<16xf32>
      %swap3A_81 = vector.shape_cast %broadcast_in_dim3A_15 : vector<16xf32> to vector<1x1x16xf32>
      tpu.vector_store %arg8[%swap3A_76, %swap3A_77, %swap3A_78], %swap3A_81 {strides = array<i32>} : memref<2x128x128xf32, #tpu.memory_space<vmem>>, vector<1x1x16xf32>,
      %swap3A_82 = arith.constant 0 : i32
      %swap3A_83 = arith.index_cast %swap3A_82 : i32 to index
      %swap3A_84 = arith.index_cast %scan3A_46 : i32 to index
      %swap3A_85 = arith.constant 80 : index
      %swap3A_86 = tpu.vector_load %arg8[%swap3A_83, %swap3A_84, %swap3A_85] {strides = array<i32>} : memref<2x128x128xf32, #tpu.memory_space<vmem>>, vector<1x1x16xf32>,
      %swap3A_87 = vector.shape_cast %swap3A_86 : vector<1x1x16xf32> to vector<16xf32>
      %swap3A_88 = vector.shape_cast %broadcast_in_dim3A_15 : vector<16xf32> to vector<1x1x16xf32>
      tpu.vector_store %arg8[%swap3A_83, %swap3A_84, %swap3A_85], %swap3A_88 {strides = array<i32>} : memref<2x128x128xf32, #tpu.memory_space<vmem>>, vector<1x1x16xf32>,
      %swap3A_89 = arith.constant 0 : i32
      %swap3A_90 = arith.index_cast %swap3A_89 : i32 to index
      %swap3A_91 = arith.index_cast %scan3A_46 : i32 to index
      %swap3A_92 = arith.constant 96 : index
      %swap3A_93 = tpu.vector_load %arg8[%swap3A_90, %swap3A_91, %swap3A_92] {strides = array<i32>} : memref<2x128x128xf32, #tpu.memory_space<vmem>>, vector<1x1x16xf32>,
      %swap3A_94 = vector.shape_cast %swap3A_93 : vector<1x1x16xf32> to vector<16xf32>
      %swap3A_95 = vector.shape_cast %broadcast_in_dim3A_15 : vector<16xf32> to vector<1x1x16xf32>
      tpu.vector_store %arg8[%swap3A_90, %swap3A_91, %swap3A_92], %swap3A_95 {strides = array<i32>} : memref<2x128x128xf32, #tpu.memory_space<vmem>>, vector<1x1x16xf32>,
      %swap3A_96 = arith.constant 0 : i32
      %swap3A_97 = arith.index_cast %swap3A_96 : i32 to index
      %swap3A_98 = arith.index_cast %scan3A_46 : i32 to index
      %swap3A_99 = arith.constant 112 : index
      %swap3A_100 = tpu.vector_load %arg8[%swap3A_97, %swap3A_98, %swap3A_99] {strides = array<i32>} : memref<2x128x128xf32, #tpu.memory_space<vmem>>, vector<1x1x16xf32>,
      %swap3A_101 = vector.shape_cast %swap3A_100 : vector<1x1x16xf32> to vector<16xf32>
      %swap3A_102 = vector.shape_cast %broadcast_in_dim3A_15 : vector<16xf32> to vector<1x1x16xf32>
      tpu.vector_store %arg8[%swap3A_97, %swap3A_98, %swap3A_99], %swap3A_102 {strides = array<i32>} : memref<2x128x128xf32, #tpu.memory_space<vmem>>, vector<1x1x16xf32>,
      %scan3A_103 = arith.constant 0 : i32
      scf.yield %scan3A_103 : i32
    }
    %scan3A_21 = arith.constant 128 : i32
    %mul3A_22 = arith.constant 632 : i32
    %mul3A_23 = arith.muli %arg1, %mul3A_22 : i32
    %add3A_24 = arith.constant 0 : i32
    %add3A_25 = arith.addi %mul3A_23, %add3A_24 : i32
    %run_scoped3A = arith.constant 0 : i32
    "tpu.region"() ({
      %run_scoped3A_46 = tpu.sem_alloc : memref<!tpu.dma_semaphore, #tpu.memory_space<semaphore_mem>>
      %dma_start3A = arith.constant 0 : i32
      %dma_start3A_47 = arith.constant 0 : i32
      %dma_start3A_48 = tpu.memref_slice %arg8[%run_scoped3A, %dma_start3A, %dma_start3A_47] : memref<2x128x128xf32, #tpu.memory_space<vmem>> -> memref<1x128x128xf32, #tpu.memory_space<vmem>>
      %dma_start3A_49 = tpu.memref_squeeze %dma_start3A_48 : memref<1x128x128xf32, #tpu.memory_space<vmem>> -> memref<128x128xf32, #tpu.memory_space<vmem>>
      %dma_start3A_50 = arith.constant 0 : i32
      %dma_start3A_51 = tpu.memref_slice %arg9[%add3A_25, %dma_start3A_50] : memref<10112x128xf32, #tpu.memory_space<vmem_shared>> -> memref<128x128xf32, #tpu.memory_space<vmem_shared>>
      %dma_start3A_52 = arith.constant 0 : i32
      %dma_start3A_53 = tpu.memref_slice %arg9[%add3A_25, %dma_start3A_52] : memref<10112x128xf32, #tpu.memory_space<vmem_shared>> -> memref<128x128xf32, #tpu.memory_space<vmem_shared>>
      %dma_start3A_54 = arith.constant 0 : i32
      %dma_start3A_55 = arith.constant 0 : i32
      %dma_start3A_56 = tpu.memref_slice %arg8[%run_scoped3A, %dma_start3A_54, %dma_start3A_55] : memref<2x128x128xf32, #tpu.memory_space<vmem>> -> memref<1x128x128xf32, #tpu.memory_space<vmem>>
      %dma_start3A_57 = tpu.memref_squeeze %dma_start3A_56 : memref<1x128x128xf32, #tpu.memory_space<vmem>> -> memref<128x128xf32, #tpu.memory_space<vmem>>
      tpu.enqueue_dma source(%dma_start3A_57 : memref<128x128xf32, #tpu.memory_space<vmem>>) target(%dma_start3A_53 : memref<128x128xf32, #tpu.memory_space<vmem_shared>>) target_semaphore(%run_scoped3A_46 : memref<!tpu.dma_semaphore, #tpu.memory_space<semaphore_mem>>)
      %dma_wait3A = arith.constant 0 : i32
      %dma_wait3A_58 = arith.constant 0 : i32
      %dma_wait3A_59 = tpu.memref_slice %arg8[%run_scoped3A, %dma_wait3A, %dma_wait3A_58] : memref<2x128x128xf32, #tpu.memory_space<vmem>> -> memref<1x128x128xf32, #tpu.memory_space<vmem>>
      %dma_wait3A_60 = tpu.memref_squeeze %dma_wait3A_59 : memref<1x128x128xf32, #tpu.memory_space<vmem>> -> memref<128x128xf32, #tpu.memory_space<vmem>>
      %dma_wait3A_61 = arith.constant 0 : i32
      %dma_wait3A_62 = tpu.memref_slice %arg9[%add3A_25, %dma_wait3A_61] : memref<10112x128xf32, #tpu.memory_space<vmem_shared>> -> memref<128x128xf32, #tpu.memory_space<vmem_shared>>
      %dma_wait3A_63 = arith.constant 0 : i32
      %dma_wait3A_64 = tpu.memref_slice %arg9[%add3A_25, %dma_wait3A_63] : memref<10112x128xf32, #tpu.memory_space<vmem_shared>> -> memref<128x128xf32, #tpu.memory_space<vmem_shared>>
      %dma_wait3A_65 = arith.constant 0 : i32
      %dma_wait3A_66 = arith.constant 0 : i32
      %dma_wait3A_67 = tpu.memref_slice %arg8[%run_scoped3A, %dma_wait3A_65, %dma_wait3A_66] : memref<2x128x128xf32, #tpu.memory_space<vmem>> -> memref<1x128x128xf32, #tpu.memory_space<vmem>>
      %dma_wait3A_68 = tpu.memref_squeeze %dma_wait3A_67 : memref<1x128x128xf32, #tpu.memory_space<vmem>> -> memref<128x128xf32, #tpu.memory_space<vmem>>
      tpu.wait_dma2 semaphore(%run_scoped3A_46 : memref<!tpu.dma_semaphore, #tpu.memory_space<semaphore_mem>>) src(%dma_wait3A_68 : memref<128x128xf32, #tpu.memory_space<vmem>>) dst(%dma_wait3A_64 : memref<128x128xf32, #tpu.memory_space<vmem_shared>>)
      tpu.yield
    }) : () -> ()
    %add3A_26 = arith.constant 128 : i32
    %add3A_27 = arith.addi %mul3A_23, %add3A_26 : i32
    %run_scoped3A_28 = arith.constant 0 : i32
    "tpu.region"() ({
      %run_scoped3A_46 = tpu.sem_alloc : memref<!tpu.dma_semaphore, #tpu.memory_space<semaphore_mem>>
      %dma_start3A = arith.constant 0 : i32
      %dma_start3A_47 = arith.constant 0 : i32
      %dma_start3A_48 = tpu.memref_slice %arg8[%run_scoped3A_28, %dma_start3A, %dma_start3A_47] : memref<2x128x128xf32, #tpu.memory_space<vmem>> -> memref<1x128x128xf32, #tpu.memory_space<vmem>>
      %dma_start3A_49 = tpu.memref_squeeze %dma_start3A_48 : memref<1x128x128xf32, #tpu.memory_space<vmem>> -> memref<128x128xf32, #tpu.memory_space<vmem>>
      %dma_start3A_50 = arith.constant 0 : i32
      %dma_start3A_51 = tpu.memref_slice %arg9[%add3A_27, %dma_start3A_50] : memref<10112x128xf32, #tpu.memory_space<vmem_shared>> -> memref<128x128xf32, #tpu.memory_space<vmem_shared>>
      %dma_start3A_52 = arith.constant 0 : i32
      %dma_start3A_53 = tpu.memref_slice %arg9[%add3A_27, %dma_start3A_52] : memref<10112x128xf32, #tpu.memory_space<vmem_shared>> -> memref<128x128xf32, #tpu.memory_space<vmem_shared>>
      %dma_start3A_54 = arith.constant 0 : i32
      %dma_start3A_55 = arith.constant 0 : i32
      %dma_start3A_56 = tpu.memref_slice %arg8[%run_scoped3A_28, %dma_start3A_54, %dma_start3A_55] : memref<2x128x128xf32, #tpu.memory_space<vmem>> -> memref<1x128x128xf32, #tpu.memory_space<vmem>>
      %dma_start3A_57 = tpu.memref_squeeze %dma_start3A_56 : memref<1x128x128xf32, #tpu.memory_space<vmem>> -> memref<128x128xf32, #tpu.memory_space<vmem>>
      tpu.enqueue_dma source(%dma_start3A_57 : memref<128x128xf32, #tpu.memory_space<vmem>>) target(%dma_start3A_53 : memref<128x128xf32, #tpu.memory_space<vmem_shared>>) target_semaphore(%run_scoped3A_46 : memref<!tpu.dma_semaphore, #tpu.memory_space<semaphore_mem>>)
      %dma_wait3A = arith.constant 0 : i32
      %dma_wait3A_58 = arith.constant 0 : i32
      %dma_wait3A_59 = tpu.memref_slice %arg8[%run_scoped3A_28, %dma_wait3A, %dma_wait3A_58] : memref<2x128x128xf32, #tpu.memory_space<vmem>> -> memref<1x128x128xf32, #tpu.memory_space<vmem>>
      %dma_wait3A_60 = tpu.memref_squeeze %dma_wait3A_59 : memref<1x128x128xf32, #tpu.memory_space<vmem>> -> memref<128x128xf32, #tpu.memory_space<vmem>>
      %dma_wait3A_61 = arith.constant 0 : i32
      %dma_wait3A_62 = tpu.memref_slice %arg9[%add3A_27, %dma_wait3A_61] : memref<10112x128xf32, #tpu.memory_space<vmem_shared>> -> memref<128x128xf32, #tpu.memory_space<vmem_shared>>
      %dma_wait3A_63 = arith.constant 0 : i32
      %dma_wait3A_64 = tpu.memref_slice %arg9[%add3A_27, %dma_wait3A_63] : memref<10112x128xf32, #tpu.memory_space<vmem_shared>> -> memref<128x128xf32, #tpu.memory_space<vmem_shared>>
      %dma_wait3A_65 = arith.constant 0 : i32
      %dma_wait3A_66 = arith.constant 0 : i32
      %dma_wait3A_67 = tpu.memref_slice %arg8[%run_scoped3A_28, %dma_wait3A_65, %dma_wait3A_66] : memref<2x128x128xf32, #tpu.memory_space<vmem>> -> memref<1x128x128xf32, #tpu.memory_space<vmem>>
      %dma_wait3A_68 = tpu.memref_squeeze %dma_wait3A_67 : memref<1x128x128xf32, #tpu.memory_space<vmem>> -> memref<128x128xf32, #tpu.memory_space<vmem>>
      tpu.wait_dma2 semaphore(%run_scoped3A_46 : memref<!tpu.dma_semaphore, #tpu.memory_space<semaphore_mem>>) src(%dma_wait3A_68 : memref<128x128xf32, #tpu.memory_space<vmem>>) dst(%dma_wait3A_64 : memref<128x128xf32, #tpu.memory_space<vmem_shared>>)
      tpu.yield
    }) : () -> ()
    %add3A_29 = arith.constant 256 : i32
    %add3A_30 = arith.addi %mul3A_23, %add3A_29 : i32
    %run_scoped3A_31 = arith.constant 0 : i32
    "tpu.region"() ({
      %run_scoped3A_46 = tpu.sem_alloc : memref<!tpu.dma_semaphore, #tpu.memory_space<semaphore_mem>>
      %dma_start3A = arith.constant 0 : i32
      %dma_start3A_47 = arith.constant 0 : i32
      %dma_start3A_48 = tpu.memref_slice %arg8[%run_scoped3A_31, %dma_start3A, %dma_start3A_47] : memref<2x128x128xf32, #tpu.memory_space<vmem>> -> memref<1x128x128xf32, #tpu.memory_space<vmem>>
      %dma_start3A_49 = tpu.memref_squeeze %dma_start3A_48 : memref<1x128x128xf32, #tpu.memory_space<vmem>> -> memref<128x128xf32, #tpu.memory_space<vmem>>
      %dma_start3A_50 = arith.constant 0 : i32
      %dma_start3A_51 = tpu.memref_slice %arg9[%add3A_30, %dma_start3A_50] : memref<10112x128xf32, #tpu.memory_space<vmem_shared>> -> memref<128x128xf32, #tpu.memory_space<vmem_shared>>
      %dma_start3A_52 = arith.constant 0 : i32
      %dma_start3A_53 = tpu.memref_slice %arg9[%add3A_30, %dma_start3A_52] : memref<10112x128xf32, #tpu.memory_space<vmem_shared>> -> memref<128x128xf32, #tpu.memory_space<vmem_shared>>
      %dma_start3A_54 = arith.constant 0 : i32
      %dma_start3A_55 = arith.constant 0 : i32
      %dma_start3A_56 = tpu.memref_slice %arg8[%run_scoped3A_31, %dma_start3A_54, %dma_start3A_55] : memref<2x128x128xf32, #tpu.memory_space<vmem>> -> memref<1x128x128xf32, #tpu.memory_space<vmem>>
      %dma_start3A_57 = tpu.memref_squeeze %dma_start3A_56 : memref<1x128x128xf32, #tpu.memory_space<vmem>> -> memref<128x128xf32, #tpu.memory_space<vmem>>
      tpu.enqueue_dma source(%dma_start3A_57 : memref<128x128xf32, #tpu.memory_space<vmem>>) target(%dma_start3A_53 : memref<128x128xf32, #tpu.memory_space<vmem_shared>>) target_semaphore(%run_scoped3A_46 : memref<!tpu.dma_semaphore, #tpu.memory_space<semaphore_mem>>)
      %dma_wait3A = arith.constant 0 : i32
      %dma_wait3A_58 = arith.constant 0 : i32
      %dma_wait3A_59 = tpu.memref_slice %arg8[%run_scoped3A_31, %dma_wait3A, %dma_wait3A_58] : memref<2x128x128xf32, #tpu.memory_space<vmem>> -> memref<1x128x128xf32, #tpu.memory_space<vmem>>
      %dma_wait3A_60 = tpu.memref_squeeze %dma_wait3A_59 : memref<1x128x128xf32, #tpu.memory_space<vmem>> -> memref<128x128xf32, #tpu.memory_space<vmem>>
      %dma_wait3A_61 = arith.constant 0 : i32
      %dma_wait3A_62 = tpu.memref_slice %arg9[%add3A_30, %dma_wait3A_61] : memref<10112x128xf32, #tpu.memory_space<vmem_shared>> -> memref<128x128xf32, #tpu.memory_space<vmem_shared>>
      %dma_wait3A_63 = arith.constant 0 : i32
      %dma_wait3A_64 = tpu.memref_slice %arg9[%add3A_30, %dma_wait3A_63] : memref<10112x128xf32, #tpu.memory_space<vmem_shared>> -> memref<128x128xf32, #tpu.memory_space<vmem_shared>>
      %dma_wait3A_65 = arith.constant 0 : i32
      %dma_wait3A_66 = arith.constant 0 : i32
      %dma_wait3A_67 = tpu.memref_slice %arg8[%run_scoped3A_31, %dma_wait3A_65, %dma_wait3A_66] : memref<2x128x128xf32, #tpu.memory_space<vmem>> -> memref<1x128x128xf32, #tpu.memory_space<vmem>>
      %dma_wait3A_68 = tpu.memref_squeeze %dma_wait3A_67 : memref<1x128x128xf32, #tpu.memory_space<vmem>> -> memref<128x128xf32, #tpu.memory_space<vmem>>
      tpu.wait_dma2 semaphore(%run_scoped3A_46 : memref<!tpu.dma_semaphore, #tpu.memory_space<semaphore_mem>>) src(%dma_wait3A_68 : memref<128x128xf32, #tpu.memory_space<vmem>>) dst(%dma_wait3A_64 : memref<128x128xf32, #tpu.memory_space<vmem_shared>>)
      tpu.yield
    }) : () -> ()
    %add3A_32 = arith.constant 384 : i32
    %add3A_33 = arith.addi %mul3A_23, %add3A_32 : i32
    %run_scoped3A_34 = arith.constant 0 : i32
    "tpu.region"() ({
      %run_scoped3A_46 = tpu.sem_alloc : memref<!tpu.dma_semaphore, #tpu.memory_space<semaphore_mem>>
      %dma_start3A = arith.constant 0 : i32
      %dma_start3A_47 = arith.constant 0 : i32
      %dma_start3A_48 = tpu.memref_slice %arg8[%run_scoped3A_34, %dma_start3A, %dma_start3A_47] : memref<2x128x128xf32, #tpu.memory_space<vmem>> -> memref<1x128x128xf32, #tpu.memory_space<vmem>>
      %dma_start3A_49 = tpu.memref_squeeze %dma_start3A_48 : memref<1x128x128xf32, #tpu.memory_space<vmem>> -> memref<128x128xf32, #tpu.memory_space<vmem>>
      %dma_start3A_50 = arith.constant 0 : i32
      %dma_start3A_51 = tpu.memref_slice %arg9[%add3A_33, %dma_start3A_50] : memref<10112x128xf32, #tpu.memory_space<vmem_shared>> -> memref<128x128xf32, #tpu.memory_space<vmem_shared>>
      %dma_start3A_52 = arith.constant 0 : i32
      %dma_start3A_53 = tpu.memref_slice %arg9[%add3A_33, %dma_start3A_52] : memref<10112x128xf32, #tpu.memory_space<vmem_shared>> -> memref<128x128xf32, #tpu.memory_space<vmem_shared>>
      %dma_start3A_54 = arith.constant 0 : i32
      %dma_start3A_55 = arith.constant 0 : i32
      %dma_start3A_56 = tpu.memref_slice %arg8[%run_scoped3A_34, %dma_start3A_54, %dma_start3A_55] : memref<2x128x128xf32, #tpu.memory_space<vmem>> -> memref<1x128x128xf32, #tpu.memory_space<vmem>>
      %dma_start3A_57 = tpu.memref_squeeze %dma_start3A_56 : memref<1x128x128xf32, #tpu.memory_space<vmem>> -> memref<128x128xf32, #tpu.memory_space<vmem>>
      tpu.enqueue_dma source(%dma_start3A_57 : memref<128x128xf32, #tpu.memory_space<vmem>>) target(%dma_start3A_53 : memref<128x128xf32, #tpu.memory_space<vmem_shared>>) target_semaphore(%run_scoped3A_46 : memref<!tpu.dma_semaphore, #tpu.memory_space<semaphore_mem>>)
      %dma_wait3A = arith.constant 0 : i32
      %dma_wait3A_58 = arith.constant 0 : i32
      %dma_wait3A_59 = tpu.memref_slice %arg8[%run_scoped3A_34, %dma_wait3A, %dma_wait3A_58] : memref<2x128x128xf32, #tpu.memory_space<vmem>> -> memref<1x128x128xf32, #tpu.memory_space<vmem>>
      %dma_wait3A_60 = tpu.memref_squeeze %dma_wait3A_59 : memref<1x128x128xf32, #tpu.memory_space<vmem>> -> memref<128x128xf32, #tpu.memory_space<vmem>>
      %dma_wait3A_61 = arith.constant 0 : i32
      %dma_wait3A_62 = tpu.memref_slice %arg9[%add3A_33, %dma_wait3A_61] : memref<10112x128xf32, #tpu.memory_space<vmem_shared>> -> memref<128x128xf32, #tpu.memory_space<vmem_shared>>
      %dma_wait3A_63 = arith.constant 0 : i32
      %dma_wait3A_64 = tpu.memref_slice %arg9[%add3A_33, %dma_wait3A_63] : memref<10112x128xf32, #tpu.memory_space<vmem_shared>> -> memref<128x128xf32, #tpu.memory_space<vmem_shared>>
      %dma_wait3A_65 = arith.constant 0 : i32
      %dma_wait3A_66 = arith.constant 0 : i32
      %dma_wait3A_67 = tpu.memref_slice %arg8[%run_scoped3A_34, %dma_wait3A_65, %dma_wait3A_66] : memref<2x128x128xf32, #tpu.memory_space<vmem>> -> memref<1x128x128xf32, #tpu.memory_space<vmem>>
      %dma_wait3A_68 = tpu.memref_squeeze %dma_wait3A_67 : memref<1x128x128xf32, #tpu.memory_space<vmem>> -> memref<128x128xf32, #tpu.memory_space<vmem>>
      tpu.wait_dma2 semaphore(%run_scoped3A_46 : memref<!tpu.dma_semaphore, #tpu.memory_space<semaphore_mem>>) src(%dma_wait3A_68 : memref<128x128xf32, #tpu.memory_space<vmem>>) dst(%dma_wait3A_64 : memref<128x128xf32, #tpu.memory_space<vmem_shared>>)
      tpu.yield
    }) : () -> ()
    %add3A_35 = arith.constant 512 : i32
    %add3A_36 = arith.addi %mul3A_23, %add3A_35 : i32
    %run_scoped3A_37 = arith.constant 0 : i32
    "tpu.region"() ({
      %run_scoped3A_46 = tpu.sem_alloc : memref<!tpu.dma_semaphore, #tpu.memory_space<semaphore_mem>>
      %dma_start3A = arith.constant 0 : i32
      %dma_start3A_47 = arith.constant 0 : i32
      %dma_start3A_48 = tpu.memref_slice %arg8[%run_scoped3A_37, %dma_start3A, %dma_start3A_47] : memref<2x128x128xf32, #tpu.memory_space<vmem>> -> memref<1x120x128xf32, #tpu.memory_space<vmem>>
      %dma_start3A_49 = tpu.memref_squeeze %dma_start3A_48 : memref<1x120x128xf32, #tpu.memory_space<vmem>> -> memref<120x128xf32, #tpu.memory_space<vmem>>
      %dma_start3A_50 = arith.constant 0 : i32
      %dma_start3A_51 = tpu.memref_slice %arg9[%add3A_36, %dma_start3A_50] : memref<10112x128xf32, #tpu.memory_space<vmem_shared>> -> memref<120x128xf32, #tpu.memory_space<vmem_shared>>
      %dma_start3A_52 = arith.constant 0 : i32
      %dma_start3A_53 = tpu.memref_slice %arg9[%add3A_36, %dma_start3A_52] : memref<10112x128xf32, #tpu.memory_space<vmem_shared>> -> memref<120x128xf32, #tpu.memory_space<vmem_shared>>
      %dma_start3A_54 = arith.constant 0 : i32
      %dma_start3A_55 = arith.constant 0 : i32
      %dma_start3A_56 = tpu.memref_slice %arg8[%run_scoped3A_37, %dma_start3A_54, %dma_start3A_55] : memref<2x128x128xf32, #tpu.memory_space<vmem>> -> memref<1x120x128xf32, #tpu.memory_space<vmem>>
      %dma_start3A_57 = tpu.memref_squeeze %dma_start3A_56 : memref<1x120x128xf32, #tpu.memory_space<vmem>> -> memref<120x128xf32, #tpu.memory_space<vmem>>
      tpu.enqueue_dma source(%dma_start3A_57 : memref<120x128xf32, #tpu.memory_space<vmem>>) target(%dma_start3A_53 : memref<120x128xf32, #tpu.memory_space<vmem_shared>>) target_semaphore(%run_scoped3A_46 : memref<!tpu.dma_semaphore, #tpu.memory_space<semaphore_mem>>)
      %dma_wait3A = arith.constant 0 : i32
      %dma_wait3A_58 = arith.constant 0 : i32
      %dma_wait3A_59 = tpu.memref_slice %arg8[%run_scoped3A_37, %dma_wait3A, %dma_wait3A_58] : memref<2x128x128xf32, #tpu.memory_space<vmem>> -> memref<1x120x128xf32, #tpu.memory_space<vmem>>
      %dma_wait3A_60 = tpu.memref_squeeze %dma_wait3A_59 : memref<1x120x128xf32, #tpu.memory_space<vmem>> -> memref<120x128xf32, #tpu.memory_space<vmem>>
      %dma_wait3A_61 = arith.constant 0 : i32
      %dma_wait3A_62 = tpu.memref_slice %arg9[%add3A_36, %dma_wait3A_61] : memref<10112x128xf32, #tpu.memory_space<vmem_shared>> -> memref<120x128xf32, #tpu.memory_space<vmem_shared>>
      %dma_wait3A_63 = arith.constant 0 : i32
      %dma_wait3A_64 = tpu.memref_slice %arg9[%add3A_36, %dma_wait3A_63] : memref<10112x128xf32, #tpu.memory_space<vmem_shared>> -> memref<120x128xf32, #tpu.memory_space<vmem_shared>>
      %dma_wait3A_65 = arith.constant 0 : i32
      %dma_wait3A_66 = arith.constant 0 : i32
      %dma_wait3A_67 = tpu.memref_slice %arg8[%run_scoped3A_37, %dma_wait3A_65, %dma_wait3A_66] : memref<2x128x128xf32, #tpu.memory_space<vmem>> -> memref<1x120x128xf32, #tpu.memory_space<vmem>>
      %dma_wait3A_68 = tpu.memref_squeeze %dma_wait3A_67 : memref<1x120x128xf32, #tpu.memory_space<vmem>> -> memref<120x128xf32, #tpu.memory_space<vmem>>
      tpu.wait_dma2 semaphore(%run_scoped3A_46 : memref<!tpu.dma_semaphore, #tpu.memory_space<semaphore_mem>>) src(%dma_wait3A_68 : memref<120x128xf32, #tpu.memory_space<vmem>>) dst(%dma_wait3A_64 : memref<120x128xf32, #tpu.memory_space<vmem_shared>>)
      tpu.yield
    }) : () -> ()
    %barrier3A = arith.constant 0 : index
    tpu.barrier barrier_id(%barrier3A)
    %scan3A_38 = arith.constant 0 : i32
    %scan3A_39 = arith.constant 0 : i32
    %scan3A_40 = arith.constant 9 : i32
    %scan3A_41 = arith.addi %scan3A_39, %scan3A_40 : i32
    %scan3A_42 = arith.constant 1 : i32
    %scan3A_43 = scf.for %scan3A_46 = %scan3A_39 to %scan3A_41 step %scan3A_42 iter_args(%scan3A_47 = %scan3A_38) -> (i32)  : i32 {
      %lt3A = arith.cmpi slt, %scan3A_46, %add3A_14 : i32
      %convert_element_type3A = arith.extui %lt3A : i1 to i32
      %cond3A = arith.constant 0 : i32
      %cond3A_48 = arith.cmpi ne, %convert_element_type3A, %cond3A : i32
      scf.if %cond3A_48 {
        %mul3A_50 = arith.constant 16 : i32
        %mul3A_51 = arith.muli %scan3A_46, %mul3A_50 : i32
        %add3A_52 = arith.addi %add3A_7, %mul3A_51 : i32
        %multiple_of3A = tpu.assume_multiple %add3A_52, 16 : i32
        "tpu.region"() ({
          %run_scoped3A_71 = tpu.sem_alloc : memref<!tpu.dma_semaphore, #tpu.memory_space<semaphore_mem>>
          %dma_start3A_72 = arith.constant 0 : i32
          %dma_start3A_73 = tpu.memref_slice %arg3[%multiple_of3A, %dma_start3A_72] : memref<2560x128xi32, #tpu.memory_space<hbm>> -> memref<16x128xi32, #tpu.memory_space<hbm>>
          %dma_start3A_74 = arith.constant 0 : i32
          %dma_start3A_75 = tpu.memref_slice %arg3[%multiple_of3A, %dma_start3A_74] : memref<2560x128xi32, #tpu.memory_space<hbm>> -> memref<16x128xi32, #tpu.memory_space<hbm>>
          tpu.enqueue_dma source(%dma_start3A_75 : memref<16x128xi32, #tpu.memory_space<hbm>>) target(%arg6 : memref<16x128xi32, #tpu.memory_space<vmem>>) target_semaphore(%run_scoped3A_71 : memref<!tpu.dma_semaphore, #tpu.memory_space<semaphore_mem>>)
          %dma_wait3A = arith.constant 0 : i32
          %dma_wait3A_76 = tpu.memref_slice %arg3[%multiple_of3A, %dma_wait3A] : memref<2560x128xi32, #tpu.memory_space<hbm>> -> memref<16x128xi32, #tpu.memory_space<hbm>>
          %dma_wait3A_77 = arith.constant 0 : i32
          %dma_wait3A_78 = tpu.memref_slice %arg3[%multiple_of3A, %dma_wait3A_77] : memref<2560x128xi32, #tpu.memory_space<hbm>> -> memref<16x128xi32, #tpu.memory_space<hbm>>
          tpu.wait_dma2 semaphore(%run_scoped3A_71 : memref<!tpu.dma_semaphore, #tpu.memory_space<semaphore_mem>>) src(%dma_wait3A_78 : memref<16x128xi32, #tpu.memory_space<hbm>>) dst(%arg6 : memref<16x128xi32, #tpu.memory_space<vmem>>)
          tpu.yield
        }) : () -> ()
        "tpu.region"() ({
          %run_scoped3A_71 = tpu.sem_alloc : memref<!tpu.dma_semaphore, #tpu.memory_space<semaphore_mem>>
          %dma_start3A_72 = arith.constant 0 : i32
          %dma_start3A_73 = tpu.memref_slice %arg4[%multiple_of3A, %dma_start3A_72] : memref<2560x128xi32, #tpu.memory_space<hbm>> -> memref<16x128xi32, #tpu.memory_space<hbm>>
          %dma_start3A_74 = arith.constant 0 : i32
          %dma_start3A_75 = tpu.memref_slice %arg4[%multiple_of3A, %dma_start3A_74] : memref<2560x128xi32, #tpu.memory_space<hbm>> -> memref<16x128xi32, #tpu.memory_space<hbm>>
          tpu.enqueue_dma source(%dma_start3A_75 : memref<16x128xi32, #tpu.memory_space<hbm>>) target(%arg7 : memref<16x128xi32, #tpu.memory_space<vmem>>) target_semaphore(%run_scoped3A_71 : memref<!tpu.dma_semaphore, #tpu.memory_space<semaphore_mem>>)
          %dma_wait3A = arith.constant 0 : i32
          %dma_wait3A_76 = tpu.memref_slice %arg4[%multiple_of3A, %dma_wait3A] : memref<2560x128xi32, #tpu.memory_space<hbm>> -> memref<16x128xi32, #tpu.memory_space<hbm>>
          %dma_wait3A_77 = arith.constant 0 : i32
          %dma_wait3A_78 = tpu.memref_slice %arg4[%multiple_of3A, %dma_wait3A_77] : memref<2560x128xi32, #tpu.memory_space<hbm>> -> memref<16x128xi32, #tpu.memory_space<hbm>>
          tpu.wait_dma2 semaphore(%run_scoped3A_71 : memref<!tpu.dma_semaphore, #tpu.memory_space<semaphore_mem>>) src(%dma_wait3A_78 : memref<16x128xi32, #tpu.memory_space<hbm>>) dst(%arg7 : memref<16x128xi32, #tpu.memory_space<vmem>>)
          tpu.yield
        }) : () -> ()
        %dma_start3A = arith.constant 0 : i32
        %dma_start3A_53 = arith.constant 0 : i32
        %dma_start3A_54 = arith.constant 0 : i32
        %dma_start3A_55 = arith.constant 0 : i32
        %dma_start3A_56 = tpu.memref_slice %arg8[%dma_start3A_53, %dma_start3A_54, %dma_start3A_55] : memref<2x128x128xf32, #tpu.memory_space<vmem>> -> memref<1x128x128xf32, #tpu.memory_space<vmem>>
        %dma_start3A_57 = tpu.memref_squeeze %dma_start3A_56 : memref<1x128x128xf32, #tpu.memory_space<vmem>> -> memref<128x128xf32, #tpu.memory_space<vmem>>
        %dma_start3A_58 = arith.constant 0 : i32
        %dma_start3A_59 = tpu.memref_slice %arg6[%dma_start3A, %dma_start3A_58] : memref<16x128xi32, #tpu.memory_space<vmem>> -> memref<1x128xi32, #tpu.memory_space<vmem>>
        %dma_start3A_60 = tpu.memref_squeeze %dma_start3A_59 : memref<1x128xi32, #tpu.memory_space<vmem>> -> memref<128xi32, #tpu.memory_space<vmem>>
        %dma_start3A_61 = arith.constant 0 : i32
        %dma_start3A_62 = arith.constant 0 : i32
        %dma_start3A_63 = tpu.memref_slice %arg2[%dma_start3A_61, %dma_start3A_62] : memref<10000x128xf32, #tpu.memory_space<hbm>> -> memref<10000x128xf32, #tpu.memory_space<hbm>>
        tpu.enqueue_indirect_dma source(%dma_start3A_63 : memref<10000x128xf32, #tpu.memory_space<hbm>>) target(%dma_start3A_57 : memref<128x128xf32, #tpu.memory_space<vmem>>) offsets(%dma_start3A_60 : memref<128xi32, #tpu.memory_space<vmem>>) semaphore(%arg10 : memref<!tpu.dma_semaphore, #tpu.memory_space<semaphore_mem>>)
        %scan3A_64 = arith.constant 0 : i32
        %scan3A_65 = arith.constant 0 : i32
        %scan3A_66 = arith.constant 16 : i32
        %scan3A_67 = arith.addi %scan3A_65, %scan3A_66 : i32
        %scan3A_68 = arith.constant 1 : i32
        %scan3A_69 = scf.for %scan3A_71 = %scan3A_65 to %scan3A_67 step %scan3A_68 iter_args(%scan3A_72 = %scan3A_64) -> (i32)  : i32 {
          %rem3A = arith.constant 2 : i32
          %rem3A_73 = arith.remsi %scan3A_71, %rem3A : i32
          %dma_wait3A = arith.constant 0 : i32
          %dma_wait3A_74 = arith.constant 0 : i32
          %dma_wait3A_75 = tpu.memref_slice %arg8[%rem3A_73, %dma_wait3A, %dma_wait3A_74] : memref<2x128x128xf32, #tpu.memory_space<vmem>> -> memref<1x128x128xf32, #tpu.memory_space<vmem>>
          %dma_wait3A_76 = tpu.memref_squeeze %dma_wait3A_75 : memref<1x128x128xf32, #tpu.memory_space<vmem>> -> memref<128x128xf32, #tpu.memory_space<vmem>>
          %dma_wait3A_77 = arith.constant 0 : i32
          %dma_wait3A_78 = tpu.memref_slice %arg6[%scan3A_71, %dma_wait3A_77] : memref<16x128xi32, #tpu.memory_space<vmem>> -> memref<1x128xi32, #tpu.memory_space<vmem>>
          %dma_wait3A_79 = tpu.memref_squeeze %dma_wait3A_78 : memref<1x128xi32, #tpu.memory_space<vmem>> -> memref<128xi32, #tpu.memory_space<vmem>>
          %dma_wait3A_80 = arith.constant 0 : i32
          %dma_wait3A_81 = arith.constant 0 : i32
          %dma_wait3A_82 = tpu.memref_slice %arg2[%dma_wait3A_80, %dma_wait3A_81] : memref<10000x128xf32, #tpu.memory_space<hbm>> -> memref<10000x128xf32, #tpu.memory_space<hbm>>
          tpu.wait_indirect_dma semaphore(%arg10 : memref<!tpu.dma_semaphore, #tpu.memory_space<semaphore_mem>>) src(%dma_wait3A_82 : memref<10000x128xf32, #tpu.memory_space<hbm>>) dst(%dma_wait3A_76 : memref<128x128xf32, #tpu.memory_space<vmem>>)
          %add3A_83 = arith.constant 1 : i32
          %add3A_84 = arith.addi %scan3A_71, %add3A_83 : i32
          %lt3A_85 = arith.constant 16 : i32
          %lt3A_86 = arith.cmpi slt, %add3A_84, %lt3A_85 : i32
          %convert_element_type3A_87 = arith.extui %lt3A_86 : i1 to i32
          %cond3A_88 = arith.constant 0 : i32
          %cond3A_89 = arith.cmpi ne, %convert_element_type3A_87, %cond3A_88 : i32
          scf.if %cond3A_89 {
            %add3A_91 = arith.constant 1 : i32
            %add3A_92 = arith.addi %scan3A_71, %add3A_91 : i32
            %add3A_93 = arith.constant 1 : i32
            %add3A_94 = arith.addi %scan3A_71, %add3A_93 : i32
            %rem3A_95 = arith.constant 2 : i32
            %rem3A_96 = arith.remsi %add3A_94, %rem3A_95 : i32
            %dma_start3A_97 = arith.constant 0 : i32
            %dma_start3A_98 = arith.constant 0 : i32
            %dma_start3A_99 = tpu.memref_slice %arg8[%rem3A_96, %dma_start3A_97, %dma_start3A_98] : memref<2x128x128xf32, #tpu.memory_space<vmem>> -> memref<1x128x128xf32, #tpu.memory_space<vmem>>
            %dma_start3A_100 = tpu.memref_squeeze %dma_start3A_99 : memref<1x128x128xf32, #tpu.memory_space<vmem>> -> memref<128x128xf32, #tpu.memory_space<vmem>>
            %dma_start3A_101 = arith.constant 0 : i32
            %dma_start3A_102 = tpu.memref_slice %arg6[%add3A_92, %dma_start3A_101] : memref<16x128xi32, #tpu.memory_space<vmem>> -> memref<1x128xi32, #tpu.memory_space<vmem>>
            %dma_start3A_103 = tpu.memref_squeeze %dma_start3A_102 : memref<1x128xi32, #tpu.memory_space<vmem>> -> memref<128xi32, #tpu.memory_space<vmem>>
            %dma_start3A_104 = arith.constant 0 : i32
            %dma_start3A_105 = arith.constant 0 : i32
            %dma_start3A_106 = tpu.memref_slice %arg2[%dma_start3A_104, %dma_start3A_105] : memref<10000x128xf32, #tpu.memory_space<hbm>> -> memref<10000x128xf32, #tpu.memory_space<hbm>>
            tpu.enqueue_indirect_dma source(%dma_start3A_106 : memref<10000x128xf32, #tpu.memory_space<hbm>>) target(%dma_start3A_100 : memref<128x128xf32, #tpu.memory_space<vmem>>) offsets(%dma_start3A_103 : memref<128xi32, #tpu.memory_space<vmem>>) semaphore(%arg10 : memref<!tpu.dma_semaphore, #tpu.memory_space<semaphore_mem>>)
          } else {
          }
          "tpu.region"() ({
            %run_scoped3A_91 = tpu.sem_alloc : memref<!tpu.dma_semaphore, #tpu.memory_space<semaphore_mem>>
            %dma_start3A_92 = arith.constant 0 : i32
            %dma_start3A_93 = arith.constant 0 : i32
            %dma_start3A_94 = tpu.memref_slice %arg8[%rem3A_73, %dma_start3A_92, %dma_start3A_93] : memref<2x128x128xf32, #tpu.memory_space<vmem>> -> memref<1x128x128xf32, #tpu.memory_space<vmem>>
            %dma_start3A_95 = tpu.memref_squeeze %dma_start3A_94 : memref<1x128x128xf32, #tpu.memory_space<vmem>> -> memref<128x128xf32, #tpu.memory_space<vmem>>
            %dma_start3A_96 = arith.constant 0 : i32
            %dma_start3A_97 = tpu.memref_slice %arg7[%scan3A_71, %dma_start3A_96] : memref<16x128xi32, #tpu.memory_space<vmem>> -> memref<1x128xi32, #tpu.memory_space<vmem>>
            %dma_start3A_98 = tpu.memref_squeeze %dma_start3A_97 : memref<1x128xi32, #tpu.memory_space<vmem>> -> memref<128xi32, #tpu.memory_space<vmem>>
            %dma_start3A_99 = arith.constant 0 : i32
            %dma_start3A_100 = arith.constant 0 : i32
            %dma_start3A_101 = tpu.memref_slice %arg9[%dma_start3A_99, %dma_start3A_100] : memref<10112x128xf32, #tpu.memory_space<vmem_shared>> -> memref<10112x128xf32, #tpu.memory_space<vmem_shared>>
            tpu.enqueue_indirect_dma source(%dma_start3A_95 : memref<128x128xf32, #tpu.memory_space<vmem>>) target(%dma_start3A_101 : memref<10112x128xf32, #tpu.memory_space<vmem_shared>>) offsets(%dma_start3A_98 : memref<128xi32, #tpu.memory_space<vmem>>) semaphore(%run_scoped3A_91 : memref<!tpu.dma_semaphore, #tpu.memory_space<semaphore_mem>>) {add = true}
            %dma_wait3A_102 = arith.constant 0 : i32
            %dma_wait3A_103 = arith.constant 0 : i32
            %dma_wait3A_104 = tpu.memref_slice %arg8[%rem3A_73, %dma_wait3A_102, %dma_wait3A_103] : memref<2x128x128xf32, #tpu.memory_space<vmem>> -> memref<1x128x128xf32, #tpu.memory_space<vmem>>
            %dma_wait3A_105 = tpu.memref_squeeze %dma_wait3A_104 : memref<1x128x128xf32, #tpu.memory_space<vmem>> -> memref<128x128xf32, #tpu.memory_space<vmem>>
            %dma_wait3A_106 = arith.constant 0 : i32
            %dma_wait3A_107 = tpu.memref_slice %arg7[%scan3A_71, %dma_wait3A_106] : memref<16x128xi32, #tpu.memory_space<vmem>> -> memref<1x128xi32, #tpu.memory_space<vmem>>
            %dma_wait3A_108 = tpu.memref_squeeze %dma_wait3A_107 : memref<1x128xi32, #tpu.memory_space<vmem>> -> memref<128xi32, #tpu.memory_space<vmem>>
            %dma_wait3A_109 = arith.constant 0 : i32
            %dma_wait3A_110 = arith.constant 0 : i32
            %dma_wait3A_111 = tpu.memref_slice %arg9[%dma_wait3A_109, %dma_wait3A_110] : memref<10112x128xf32, #tpu.memory_space<vmem_shared>> -> memref<10112x128xf32, #tpu.memory_space<vmem_shared>>
            tpu.wait_indirect_dma semaphore(%run_scoped3A_91 : memref<!tpu.dma_semaphore, #tpu.memory_space<semaphore_mem>>) src(%dma_wait3A_105 : memref<128x128xf32, #tpu.memory_space<vmem>>) dst(%dma_wait3A_111 : memref<10112x128xf32, #tpu.memory_space<vmem_shared>>)
            tpu.yield
          }) : () -> ()
          %scan3A_90 = arith.constant 0 : i32
          scf.yield %scan3A_90 : i32
        }
        %scan3A_70 = arith.constant 16 : i32
      } else {
      }
      %scan3A_49 = arith.constant 0 : i32
      scf.yield %scan3A_49 : i32
    }
    %scan3A_44 = arith.constant 9 : i32
    %barrier3A_45 = arith.constant 0 : index
    tpu.barrier barrier_id(%barrier3A_45)
    "tpu.region"() ({
      %run_scoped3A_46 = tpu.sem_alloc : memref<!tpu.dma_semaphore, #tpu.memory_space<semaphore_mem>>
      %dma_start3A = arith.constant 0 : i32
      %dma_start3A_47 = tpu.memref_slice %arg5[%arg0, %mul3A_23, %dma_start3A] : memref<2x10112x128xf32, #tpu.memory_space<hbm>> -> memref<1x632x128xf32, #tpu.memory_space<hbm>>
      %dma_start3A_48 = tpu.memref_squeeze %dma_start3A_47 : memref<1x632x128xf32, #tpu.memory_space<hbm>> -> memref<632x128xf32, #tpu.memory_space<hbm>>
      %dma_start3A_49 = arith.constant 0 : i32
      %dma_start3A_50 = tpu.memref_slice %arg9[%mul3A_23, %dma_start3A_49] : memref<10112x128xf32, #tpu.memory_space<vmem_shared>> -> memref<632x128xf32, #tpu.memory_space<vmem_shared>>
      tpu.enqueue_dma source(%dma_start3A_50 : memref<632x128xf32, #tpu.memory_space<vmem_shared>>) target(%dma_start3A_48 : memref<632x128xf32, #tpu.memory_space<hbm>>) target_semaphore(%run_scoped3A_46 : memref<!tpu.dma_semaphore, #tpu.memory_space<semaphore_mem>>)
      %dma_wait3A = arith.constant 0 : i32
      %dma_wait3A_51 = tpu.memref_slice %arg5[%arg0, %mul3A_23, %dma_wait3A] : memref<2x10112x128xf32, #tpu.memory_space<hbm>> -> memref<1x632x128xf32, #tpu.memory_space<hbm>>
      %dma_wait3A_52 = tpu.memref_squeeze %dma_wait3A_51 : memref<1x632x128xf32, #tpu.memory_space<hbm>> -> memref<632x128xf32, #tpu.memory_space<hbm>>
      %dma_wait3A_53 = arith.constant 0 : i32
      %dma_wait3A_54 = tpu.memref_slice %arg9[%mul3A_23, %dma_wait3A_53] : memref<10112x128xf32, #tpu.memory_space<vmem_shared>> -> memref<632x128xf32, #tpu.memory_space<vmem_shared>>
      tpu.wait_dma2 semaphore(%run_scoped3A_46 : memref<!tpu.dma_semaphore, #tpu.memory_space<semaphore_mem>>) src(%dma_wait3A_54 : memref<632x128xf32, #tpu.memory_space<vmem_shared>>) dst(%dma_wait3A_52 : memref<632x128xf32, #tpu.memory_space<hbm>>)
      tpu.yield
    }) : () -> ()
    return
  }
}

#map = affine_map<(d0, d1) -> (0, 0)>
#map1 = affine_map<(d0, d1) -> (0, 0, 0)>
module attributes {stable_mosaic.version = 14 : i64} {
  func.func @segsum(%arg0: i32, %arg1: i32, %arg2: memref<10000x128xf32, #tpu.memory_space<hbm>>, %arg3: memref<2560x128xi32, #tpu.memory_space<hbm>>, %arg4: memref<2560x128xi32, #tpu.memory_space<hbm>>, %arg5: memref<2x10112x128xf32, #tpu.memory_space<hbm>>, %arg6: memref<16x128xi32, #tpu.memory_space<vmem>>, %arg7: memref<16x128xi32, #tpu.memory_space<vmem>>, %arg8: memref<2x128x128xf32, #tpu.memory_space<vmem>>, %arg9: memref<10112x128xf32, #tpu.memory_space<vmem_shared>>, %arg10: memref<!tpu.dma_semaphore, #tpu.memory_space<semaphore_mem>>) attributes {dimension_semantics = [#tpu.dimension_semantics<core_parallel>, #tpu.dimension_semantics<subcore_parallel>], iteration_bounds = array<i64: 2, 16>, scalar_prefetch = 0 : i64, scratch_operands = 5 : i64, tpu.core_type = #tpu.core_type<sc_vector_subcore>, window_params = [{transform_indices = #map}, {transform_indices = #map}, {transform_indices = #map}, {transform_indices = #map1}]} {
    %sub3A = arith.constant 1 : i32
    %sub3A_0 = arith.subi %sub3A, %arg0 : i32
    %mul3A = arith.muli %sub3A_0, %arg1 : i32
    %mul3A_1 = arith.constant 144 : i32
    %mul3A_2 = arith.muli %mul3A, %mul3A_1 : i32
    %mul3A_3 = arith.constant 16 : i32
    %mul3A_4 = arith.muli %arg1, %mul3A_3 : i32
    %add3A = arith.constant 2304 : i32
    %add3A_5 = arith.addi %add3A, %mul3A_4 : i32
    %mul3A_6 = arith.muli %arg0, %add3A_5 : i32
    %add3A_7 = arith.addi %mul3A_2, %mul3A_6 : i32
    %sub3A_8 = arith.constant 1 : i32
    %sub3A_9 = arith.subi %sub3A_8, %arg0 : i32
    %mul3A_10 = arith.constant 9 : i32
    %mul3A_11 = arith.muli %sub3A_9, %mul3A_10 : i32
    %mul3A_12 = arith.constant 1 : i32
    %mul3A_13 = arith.muli %arg0, %mul3A_12 : i32
    %add3A_14 = arith.addi %mul3A_11, %mul3A_13 : i32
    %broadcast_in_dim3A = arith.constant 0.000000e+00 : f32
    %broadcast_in_dim3A_15 = vector.broadcast %broadcast_in_dim3A : f32 to vector<16xf32>
    %scan3A = arith.constant 0 : i32
    %scan3A_16 = arith.constant 0 : i32
    %scan3A_17 = arith.constant 128 : i32
    %scan3A_18 = arith.addi %scan3A_16, %scan3A_17 : i32
    %scan3A_19 = arith.constant 1 : i32
    %scan3A_20 = scf.for %scan3A_46 = %scan3A_16 to %scan3A_18 step %scan3A_19 iter_args(%scan3A_47 = %scan3A) -> (i32)  : i32 {
      %swap3A = arith.constant 0 : i32
      %swap3A_48 = arith.index_cast %swap3A : i32 to index
      %swap3A_49 = arith.index_cast %scan3A_46 : i32 to index
      %swap3A_50 = arith.constant 0 : index
      %swap3A_51 = tpu.vector_load %arg8[%swap3A_48, %swap3A_49, %swap3A_50] {strides = array<i32>} : memref<2x128x128xf32, #tpu.memory_space<vmem>>, vector<1x1x16xf32>,
      %swap3A_52 = vector.shape_cast %swap3A_51 : vector<1x1x16xf32> to vector<16xf32>
      %swap3A_53 = vector.shape_cast %broadcast_in_dim3A_15 : vector<16xf32> to vector<1x1x16xf32>
      tpu.vector_store %arg8[%swap3A_48, %swap3A_49, %swap3A_50], %swap3A_53 {strides = array<i32>} : memref<2x128x128xf32, #tpu.memory_space<vmem>>, vector<1x1x16xf32>,
      %swap3A_54 = arith.constant 0 : i32
      %swap3A_55 = arith.index_cast %swap3A_54 : i32 to index
      %swap3A_56 = arith.index_cast %scan3A_46 : i32 to index
      %swap3A_57 = arith.constant 16 : index
      %swap3A_58 = tpu.vector_load %arg8[%swap3A_55, %swap3A_56, %swap3A_57] {strides = array<i32>} : memref<2x128x128xf32, #tpu.memory_space<vmem>>, vector<1x1x16xf32>,
      %swap3A_59 = vector.shape_cast %swap3A_58 : vector<1x1x16xf32> to vector<16xf32>
      %swap3A_60 = vector.shape_cast %broadcast_in_dim3A_15 : vector<16xf32> to vector<1x1x16xf32>
      tpu.vector_store %arg8[%swap3A_55, %swap3A_56, %swap3A_57], %swap3A_60 {strides = array<i32>} : memref<2x128x128xf32, #tpu.memory_space<vmem>>, vector<1x1x16xf32>,
      %swap3A_61 = arith.constant 0 : i32
      %swap3A_62 = arith.index_cast %swap3A_61 : i32 to index
      %swap3A_63 = arith.index_cast %scan3A_46 : i32 to index
      %swap3A_64 = arith.constant 32 : index
      %swap3A_65 = tpu.vector_load %arg8[%swap3A_62, %swap3A_63, %swap3A_64] {strides = array<i32>} : memref<2x128x128xf32, #tpu.memory_space<vmem>>, vector<1x1x16xf32>,
      %swap3A_66 = vector.shape_cast %swap3A_65 : vector<1x1x16xf32> to vector<16xf32>
      %swap3A_67 = vector.shape_cast %broadcast_in_dim3A_15 : vector<16xf32> to vector<1x1x16xf32>
      tpu.vector_store %arg8[%swap3A_62, %swap3A_63, %swap3A_64], %swap3A_67 {strides = array<i32>} : memref<2x128x128xf32, #tpu.memory_space<vmem>>, vector<1x1x16xf32>,
      %swap3A_68 = arith.constant 0 : i32
      %swap3A_69 = arith.index_cast %swap3A_68 : i32 to index
      %swap3A_70 = arith.index_cast %scan3A_46 : i32 to index
      %swap3A_71 = arith.constant 48 : index
      %swap3A_72 = tpu.vector_load %arg8[%swap3A_69, %swap3A_70, %swap3A_71] {strides = array<i32>} : memref<2x128x128xf32, #tpu.memory_space<vmem>>, vector<1x1x16xf32>,
      %swap3A_73 = vector.shape_cast %swap3A_72 : vector<1x1x16xf32> to vector<16xf32>
      %swap3A_74 = vector.shape_cast %broadcast_in_dim3A_15 : vector<16xf32> to vector<1x1x16xf32>
      tpu.vector_store %arg8[%swap3A_69, %swap3A_70, %swap3A_71], %swap3A_74 {strides = array<i32>} : memref<2x128x128xf32, #tpu.memory_space<vmem>>, vector<1x1x16xf32>,
      %swap3A_75 = arith.constant 0 : i32
      %swap3A_76 = arith.index_cast %swap3A_75 : i32 to index
      %swap3A_77 = arith.index_cast %scan3A_46 : i32 to index
      %swap3A_78 = arith.constant 64 : index
      %swap3A_79 = tpu.vector_load %arg8[%swap3A_76, %swap3A_77, %swap3A_78] {strides = array<i32>} : memref<2x128x128xf32, #tpu.memory_space<vmem>>, vector<1x1x16xf32>,
      %swap3A_80 = vector.shape_cast %swap3A_79 : vector<1x1x16xf32> to vector<16xf32>
      %swap3A_81 = vector.shape_cast %broadcast_in_dim3A_15 : vector<16xf32> to vector<1x1x16xf32>
      tpu.vector_store %arg8[%swap3A_76, %swap3A_77, %swap3A_78], %swap3A_81 {strides = array<i32>} : memref<2x128x128xf32, #tpu.memory_space<vmem>>, vector<1x1x16xf32>,
      %swap3A_82 = arith.constant 0 : i32
      %swap3A_83 = arith.index_cast %swap3A_82 : i32 to index
      %swap3A_84 = arith.index_cast %scan3A_46 : i32 to index
      %swap3A_85 = arith.constant 80 : index
      %swap3A_86 = tpu.vector_load %arg8[%swap3A_83, %swap3A_84, %swap3A_85] {strides = array<i32>} : memref<2x128x128xf32, #tpu.memory_space<vmem>>, vector<1x1x16xf32>,
      %swap3A_87 = vector.shape_cast %swap3A_86 : vector<1x1x16xf32> to vector<16xf32>
      %swap3A_88 = vector.shape_cast %broadcast_in_dim3A_15 : vector<16xf32> to vector<1x1x16xf32>
      tpu.vector_store %arg8[%swap3A_83, %swap3A_84, %swap3A_85], %swap3A_88 {strides = array<i32>} : memref<2x128x128xf32, #tpu.memory_space<vmem>>, vector<1x1x16xf32>,
      %swap3A_89 = arith.constant 0 : i32
      %swap3A_90 = arith.index_cast %swap3A_89 : i32 to index
      %swap3A_91 = arith.index_cast %scan3A_46 : i32 to index
      %swap3A_92 = arith.constant 96 : index
      %swap3A_93 = tpu.vector_load %arg8[%swap3A_90, %swap3A_91, %swap3A_92] {strides = array<i32>} : memref<2x128x128xf32, #tpu.memory_space<vmem>>, vector<1x1x16xf32>,
      %swap3A_94 = vector.shape_cast %swap3A_93 : vector<1x1x16xf32> to vector<16xf32>
      %swap3A_95 = vector.shape_cast %broadcast_in_dim3A_15 : vector<16xf32> to vector<1x1x16xf32>
      tpu.vector_store %arg8[%swap3A_90, %swap3A_91, %swap3A_92], %swap3A_95 {strides = array<i32>} : memref<2x128x128xf32, #tpu.memory_space<vmem>>, vector<1x1x16xf32>,
      %swap3A_96 = arith.constant 0 : i32
      %swap3A_97 = arith.index_cast %swap3A_96 : i32 to index
      %swap3A_98 = arith.index_cast %scan3A_46 : i32 to index
      %swap3A_99 = arith.constant 112 : index
      %swap3A_100 = tpu.vector_load %arg8[%swap3A_97, %swap3A_98, %swap3A_99] {strides = array<i32>} : memref<2x128x128xf32, #tpu.memory_space<vmem>>, vector<1x1x16xf32>,
      %swap3A_101 = vector.shape_cast %swap3A_100 : vector<1x1x16xf32> to vector<16xf32>
      %swap3A_102 = vector.shape_cast %broadcast_in_dim3A_15 : vector<16xf32> to vector<1x1x16xf32>
      tpu.vector_store %arg8[%swap3A_97, %swap3A_98, %swap3A_99], %swap3A_102 {strides = array<i32>} : memref<2x128x128xf32, #tpu.memory_space<vmem>>, vector<1x1x16xf32>,
      %scan3A_103 = arith.constant 0 : i32
      scf.yield %scan3A_103 : i32
    }
    %scan3A_21 = arith.constant 128 : i32
    %mul3A_22 = arith.constant 632 : i32
    %mul3A_23 = arith.muli %arg1, %mul3A_22 : i32
    %add3A_24 = arith.constant 0 : i32
    %add3A_25 = arith.addi %mul3A_23, %add3A_24 : i32
    %run_scoped3A = arith.constant 0 : i32
    "tpu.region"() ({
      %run_scoped3A_46 = tpu.sem_alloc : memref<!tpu.dma_semaphore, #tpu.memory_space<semaphore_mem>>
      %dma_start3A = arith.constant 0 : i32
      %dma_start3A_47 = arith.constant 0 : i32
      %dma_start3A_48 = tpu.memref_slice %arg8[%run_scoped3A, %dma_start3A, %dma_start3A_47] : memref<2x128x128xf32, #tpu.memory_space<vmem>> -> memref<1x128x128xf32, #tpu.memory_space<vmem>>
      %dma_start3A_49 = tpu.memref_squeeze %dma_start3A_48 : memref<1x128x128xf32, #tpu.memory_space<vmem>> -> memref<128x128xf32, #tpu.memory_space<vmem>>
      %dma_start3A_50 = arith.constant 0 : i32
      %dma_start3A_51 = tpu.memref_slice %arg9[%add3A_25, %dma_start3A_50] : memref<10112x128xf32, #tpu.memory_space<vmem_shared>> -> memref<128x128xf32, #tpu.memory_space<vmem_shared>>
      %dma_start3A_52 = arith.constant 0 : i32
      %dma_start3A_53 = tpu.memref_slice %arg9[%add3A_25, %dma_start3A_52] : memref<10112x128xf32, #tpu.memory_space<vmem_shared>> -> memref<128x128xf32, #tpu.memory_space<vmem_shared>>
      %dma_start3A_54 = arith.constant 0 : i32
      %dma_start3A_55 = arith.constant 0 : i32
      %dma_start3A_56 = tpu.memref_slice %arg8[%run_scoped3A, %dma_start3A_54, %dma_start3A_55] : memref<2x128x128xf32, #tpu.memory_space<vmem>> -> memref<1x128x128xf32, #tpu.memory_space<vmem>>
      %dma_start3A_57 = tpu.memref_squeeze %dma_start3A_56 : memref<1x128x128xf32, #tpu.memory_space<vmem>> -> memref<128x128xf32, #tpu.memory_space<vmem>>
      tpu.enqueue_dma source(%dma_start3A_57 : memref<128x128xf32, #tpu.memory_space<vmem>>) target(%dma_start3A_53 : memref<128x128xf32, #tpu.memory_space<vmem_shared>>) target_semaphore(%run_scoped3A_46 : memref<!tpu.dma_semaphore, #tpu.memory_space<semaphore_mem>>)
      %dma_wait3A = arith.constant 0 : i32
      %dma_wait3A_58 = arith.constant 0 : i32
      %dma_wait3A_59 = tpu.memref_slice %arg8[%run_scoped3A, %dma_wait3A, %dma_wait3A_58] : memref<2x128x128xf32, #tpu.memory_space<vmem>> -> memref<1x128x128xf32, #tpu.memory_space<vmem>>
      %dma_wait3A_60 = tpu.memref_squeeze %dma_wait3A_59 : memref<1x128x128xf32, #tpu.memory_space<vmem>> -> memref<128x128xf32, #tpu.memory_space<vmem>>
      %dma_wait3A_61 = arith.constant 0 : i32
      %dma_wait3A_62 = tpu.memref_slice %arg9[%add3A_25, %dma_wait3A_61] : memref<10112x128xf32, #tpu.memory_space<vmem_shared>> -> memref<128x128xf32, #tpu.memory_space<vmem_shared>>
      %dma_wait3A_63 = arith.constant 0 : i32
      %dma_wait3A_64 = tpu.memref_slice %arg9[%add3A_25, %dma_wait3A_63] : memref<10112x128xf32, #tpu.memory_space<vmem_shared>> -> memref<128x128xf32, #tpu.memory_space<vmem_shared>>
      %dma_wait3A_65 = arith.constant 0 : i32
      %dma_wait3A_66 = arith.constant 0 : i32
      %dma_wait3A_67 = tpu.memref_slice %arg8[%run_scoped3A, %dma_wait3A_65, %dma_wait3A_66] : memref<2x128x128xf32, #tpu.memory_space<vmem>> -> memref<1x128x128xf32, #tpu.memory_space<vmem>>
      %dma_wait3A_68 = tpu.memref_squeeze %dma_wait3A_67 : memref<1x128x128xf32, #tpu.memory_space<vmem>> -> memref<128x128xf32, #tpu.memory_space<vmem>>
      tpu.wait_dma2 semaphore(%run_scoped3A_46 : memref<!tpu.dma_semaphore, #tpu.memory_space<semaphore_mem>>) src(%dma_wait3A_68 : memref<128x128xf32, #tpu.memory_space<vmem>>) dst(%dma_wait3A_64 : memref<128x128xf32, #tpu.memory_space<vmem_shared>>)
      tpu.yield
    }) : () -> ()
    %add3A_26 = arith.constant 128 : i32
    %add3A_27 = arith.addi %mul3A_23, %add3A_26 : i32
    %run_scoped3A_28 = arith.constant 0 : i32
    "tpu.region"() ({
      %run_scoped3A_46 = tpu.sem_alloc : memref<!tpu.dma_semaphore, #tpu.memory_space<semaphore_mem>>
      %dma_start3A = arith.constant 0 : i32
      %dma_start3A_47 = arith.constant 0 : i32
      %dma_start3A_48 = tpu.memref_slice %arg8[%run_scoped3A_28, %dma_start3A, %dma_start3A_47] : memref<2x128x128xf32, #tpu.memory_space<vmem>> -> memref<1x128x128xf32, #tpu.memory_space<vmem>>
      %dma_start3A_49 = tpu.memref_squeeze %dma_start3A_48 : memref<1x128x128xf32, #tpu.memory_space<vmem>> -> memref<128x128xf32, #tpu.memory_space<vmem>>
      %dma_start3A_50 = arith.constant 0 : i32
      %dma_start3A_51 = tpu.memref_slice %arg9[%add3A_27, %dma_start3A_50] : memref<10112x128xf32, #tpu.memory_space<vmem_shared>> -> memref<128x128xf32, #tpu.memory_space<vmem_shared>>
      %dma_start3A_52 = arith.constant 0 : i32
      %dma_start3A_53 = tpu.memref_slice %arg9[%add3A_27, %dma_start3A_52] : memref<10112x128xf32, #tpu.memory_space<vmem_shared>> -> memref<128x128xf32, #tpu.memory_space<vmem_shared>>
      %dma_start3A_54 = arith.constant 0 : i32
      %dma_start3A_55 = arith.constant 0 : i32
      %dma_start3A_56 = tpu.memref_slice %arg8[%run_scoped3A_28, %dma_start3A_54, %dma_start3A_55] : memref<2x128x128xf32, #tpu.memory_space<vmem>> -> memref<1x128x128xf32, #tpu.memory_space<vmem>>
      %dma_start3A_57 = tpu.memref_squeeze %dma_start3A_56 : memref<1x128x128xf32, #tpu.memory_space<vmem>> -> memref<128x128xf32, #tpu.memory_space<vmem>>
      tpu.enqueue_dma source(%dma_start3A_57 : memref<128x128xf32, #tpu.memory_space<vmem>>) target(%dma_start3A_53 : memref<128x128xf32, #tpu.memory_space<vmem_shared>>) target_semaphore(%run_scoped3A_46 : memref<!tpu.dma_semaphore, #tpu.memory_space<semaphore_mem>>)
      %dma_wait3A = arith.constant 0 : i32
      %dma_wait3A_58 = arith.constant 0 : i32
      %dma_wait3A_59 = tpu.memref_slice %arg8[%run_scoped3A_28, %dma_wait3A, %dma_wait3A_58] : memref<2x128x128xf32, #tpu.memory_space<vmem>> -> memref<1x128x128xf32, #tpu.memory_space<vmem>>
      %dma_wait3A_60 = tpu.memref_squeeze %dma_wait3A_59 : memref<1x128x128xf32, #tpu.memory_space<vmem>> -> memref<128x128xf32, #tpu.memory_space<vmem>>
      %dma_wait3A_61 = arith.constant 0 : i32
      %dma_wait3A_62 = tpu.memref_slice %arg9[%add3A_27, %dma_wait3A_61] : memref<10112x128xf32, #tpu.memory_space<vmem_shared>> -> memref<128x128xf32, #tpu.memory_space<vmem_shared>>
      %dma_wait3A_63 = arith.constant 0 : i32
      %dma_wait3A_64 = tpu.memref_slice %arg9[%add3A_27, %dma_wait3A_63] : memref<10112x128xf32, #tpu.memory_space<vmem_shared>> -> memref<128x128xf32, #tpu.memory_space<vmem_shared>>
      %dma_wait3A_65 = arith.constant 0 : i32
      %dma_wait3A_66 = arith.constant 0 : i32
      %dma_wait3A_67 = tpu.memref_slice %arg8[%run_scoped3A_28, %dma_wait3A_65, %dma_wait3A_66] : memref<2x128x128xf32, #tpu.memory_space<vmem>> -> memref<1x128x128xf32, #tpu.memory_space<vmem>>
      %dma_wait3A_68 = tpu.memref_squeeze %dma_wait3A_67 : memref<1x128x128xf32, #tpu.memory_space<vmem>> -> memref<128x128xf32, #tpu.memory_space<vmem>>
      tpu.wait_dma2 semaphore(%run_scoped3A_46 : memref<!tpu.dma_semaphore, #tpu.memory_space<semaphore_mem>>) src(%dma_wait3A_68 : memref<128x128xf32, #tpu.memory_space<vmem>>) dst(%dma_wait3A_64 : memref<128x128xf32, #tpu.memory_space<vmem_shared>>)
      tpu.yield
    }) : () -> ()
    %add3A_29 = arith.constant 256 : i32
    %add3A_30 = arith.addi %mul3A_23, %add3A_29 : i32
    %run_scoped3A_31 = arith.constant 0 : i32
    "tpu.region"() ({
      %run_scoped3A_46 = tpu.sem_alloc : memref<!tpu.dma_semaphore, #tpu.memory_space<semaphore_mem>>
      %dma_start3A = arith.constant 0 : i32
      %dma_start3A_47 = arith.constant 0 : i32
      %dma_start3A_48 = tpu.memref_slice %arg8[%run_scoped3A_31, %dma_start3A, %dma_start3A_47] : memref<2x128x128xf32, #tpu.memory_space<vmem>> -> memref<1x128x128xf32, #tpu.memory_space<vmem>>
      %dma_start3A_49 = tpu.memref_squeeze %dma_start3A_48 : memref<1x128x128xf32, #tpu.memory_space<vmem>> -> memref<128x128xf32, #tpu.memory_space<vmem>>
      %dma_start3A_50 = arith.constant 0 : i32
      %dma_start3A_51 = tpu.memref_slice %arg9[%add3A_30, %dma_start3A_50] : memref<10112x128xf32, #tpu.memory_space<vmem_shared>> -> memref<128x128xf32, #tpu.memory_space<vmem_shared>>
      %dma_start3A_52 = arith.constant 0 : i32
      %dma_start3A_53 = tpu.memref_slice %arg9[%add3A_30, %dma_start3A_52] : memref<10112x128xf32, #tpu.memory_space<vmem_shared>> -> memref<128x128xf32, #tpu.memory_space<vmem_shared>>
      %dma_start3A_54 = arith.constant 0 : i32
      %dma_start3A_55 = arith.constant 0 : i32
      %dma_start3A_56 = tpu.memref_slice %arg8[%run_scoped3A_31, %dma_start3A_54, %dma_start3A_55] : memref<2x128x128xf32, #tpu.memory_space<vmem>> -> memref<1x128x128xf32, #tpu.memory_space<vmem>>
      %dma_start3A_57 = tpu.memref_squeeze %dma_start3A_56 : memref<1x128x128xf32, #tpu.memory_space<vmem>> -> memref<128x128xf32, #tpu.memory_space<vmem>>
      tpu.enqueue_dma source(%dma_start3A_57 : memref<128x128xf32, #tpu.memory_space<vmem>>) target(%dma_start3A_53 : memref<128x128xf32, #tpu.memory_space<vmem_shared>>) target_semaphore(%run_scoped3A_46 : memref<!tpu.dma_semaphore, #tpu.memory_space<semaphore_mem>>)
      %dma_wait3A = arith.constant 0 : i32
      %dma_wait3A_58 = arith.constant 0 : i32
      %dma_wait3A_59 = tpu.memref_slice %arg8[%run_scoped3A_31, %dma_wait3A, %dma_wait3A_58] : memref<2x128x128xf32, #tpu.memory_space<vmem>> -> memref<1x128x128xf32, #tpu.memory_space<vmem>>
      %dma_wait3A_60 = tpu.memref_squeeze %dma_wait3A_59 : memref<1x128x128xf32, #tpu.memory_space<vmem>> -> memref<128x128xf32, #tpu.memory_space<vmem>>
      %dma_wait3A_61 = arith.constant 0 : i32
      %dma_wait3A_62 = tpu.memref_slice %arg9[%add3A_30, %dma_wait3A_61] : memref<10112x128xf32, #tpu.memory_space<vmem_shared>> -> memref<128x128xf32, #tpu.memory_space<vmem_shared>>
      %dma_wait3A_63 = arith.constant 0 : i32
      %dma_wait3A_64 = tpu.memref_slice %arg9[%add3A_30, %dma_wait3A_63] : memref<10112x128xf32, #tpu.memory_space<vmem_shared>> -> memref<128x128xf32, #tpu.memory_space<vmem_shared>>
      %dma_wait3A_65 = arith.constant 0 : i32
      %dma_wait3A_66 = arith.constant 0 : i32
      %dma_wait3A_67 = tpu.memref_slice %arg8[%run_scoped3A_31, %dma_wait3A_65, %dma_wait3A_66] : memref<2x128x128xf32, #tpu.memory_space<vmem>> -> memref<1x128x128xf32, #tpu.memory_space<vmem>>
      %dma_wait3A_68 = tpu.memref_squeeze %dma_wait3A_67 : memref<1x128x128xf32, #tpu.memory_space<vmem>> -> memref<128x128xf32, #tpu.memory_space<vmem>>
      tpu.wait_dma2 semaphore(%run_scoped3A_46 : memref<!tpu.dma_semaphore, #tpu.memory_space<semaphore_mem>>) src(%dma_wait3A_68 : memref<128x128xf32, #tpu.memory_space<vmem>>) dst(%dma_wait3A_64 : memref<128x128xf32, #tpu.memory_space<vmem_shared>>)
      tpu.yield
    }) : () -> ()
    %add3A_32 = arith.constant 384 : i32
    %add3A_33 = arith.addi %mul3A_23, %add3A_32 : i32
    %run_scoped3A_34 = arith.constant 0 : i32
    "tpu.region"() ({
      %run_scoped3A_46 = tpu.sem_alloc : memref<!tpu.dma_semaphore, #tpu.memory_space<semaphore_mem>>
      %dma_start3A = arith.constant 0 : i32
      %dma_start3A_47 = arith.constant 0 : i32
      %dma_start3A_48 = tpu.memref_slice %arg8[%run_scoped3A_34, %dma_start3A, %dma_start3A_47] : memref<2x128x128xf32, #tpu.memory_space<vmem>> -> memref<1x128x128xf32, #tpu.memory_space<vmem>>
      %dma_start3A_49 = tpu.memref_squeeze %dma_start3A_48 : memref<1x128x128xf32, #tpu.memory_space<vmem>> -> memref<128x128xf32, #tpu.memory_space<vmem>>
      %dma_start3A_50 = arith.constant 0 : i32
      %dma_start3A_51 = tpu.memref_slice %arg9[%add3A_33, %dma_start3A_50] : memref<10112x128xf32, #tpu.memory_space<vmem_shared>> -> memref<128x128xf32, #tpu.memory_space<vmem_shared>>
      %dma_start3A_52 = arith.constant 0 : i32
      %dma_start3A_53 = tpu.memref_slice %arg9[%add3A_33, %dma_start3A_52] : memref<10112x128xf32, #tpu.memory_space<vmem_shared>> -> memref<128x128xf32, #tpu.memory_space<vmem_shared>>
      %dma_start3A_54 = arith.constant 0 : i32
      %dma_start3A_55 = arith.constant 0 : i32
      %dma_start3A_56 = tpu.memref_slice %arg8[%run_scoped3A_34, %dma_start3A_54, %dma_start3A_55] : memref<2x128x128xf32, #tpu.memory_space<vmem>> -> memref<1x128x128xf32, #tpu.memory_space<vmem>>
      %dma_start3A_57 = tpu.memref_squeeze %dma_start3A_56 : memref<1x128x128xf32, #tpu.memory_space<vmem>> -> memref<128x128xf32, #tpu.memory_space<vmem>>
      tpu.enqueue_dma source(%dma_start3A_57 : memref<128x128xf32, #tpu.memory_space<vmem>>) target(%dma_start3A_53 : memref<128x128xf32, #tpu.memory_space<vmem_shared>>) target_semaphore(%run_scoped3A_46 : memref<!tpu.dma_semaphore, #tpu.memory_space<semaphore_mem>>)
      %dma_wait3A = arith.constant 0 : i32
      %dma_wait3A_58 = arith.constant 0 : i32
      %dma_wait3A_59 = tpu.memref_slice %arg8[%run_scoped3A_34, %dma_wait3A, %dma_wait3A_58] : memref<2x128x128xf32, #tpu.memory_space<vmem>> -> memref<1x128x128xf32, #tpu.memory_space<vmem>>
      %dma_wait3A_60 = tpu.memref_squeeze %dma_wait3A_59 : memref<1x128x128xf32, #tpu.memory_space<vmem>> -> memref<128x128xf32, #tpu.memory_space<vmem>>
      %dma_wait3A_61 = arith.constant 0 : i32
      %dma_wait3A_62 = tpu.memref_slice %arg9[%add3A_33, %dma_wait3A_61] : memref<10112x128xf32, #tpu.memory_space<vmem_shared>> -> memref<128x128xf32, #tpu.memory_space<vmem_shared>>
      %dma_wait3A_63 = arith.constant 0 : i32
      %dma_wait3A_64 = tpu.memref_slice %arg9[%add3A_33, %dma_wait3A_63] : memref<10112x128xf32, #tpu.memory_space<vmem_shared>> -> memref<128x128xf32, #tpu.memory_space<vmem_shared>>
      %dma_wait3A_65 = arith.constant 0 : i32
      %dma_wait3A_66 = arith.constant 0 : i32
      %dma_wait3A_67 = tpu.memref_slice %arg8[%run_scoped3A_34, %dma_wait3A_65, %dma_wait3A_66] : memref<2x128x128xf32, #tpu.memory_space<vmem>> -> memref<1x128x128xf32, #tpu.memory_space<vmem>>
      %dma_wait3A_68 = tpu.memref_squeeze %dma_wait3A_67 : memref<1x128x128xf32, #tpu.memory_space<vmem>> -> memref<128x128xf32, #tpu.memory_space<vmem>>
      tpu.wait_dma2 semaphore(%run_scoped3A_46 : memref<!tpu.dma_semaphore, #tpu.memory_space<semaphore_mem>>) src(%dma_wait3A_68 : memref<128x128xf32, #tpu.memory_space<vmem>>) dst(%dma_wait3A_64 : memref<128x128xf32, #tpu.memory_space<vmem_shared>>)
      tpu.yield
    }) : () -> ()
    %add3A_35 = arith.constant 512 : i32
    %add3A_36 = arith.addi %mul3A_23, %add3A_35 : i32
    %run_scoped3A_37 = arith.constant 0 : i32
    "tpu.region"() ({
      %run_scoped3A_46 = tpu.sem_alloc : memref<!tpu.dma_semaphore, #tpu.memory_space<semaphore_mem>>
      %dma_start3A = arith.constant 0 : i32
      %dma_start3A_47 = arith.constant 0 : i32
      %dma_start3A_48 = tpu.memref_slice %arg8[%run_scoped3A_37, %dma_start3A, %dma_start3A_47] : memref<2x128x128xf32, #tpu.memory_space<vmem>> -> memref<1x120x128xf32, #tpu.memory_space<vmem>>
      %dma_start3A_49 = tpu.memref_squeeze %dma_start3A_48 : memref<1x120x128xf32, #tpu.memory_space<vmem>> -> memref<120x128xf32, #tpu.memory_space<vmem>>
      %dma_start3A_50 = arith.constant 0 : i32
      %dma_start3A_51 = tpu.memref_slice %arg9[%add3A_36, %dma_start3A_50] : memref<10112x128xf32, #tpu.memory_space<vmem_shared>> -> memref<120x128xf32, #tpu.memory_space<vmem_shared>>
      %dma_start3A_52 = arith.constant 0 : i32
      %dma_start3A_53 = tpu.memref_slice %arg9[%add3A_36, %dma_start3A_52] : memref<10112x128xf32, #tpu.memory_space<vmem_shared>> -> memref<120x128xf32, #tpu.memory_space<vmem_shared>>
      %dma_start3A_54 = arith.constant 0 : i32
      %dma_start3A_55 = arith.constant 0 : i32
      %dma_start3A_56 = tpu.memref_slice %arg8[%run_scoped3A_37, %dma_start3A_54, %dma_start3A_55] : memref<2x128x128xf32, #tpu.memory_space<vmem>> -> memref<1x120x128xf32, #tpu.memory_space<vmem>>
      %dma_start3A_57 = tpu.memref_squeeze %dma_start3A_56 : memref<1x120x128xf32, #tpu.memory_space<vmem>> -> memref<120x128xf32, #tpu.memory_space<vmem>>
      tpu.enqueue_dma source(%dma_start3A_57 : memref<120x128xf32, #tpu.memory_space<vmem>>) target(%dma_start3A_53 : memref<120x128xf32, #tpu.memory_space<vmem_shared>>) target_semaphore(%run_scoped3A_46 : memref<!tpu.dma_semaphore, #tpu.memory_space<semaphore_mem>>)
      %dma_wait3A = arith.constant 0 : i32
      %dma_wait3A_58 = arith.constant 0 : i32
      %dma_wait3A_59 = tpu.memref_slice %arg8[%run_scoped3A_37, %dma_wait3A, %dma_wait3A_58] : memref<2x128x128xf32, #tpu.memory_space<vmem>> -> memref<1x120x128xf32, #tpu.memory_space<vmem>>
      %dma_wait3A_60 = tpu.memref_squeeze %dma_wait3A_59 : memref<1x120x128xf32, #tpu.memory_space<vmem>> -> memref<120x128xf32, #tpu.memory_space<vmem>>
      %dma_wait3A_61 = arith.constant 0 : i32
      %dma_wait3A_62 = tpu.memref_slice %arg9[%add3A_36, %dma_wait3A_61] : memref<10112x128xf32, #tpu.memory_space<vmem_shared>> -> memref<120x128xf32, #tpu.memory_space<vmem_shared>>
      %dma_wait3A_63 = arith.constant 0 : i32
      %dma_wait3A_64 = tpu.memref_slice %arg9[%add3A_36, %dma_wait3A_63] : memref<10112x128xf32, #tpu.memory_space<vmem_shared>> -> memref<120x128xf32, #tpu.memory_space<vmem_shared>>
      %dma_wait3A_65 = arith.constant 0 : i32
      %dma_wait3A_66 = arith.constant 0 : i32
      %dma_wait3A_67 = tpu.memref_slice %arg8[%run_scoped3A_37, %dma_wait3A_65, %dma_wait3A_66] : memref<2x128x128xf32, #tpu.memory_space<vmem>> -> memref<1x120x128xf32, #tpu.memory_space<vmem>>
      %dma_wait3A_68 = tpu.memref_squeeze %dma_wait3A_67 : memref<1x120x128xf32, #tpu.memory_space<vmem>> -> memref<120x128xf32, #tpu.memory_space<vmem>>
      tpu.wait_dma2 semaphore(%run_scoped3A_46 : memref<!tpu.dma_semaphore, #tpu.memory_space<semaphore_mem>>) src(%dma_wait3A_68 : memref<120x128xf32, #tpu.memory_space<vmem>>) dst(%dma_wait3A_64 : memref<120x128xf32, #tpu.memory_space<vmem_shared>>)
      tpu.yield
    }) : () -> ()
    %barrier3A = arith.constant 0 : index
    tpu.barrier barrier_id(%barrier3A)
    %scan3A_38 = arith.constant 0 : i32
    %scan3A_39 = arith.constant 0 : i32
    %scan3A_40 = arith.constant 9 : i32
    %scan3A_41 = arith.addi %scan3A_39, %scan3A_40 : i32
    %scan3A_42 = arith.constant 1 : i32
    %scan3A_43 = scf.for %scan3A_46 = %scan3A_39 to %scan3A_41 step %scan3A_42 iter_args(%scan3A_47 = %scan3A_38) -> (i32)  : i32 {
      %lt3A = arith.cmpi slt, %scan3A_46, %add3A_14 : i32
      %convert_element_type3A = arith.extui %lt3A : i1 to i32
      %cond3A = arith.constant 0 : i32
      %cond3A_48 = arith.cmpi ne, %convert_element_type3A, %cond3A : i32
      scf.if %cond3A_48 {
        %mul3A_50 = arith.constant 16 : i32
        %mul3A_51 = arith.muli %scan3A_46, %mul3A_50 : i32
        %add3A_52 = arith.addi %add3A_7, %mul3A_51 : i32
        %multiple_of3A = tpu.assume_multiple %add3A_52, 16 : i32
        "tpu.region"() ({
          %run_scoped3A_71 = tpu.sem_alloc : memref<!tpu.dma_semaphore, #tpu.memory_space<semaphore_mem>>
          %dma_start3A_72 = arith.constant 0 : i32
          %dma_start3A_73 = tpu.memref_slice %arg3[%multiple_of3A, %dma_start3A_72] : memref<2560x128xi32, #tpu.memory_space<hbm>> -> memref<16x128xi32, #tpu.memory_space<hbm>>
          %dma_start3A_74 = arith.constant 0 : i32
          %dma_start3A_75 = tpu.memref_slice %arg3[%multiple_of3A, %dma_start3A_74] : memref<2560x128xi32, #tpu.memory_space<hbm>> -> memref<16x128xi32, #tpu.memory_space<hbm>>
          tpu.enqueue_dma source(%dma_start3A_75 : memref<16x128xi32, #tpu.memory_space<hbm>>) target(%arg6 : memref<16x128xi32, #tpu.memory_space<vmem>>) target_semaphore(%run_scoped3A_71 : memref<!tpu.dma_semaphore, #tpu.memory_space<semaphore_mem>>)
          %dma_wait3A = arith.constant 0 : i32
          %dma_wait3A_76 = tpu.memref_slice %arg3[%multiple_of3A, %dma_wait3A] : memref<2560x128xi32, #tpu.memory_space<hbm>> -> memref<16x128xi32, #tpu.memory_space<hbm>>
          %dma_wait3A_77 = arith.constant 0 : i32
          %dma_wait3A_78 = tpu.memref_slice %arg3[%multiple_of3A, %dma_wait3A_77] : memref<2560x128xi32, #tpu.memory_space<hbm>> -> memref<16x128xi32, #tpu.memory_space<hbm>>
          tpu.wait_dma2 semaphore(%run_scoped3A_71 : memref<!tpu.dma_semaphore, #tpu.memory_space<semaphore_mem>>) src(%dma_wait3A_78 : memref<16x128xi32, #tpu.memory_space<hbm>>) dst(%arg6 : memref<16x128xi32, #tpu.memory_space<vmem>>)
          tpu.yield
        }) : () -> ()
        "tpu.region"() ({
          %run_scoped3A_71 = tpu.sem_alloc : memref<!tpu.dma_semaphore, #tpu.memory_space<semaphore_mem>>
          %dma_start3A_72 = arith.constant 0 : i32
          %dma_start3A_73 = tpu.memref_slice %arg4[%multiple_of3A, %dma_start3A_72] : memref<2560x128xi32, #tpu.memory_space<hbm>> -> memref<16x128xi32, #tpu.memory_space<hbm>>
          %dma_start3A_74 = arith.constant 0 : i32
          %dma_start3A_75 = tpu.memref_slice %arg4[%multiple_of3A, %dma_start3A_74] : memref<2560x128xi32, #tpu.memory_space<hbm>> -> memref<16x128xi32, #tpu.memory_space<hbm>>
          tpu.enqueue_dma source(%dma_start3A_75 : memref<16x128xi32, #tpu.memory_space<hbm>>) target(%arg7 : memref<16x128xi32, #tpu.memory_space<vmem>>) target_semaphore(%run_scoped3A_71 : memref<!tpu.dma_semaphore, #tpu.memory_space<semaphore_mem>>)
          %dma_wait3A = arith.constant 0 : i32
          %dma_wait3A_76 = tpu.memref_slice %arg4[%multiple_of3A, %dma_wait3A] : memref<2560x128xi32, #tpu.memory_space<hbm>> -> memref<16x128xi32, #tpu.memory_space<hbm>>
          %dma_wait3A_77 = arith.constant 0 : i32
          %dma_wait3A_78 = tpu.memref_slice %arg4[%multiple_of3A, %dma_wait3A_77] : memref<2560x128xi32, #tpu.memory_space<hbm>> -> memref<16x128xi32, #tpu.memory_space<hbm>>
          tpu.wait_dma2 semaphore(%run_scoped3A_71 : memref<!tpu.dma_semaphore, #tpu.memory_space<semaphore_mem>>) src(%dma_wait3A_78 : memref<16x128xi32, #tpu.memory_space<hbm>>) dst(%arg7 : memref<16x128xi32, #tpu.memory_space<vmem>>)
          tpu.yield
        }) : () -> ()
        %dma_start3A = arith.constant 0 : i32
        %dma_start3A_53 = arith.constant 0 : i32
        %dma_start3A_54 = arith.constant 0 : i32
        %dma_start3A_55 = arith.constant 0 : i32
        %dma_start3A_56 = tpu.memref_slice %arg8[%dma_start3A_53, %dma_start3A_54, %dma_start3A_55] : memref<2x128x128xf32, #tpu.memory_space<vmem>> -> memref<1x128x128xf32, #tpu.memory_space<vmem>>
        %dma_start3A_57 = tpu.memref_squeeze %dma_start3A_56 : memref<1x128x128xf32, #tpu.memory_space<vmem>> -> memref<128x128xf32, #tpu.memory_space<vmem>>
        %dma_start3A_58 = arith.constant 0 : i32
        %dma_start3A_59 = tpu.memref_slice %arg6[%dma_start3A, %dma_start3A_58] : memref<16x128xi32, #tpu.memory_space<vmem>> -> memref<1x128xi32, #tpu.memory_space<vmem>>
        %dma_start3A_60 = tpu.memref_squeeze %dma_start3A_59 : memref<1x128xi32, #tpu.memory_space<vmem>> -> memref<128xi32, #tpu.memory_space<vmem>>
        %dma_start3A_61 = arith.constant 0 : i32
        %dma_start3A_62 = arith.constant 0 : i32
        %dma_start3A_63 = tpu.memref_slice %arg2[%dma_start3A_61, %dma_start3A_62] : memref<10000x128xf32, #tpu.memory_space<hbm>> -> memref<10000x128xf32, #tpu.memory_space<hbm>>
        tpu.enqueue_indirect_dma source(%dma_start3A_63 : memref<10000x128xf32, #tpu.memory_space<hbm>>) target(%dma_start3A_57 : memref<128x128xf32, #tpu.memory_space<vmem>>) offsets(%dma_start3A_60 : memref<128xi32, #tpu.memory_space<vmem>>) semaphore(%arg10 : memref<!tpu.dma_semaphore, #tpu.memory_space<semaphore_mem>>)
        %scan3A_64 = arith.constant 0 : i32
        %scan3A_65 = arith.constant 0 : i32
        %scan3A_66 = arith.constant 16 : i32
        %scan3A_67 = arith.addi %scan3A_65, %scan3A_66 : i32
        %scan3A_68 = arith.constant 1 : i32
        %scan3A_69 = scf.for %scan3A_71 = %scan3A_65 to %scan3A_67 step %scan3A_68 iter_args(%scan3A_72 = %scan3A_64) -> (i32)  : i32 {
          %rem3A = arith.constant 2 : i32
          %rem3A_73 = arith.remsi %scan3A_71, %rem3A : i32
          %dma_wait3A = arith.constant 0 : i32
          %dma_wait3A_74 = arith.constant 0 : i32
          %dma_wait3A_75 = tpu.memref_slice %arg8[%rem3A_73, %dma_wait3A, %dma_wait3A_74] : memref<2x128x128xf32, #tpu.memory_space<vmem>> -> memref<1x128x128xf32, #tpu.memory_space<vmem>>
          %dma_wait3A_76 = tpu.memref_squeeze %dma_wait3A_75 : memref<1x128x128xf32, #tpu.memory_space<vmem>> -> memref<128x128xf32, #tpu.memory_space<vmem>>
          %dma_wait3A_77 = arith.constant 0 : i32
          %dma_wait3A_78 = tpu.memref_slice %arg6[%scan3A_71, %dma_wait3A_77] : memref<16x128xi32, #tpu.memory_space<vmem>> -> memref<1x128xi32, #tpu.memory_space<vmem>>
          %dma_wait3A_79 = tpu.memref_squeeze %dma_wait3A_78 : memref<1x128xi32, #tpu.memory_space<vmem>> -> memref<128xi32, #tpu.memory_space<vmem>>
          %dma_wait3A_80 = arith.constant 0 : i32
          %dma_wait3A_81 = arith.constant 0 : i32
          %dma_wait3A_82 = tpu.memref_slice %arg2[%dma_wait3A_80, %dma_wait3A_81] : memref<10000x128xf32, #tpu.memory_space<hbm>> -> memref<10000x128xf32, #tpu.memory_space<hbm>>
          tpu.wait_indirect_dma semaphore(%arg10 : memref<!tpu.dma_semaphore, #tpu.memory_space<semaphore_mem>>) src(%dma_wait3A_82 : memref<10000x128xf32, #tpu.memory_space<hbm>>) dst(%dma_wait3A_76 : memref<128x128xf32, #tpu.memory_space<vmem>>)
          %add3A_83 = arith.constant 1 : i32
          %add3A_84 = arith.addi %scan3A_71, %add3A_83 : i32
          %lt3A_85 = arith.constant 16 : i32
          %lt3A_86 = arith.cmpi slt, %add3A_84, %lt3A_85 : i32
          %convert_element_type3A_87 = arith.extui %lt3A_86 : i1 to i32
          %cond3A_88 = arith.constant 0 : i32
          %cond3A_89 = arith.cmpi ne, %convert_element_type3A_87, %cond3A_88 : i32
          scf.if %cond3A_89 {
            %add3A_91 = arith.constant 1 : i32
            %add3A_92 = arith.addi %scan3A_71, %add3A_91 : i32
            %add3A_93 = arith.constant 1 : i32
            %add3A_94 = arith.addi %scan3A_71, %add3A_93 : i32
            %rem3A_95 = arith.constant 2 : i32
            %rem3A_96 = arith.remsi %add3A_94, %rem3A_95 : i32
            %dma_start3A_97 = arith.constant 0 : i32
            %dma_start3A_98 = arith.constant 0 : i32
            %dma_start3A_99 = tpu.memref_slice %arg8[%rem3A_96, %dma_start3A_97, %dma_start3A_98] : memref<2x128x128xf32, #tpu.memory_space<vmem>> -> memref<1x128x128xf32, #tpu.memory_space<vmem>>
            %dma_start3A_100 = tpu.memref_squeeze %dma_start3A_99 : memref<1x128x128xf32, #tpu.memory_space<vmem>> -> memref<128x128xf32, #tpu.memory_space<vmem>>
            %dma_start3A_101 = arith.constant 0 : i32
            %dma_start3A_102 = tpu.memref_slice %arg6[%add3A_92, %dma_start3A_101] : memref<16x128xi32, #tpu.memory_space<vmem>> -> memref<1x128xi32, #tpu.memory_space<vmem>>
            %dma_start3A_103 = tpu.memref_squeeze %dma_start3A_102 : memref<1x128xi32, #tpu.memory_space<vmem>> -> memref<128xi32, #tpu.memory_space<vmem>>
            %dma_start3A_104 = arith.constant 0 : i32
            %dma_start3A_105 = arith.constant 0 : i32
            %dma_start3A_106 = tpu.memref_slice %arg2[%dma_start3A_104, %dma_start3A_105] : memref<10000x128xf32, #tpu.memory_space<hbm>> -> memref<10000x128xf32, #tpu.memory_space<hbm>>
            tpu.enqueue_indirect_dma source(%dma_start3A_106 : memref<10000x128xf32, #tpu.memory_space<hbm>>) target(%dma_start3A_100 : memref<128x128xf32, #tpu.memory_space<vmem>>) offsets(%dma_start3A_103 : memref<128xi32, #tpu.memory_space<vmem>>) semaphore(%arg10 : memref<!tpu.dma_semaphore, #tpu.memory_space<semaphore_mem>>)
          } else {
          }
          "tpu.region"() ({
            %run_scoped3A_91 = tpu.sem_alloc : memref<!tpu.dma_semaphore, #tpu.memory_space<semaphore_mem>>
            %dma_start3A_92 = arith.constant 0 : i32
            %dma_start3A_93 = arith.constant 0 : i32
            %dma_start3A_94 = tpu.memref_slice %arg8[%rem3A_73, %dma_start3A_92, %dma_start3A_93] : memref<2x128x128xf32, #tpu.memory_space<vmem>> -> memref<1x128x128xf32, #tpu.memory_space<vmem>>
            %dma_start3A_95 = tpu.memref_squeeze %dma_start3A_94 : memref<1x128x128xf32, #tpu.memory_space<vmem>> -> memref<128x128xf32, #tpu.memory_space<vmem>>
            %dma_start3A_96 = arith.constant 0 : i32
            %dma_start3A_97 = tpu.memref_slice %arg7[%scan3A_71, %dma_start3A_96] : memref<16x128xi32, #tpu.memory_space<vmem>> -> memref<1x128xi32, #tpu.memory_space<vmem>>
            %dma_start3A_98 = tpu.memref_squeeze %dma_start3A_97 : memref<1x128xi32, #tpu.memory_space<vmem>> -> memref<128xi32, #tpu.memory_space<vmem>>
            %dma_start3A_99 = arith.constant 0 : i32
            %dma_start3A_100 = arith.constant 0 : i32
            %dma_start3A_101 = tpu.memref_slice %arg9[%dma_start3A_99, %dma_start3A_100] : memref<10112x128xf32, #tpu.memory_space<vmem_shared>> -> memref<10112x128xf32, #tpu.memory_space<vmem_shared>>
            tpu.enqueue_indirect_dma source(%dma_start3A_95 : memref<128x128xf32, #tpu.memory_space<vmem>>) target(%dma_start3A_101 : memref<10112x128xf32, #tpu.memory_space<vmem_shared>>) offsets(%dma_start3A_98 : memref<128xi32, #tpu.memory_space<vmem>>) semaphore(%run_scoped3A_91 : memref<!tpu.dma_semaphore, #tpu.memory_space<semaphore_mem>>) {add = true}
            %dma_wait3A_102 = arith.constant 0 : i32
            %dma_wait3A_103 = arith.constant 0 : i32
            %dma_wait3A_104 = tpu.memref_slice %arg8[%rem3A_73, %dma_wait3A_102, %dma_wait3A_103] : memref<2x128x128xf32, #tpu.memory_space<vmem>> -> memref<1x128x128xf32, #tpu.memory_space<vmem>>
            %dma_wait3A_105 = tpu.memref_squeeze %dma_wait3A_104 : memref<1x128x128xf32, #tpu.memory_space<vmem>> -> memref<128x128xf32, #tpu.memory_space<vmem>>
            %dma_wait3A_106 = arith.constant 0 : i32
            %dma_wait3A_107 = tpu.memref_slice %arg7[%scan3A_71, %dma_wait3A_106] : memref<16x128xi32, #tpu.memory_space<vmem>> -> memref<1x128xi32, #tpu.memory_space<vmem>>
            %dma_wait3A_108 = tpu.memref_squeeze %dma_wait3A_107 : memref<1x128xi32, #tpu.memory_space<vmem>> -> memref<128xi32, #tpu.memory_space<vmem>>
            %dma_wait3A_109 = arith.constant 0 : i32
            %dma_wait3A_110 = arith.constant 0 : i32
            %dma_wait3A_111 = tpu.memref_slice %arg9[%dma_wait3A_109, %dma_wait3A_110] : memref<10112x128xf32, #tpu.memory_space<vmem_shared>> -> memref<10112x128xf32, #tpu.memory_space<vmem_shared>>
            tpu.wait_indirect_dma semaphore(%run_scoped3A_91 : memref<!tpu.dma_semaphore, #tpu.memory_space<semaphore_mem>>) src(%dma_wait3A_105 : memref<128x128xf32, #tpu.memory_space<vmem>>) dst(%dma_wait3A_111 : memref<10112x128xf32, #tpu.memory_space<vmem_shared>>)
            tpu.yield
          }) : () -> ()
          %scan3A_90 = arith.constant 0 : i32
          scf.yield %scan3A_90 : i32
        }
        %scan3A_70 = arith.constant 16 : i32
      } else {
      }
      %scan3A_49 = arith.constant 0 : i32
      scf.yield %scan3A_49 : i32
    }
    %scan3A_44 = arith.constant 9 : i32
    %barrier3A_45 = arith.constant 0 : index
    tpu.barrier barrier_id(%barrier3A_45)
    "tpu.region"() ({
      %run_scoped3A_46 = tpu.sem_alloc : memref<!tpu.dma_semaphore, #tpu.memory_space<semaphore_mem>>
      %dma_start3A = arith.constant 0 : i32
      %dma_start3A_47 = tpu.memref_slice %arg5[%arg0, %mul3A_23, %dma_start3A] : memref<2x10112x128xf32, #tpu.memory_space<hbm>> -> memref<1x632x128xf32, #tpu.memory_space<hbm>>
      %dma_start3A_48 = tpu.memref_squeeze %dma_start3A_47 : memref<1x632x128xf32, #tpu.memory_space<hbm>> -> memref<632x128xf32, #tpu.memory_space<hbm>>
      %dma_start3A_49 = arith.constant 0 : i32
      %dma_start3A_50 = tpu.memref_slice %arg9[%mul3A_23, %dma_start3A_49] : memref<10112x128xf32, #tpu.memory_space<vmem_shared>> -> memref<632x128xf32, #tpu.memory_space<vmem_shared>>
      tpu.enqueue_dma source(%dma_start3A_50 : memref<632x128xf32, #tpu.memory_space<vmem_shared>>) target(%dma_start3A_48 : memref<632x128xf32, #tpu.memory_space<hbm>>) target_semaphore(%run_scoped3A_46 : memref<!tpu.dma_semaphore, #tpu.memory_space<semaphore_mem>>)
      %dma_wait3A = arith.constant 0 : i32
      %dma_wait3A_51 = tpu.memref_slice %arg5[%arg0, %mul3A_23, %dma_wait3A] : memref<2x10112x128xf32, #tpu.memory_space<hbm>> -> memref<1x632x128xf32, #tpu.memory_space<hbm>>
      %dma_wait3A_52 = tpu.memref_squeeze %dma_wait3A_51 : memref<1x632x128xf32, #tpu.memory_space<hbm>> -> memref<632x128xf32, #tpu.memory_space<hbm>>
      %dma_wait3A_53 = arith.constant 0 : i32
      %dma_wait3A_54 = tpu.memref_slice %arg9[%mul3A_23, %dma_wait3A_53] : memref<10112x128xf32, #tpu.memory_space<vmem_shared>> -> memref<632x128xf32, #tpu.memory_space<vmem_shared>>
      tpu.wait_dma2 semaphore(%run_scoped3A_46 : memref<!tpu.dma_semaphore, #tpu.memory_space<semaphore_mem>>) src(%dma_wait3A_54 : memref<632x128xf32, #tpu.memory_space<vmem_shared>>) dst(%dma_wait3A_52 : memref<632x128xf32, #tpu.memory_space<hbm>>)
      tpu.yield
    }) : () -> ()
    return
  }
}

#map = affine_map<(d0, d1) -> (0, 0)>
#map1 = affine_map<(d0, d1) -> (0, 0, 0)>
module attributes {stable_mosaic.version = 14 : i64} {
  func.func @degcnt(%arg0: i32, %arg1: i32, %arg2: memref<10000x128xf32, #tpu.memory_space<hbm>>, %arg3: memref<2560x128xi32, #tpu.memory_space<hbm>>, %arg4: memref<2560x128xi32, #tpu.memory_space<hbm>>, %arg5: memref<2x10112x128xf32, #tpu.memory_space<hbm>>, %arg6: memref<16x128xi32, #tpu.memory_space<vmem>>, %arg7: memref<16x128xi32, #tpu.memory_space<vmem>>, %arg8: memref<1x128x128xf32, #tpu.memory_space<vmem>>, %arg9: memref<10112x128xf32, #tpu.memory_space<vmem_shared>>, %arg10: memref<!tpu.dma_semaphore, #tpu.memory_space<semaphore_mem>>) attributes {dimension_semantics = [#tpu.dimension_semantics<core_parallel>, #tpu.dimension_semantics<subcore_parallel>], iteration_bounds = array<i64: 2, 16>, scalar_prefetch = 0 : i64, scratch_operands = 5 : i64, tpu.core_type = #tpu.core_type<sc_vector_subcore>, window_params = [{transform_indices = #map}, {transform_indices = #map}, {transform_indices = #map}, {transform_indices = #map1}]} {
    %mul3A = arith.constant 16 : i32
    %mul3A_0 = arith.muli %arg0, %mul3A : i32
    %add3A = arith.addi %mul3A_0, %arg1 : i32
    %mul3A_1 = arith.constant 80 : i32
    %mul3A_2 = arith.muli %add3A, %mul3A_1 : i32
    %broadcast_in_dim3A = arith.constant 0.000000e+00 : f32
    %broadcast_in_dim3A_3 = vector.broadcast %broadcast_in_dim3A : f32 to vector<16xf32>
    %scan3A = arith.constant 0 : i32
    %scan3A_4 = arith.constant 0 : i32
    %scan3A_5 = arith.constant 128 : i32
    %scan3A_6 = arith.addi %scan3A_4, %scan3A_5 : i32
    %scan3A_7 = arith.constant 1 : i32
    %scan3A_8 = scf.for %scan3A_43 = %scan3A_4 to %scan3A_6 step %scan3A_7 iter_args(%scan3A_44 = %scan3A) -> (i32)  : i32 {
      %swap3A = arith.constant 0 : i32
      %swap3A_45 = arith.index_cast %swap3A : i32 to index
      %swap3A_46 = arith.index_cast %scan3A_43 : i32 to index
      %swap3A_47 = arith.constant 0 : index
      %swap3A_48 = tpu.vector_load %arg8[%swap3A_45, %swap3A_46, %swap3A_47] {strides = array<i32>} : memref<1x128x128xf32, #tpu.memory_space<vmem>>, vector<1x1x16xf32>,
      %swap3A_49 = vector.shape_cast %swap3A_48 : vector<1x1x16xf32> to vector<16xf32>
      %swap3A_50 = vector.shape_cast %broadcast_in_dim3A_3 : vector<16xf32> to vector<1x1x16xf32>
      tpu.vector_store %arg8[%swap3A_45, %swap3A_46, %swap3A_47], %swap3A_50 {strides = array<i32>} : memref<1x128x128xf32, #tpu.memory_space<vmem>>, vector<1x1x16xf32>,
      %swap3A_51 = arith.constant 0 : i32
      %swap3A_52 = arith.index_cast %swap3A_51 : i32 to index
      %swap3A_53 = arith.index_cast %scan3A_43 : i32 to index
      %swap3A_54 = arith.constant 16 : index
      %swap3A_55 = tpu.vector_load %arg8[%swap3A_52, %swap3A_53, %swap3A_54] {strides = array<i32>} : memref<1x128x128xf32, #tpu.memory_space<vmem>>, vector<1x1x16xf32>,
      %swap3A_56 = vector.shape_cast %swap3A_55 : vector<1x1x16xf32> to vector<16xf32>
      %swap3A_57 = vector.shape_cast %broadcast_in_dim3A_3 : vector<16xf32> to vector<1x1x16xf32>
      tpu.vector_store %arg8[%swap3A_52, %swap3A_53, %swap3A_54], %swap3A_57 {strides = array<i32>} : memref<1x128x128xf32, #tpu.memory_space<vmem>>, vector<1x1x16xf32>,
      %swap3A_58 = arith.constant 0 : i32
      %swap3A_59 = arith.index_cast %swap3A_58 : i32 to index
      %swap3A_60 = arith.index_cast %scan3A_43 : i32 to index
      %swap3A_61 = arith.constant 32 : index
      %swap3A_62 = tpu.vector_load %arg8[%swap3A_59, %swap3A_60, %swap3A_61] {strides = array<i32>} : memref<1x128x128xf32, #tpu.memory_space<vmem>>, vector<1x1x16xf32>,
      %swap3A_63 = vector.shape_cast %swap3A_62 : vector<1x1x16xf32> to vector<16xf32>
      %swap3A_64 = vector.shape_cast %broadcast_in_dim3A_3 : vector<16xf32> to vector<1x1x16xf32>
      tpu.vector_store %arg8[%swap3A_59, %swap3A_60, %swap3A_61], %swap3A_64 {strides = array<i32>} : memref<1x128x128xf32, #tpu.memory_space<vmem>>, vector<1x1x16xf32>,
      %swap3A_65 = arith.constant 0 : i32
      %swap3A_66 = arith.index_cast %swap3A_65 : i32 to index
      %swap3A_67 = arith.index_cast %scan3A_43 : i32 to index
      %swap3A_68 = arith.constant 48 : index
      %swap3A_69 = tpu.vector_load %arg8[%swap3A_66, %swap3A_67, %swap3A_68] {strides = array<i32>} : memref<1x128x128xf32, #tpu.memory_space<vmem>>, vector<1x1x16xf32>,
      %swap3A_70 = vector.shape_cast %swap3A_69 : vector<1x1x16xf32> to vector<16xf32>
      %swap3A_71 = vector.shape_cast %broadcast_in_dim3A_3 : vector<16xf32> to vector<1x1x16xf32>
      tpu.vector_store %arg8[%swap3A_66, %swap3A_67, %swap3A_68], %swap3A_71 {strides = array<i32>} : memref<1x128x128xf32, #tpu.memory_space<vmem>>, vector<1x1x16xf32>,
      %swap3A_72 = arith.constant 0 : i32
      %swap3A_73 = arith.index_cast %swap3A_72 : i32 to index
      %swap3A_74 = arith.index_cast %scan3A_43 : i32 to index
      %swap3A_75 = arith.constant 64 : index
      %swap3A_76 = tpu.vector_load %arg8[%swap3A_73, %swap3A_74, %swap3A_75] {strides = array<i32>} : memref<1x128x128xf32, #tpu.memory_space<vmem>>, vector<1x1x16xf32>,
      %swap3A_77 = vector.shape_cast %swap3A_76 : vector<1x1x16xf32> to vector<16xf32>
      %swap3A_78 = vector.shape_cast %broadcast_in_dim3A_3 : vector<16xf32> to vector<1x1x16xf32>
      tpu.vector_store %arg8[%swap3A_73, %swap3A_74, %swap3A_75], %swap3A_78 {strides = array<i32>} : memref<1x128x128xf32, #tpu.memory_space<vmem>>, vector<1x1x16xf32>,
      %swap3A_79 = arith.constant 0 : i32
      %swap3A_80 = arith.index_cast %swap3A_79 : i32 to index
      %swap3A_81 = arith.index_cast %scan3A_43 : i32 to index
      %swap3A_82 = arith.constant 80 : index
      %swap3A_83 = tpu.vector_load %arg8[%swap3A_80, %swap3A_81, %swap3A_82] {strides = array<i32>} : memref<1x128x128xf32, #tpu.memory_space<vmem>>, vector<1x1x16xf32>,
      %swap3A_84 = vector.shape_cast %swap3A_83 : vector<1x1x16xf32> to vector<16xf32>
      %swap3A_85 = vector.shape_cast %broadcast_in_dim3A_3 : vector<16xf32> to vector<1x1x16xf32>
      tpu.vector_store %arg8[%swap3A_80, %swap3A_81, %swap3A_82], %swap3A_85 {strides = array<i32>} : memref<1x128x128xf32, #tpu.memory_space<vmem>>, vector<1x1x16xf32>,
      %swap3A_86 = arith.constant 0 : i32
      %swap3A_87 = arith.index_cast %swap3A_86 : i32 to index
      %swap3A_88 = arith.index_cast %scan3A_43 : i32 to index
      %swap3A_89 = arith.constant 96 : index
      %swap3A_90 = tpu.vector_load %arg8[%swap3A_87, %swap3A_88, %swap3A_89] {strides = array<i32>} : memref<1x128x128xf32, #tpu.memory_space<vmem>>, vector<1x1x16xf32>,
      %swap3A_91 = vector.shape_cast %swap3A_90 : vector<1x1x16xf32> to vector<16xf32>
      %swap3A_92 = vector.shape_cast %broadcast_in_dim3A_3 : vector<16xf32> to vector<1x1x16xf32>
      tpu.vector_store %arg8[%swap3A_87, %swap3A_88, %swap3A_89], %swap3A_92 {strides = array<i32>} : memref<1x128x128xf32, #tpu.memory_space<vmem>>, vector<1x1x16xf32>,
      %swap3A_93 = arith.constant 0 : i32
      %swap3A_94 = arith.index_cast %swap3A_93 : i32 to index
      %swap3A_95 = arith.index_cast %scan3A_43 : i32 to index
      %swap3A_96 = arith.constant 112 : index
      %swap3A_97 = tpu.vector_load %arg8[%swap3A_94, %swap3A_95, %swap3A_96] {strides = array<i32>} : memref<1x128x128xf32, #tpu.memory_space<vmem>>, vector<1x1x16xf32>,
      %swap3A_98 = vector.shape_cast %swap3A_97 : vector<1x1x16xf32> to vector<16xf32>
      %swap3A_99 = vector.shape_cast %broadcast_in_dim3A_3 : vector<16xf32> to vector<1x1x16xf32>
      tpu.vector_store %arg8[%swap3A_94, %swap3A_95, %swap3A_96], %swap3A_99 {strides = array<i32>} : memref<1x128x128xf32, #tpu.memory_space<vmem>>, vector<1x1x16xf32>,
      %scan3A_100 = arith.constant 0 : i32
      scf.yield %scan3A_100 : i32
    }
    %scan3A_9 = arith.constant 128 : i32
    %mul3A_10 = arith.constant 632 : i32
    %mul3A_11 = arith.muli %arg1, %mul3A_10 : i32
    %add3A_12 = arith.constant 0 : i32
    %add3A_13 = arith.addi %mul3A_11, %add3A_12 : i32
    %run_scoped3A = arith.constant 0 : i32
    "tpu.region"() ({
      %run_scoped3A_43 = tpu.sem_alloc : memref<!tpu.dma_semaphore, #tpu.memory_space<semaphore_mem>>
      %dma_start3A = arith.constant 0 : i32
      %dma_start3A_44 = arith.constant 0 : i32
      %dma_start3A_45 = tpu.memref_slice %arg8[%run_scoped3A, %dma_start3A, %dma_start3A_44] : memref<1x128x128xf32, #tpu.memory_space<vmem>> -> memref<1x128x128xf32, #tpu.memory_space<vmem>>
      %dma_start3A_46 = tpu.memref_squeeze %dma_start3A_45 : memref<1x128x128xf32, #tpu.memory_space<vmem>> -> memref<128x128xf32, #tpu.memory_space<vmem>>
      %dma_start3A_47 = arith.constant 0 : i32
      %dma_start3A_48 = tpu.memref_slice %arg9[%add3A_13, %dma_start3A_47] : memref<10112x128xf32, #tpu.memory_space<vmem_shared>> -> memref<128x128xf32, #tpu.memory_space<vmem_shared>>
      %dma_start3A_49 = arith.constant 0 : i32
      %dma_start3A_50 = tpu.memref_slice %arg9[%add3A_13, %dma_start3A_49] : memref<10112x128xf32, #tpu.memory_space<vmem_shared>> -> memref<128x128xf32, #tpu.memory_space<vmem_shared>>
      %dma_start3A_51 = arith.constant 0 : i32
      %dma_start3A_52 = arith.constant 0 : i32
      %dma_start3A_53 = tpu.memref_slice %arg8[%run_scoped3A, %dma_start3A_51, %dma_start3A_52] : memref<1x128x128xf32, #tpu.memory_space<vmem>> -> memref<1x128x128xf32, #tpu.memory_space<vmem>>
      %dma_start3A_54 = tpu.memref_squeeze %dma_start3A_53 : memref<1x128x128xf32, #tpu.memory_space<vmem>> -> memref<128x128xf32, #tpu.memory_space<vmem>>
      tpu.enqueue_dma source(%dma_start3A_54 : memref<128x128xf32, #tpu.memory_space<vmem>>) target(%dma_start3A_50 : memref<128x128xf32, #tpu.memory_space<vmem_shared>>) target_semaphore(%run_scoped3A_43 : memref<!tpu.dma_semaphore, #tpu.memory_space<semaphore_mem>>)
      %dma_wait3A = arith.constant 0 : i32
      %dma_wait3A_55 = arith.constant 0 : i32
      %dma_wait3A_56 = tpu.memref_slice %arg8[%run_scoped3A, %dma_wait3A, %dma_wait3A_55] : memref<1x128x128xf32, #tpu.memory_space<vmem>> -> memref<1x128x128xf32, #tpu.memory_space<vmem>>
      %dma_wait3A_57 = tpu.memref_squeeze %dma_wait3A_56 : memref<1x128x128xf32, #tpu.memory_space<vmem>> -> memref<128x128xf32, #tpu.memory_space<vmem>>
      %dma_wait3A_58 = arith.constant 0 : i32
      %dma_wait3A_59 = tpu.memref_slice %arg9[%add3A_13, %dma_wait3A_58] : memref<10112x128xf32, #tpu.memory_space<vmem_shared>> -> memref<128x128xf32, #tpu.memory_space<vmem_shared>>
      %dma_wait3A_60 = arith.constant 0 : i32
      %dma_wait3A_61 = tpu.memref_slice %arg9[%add3A_13, %dma_wait3A_60] : memref<10112x128xf32, #tpu.memory_space<vmem_shared>> -> memref<128x128xf32, #tpu.memory_space<vmem_shared>>
      %dma_wait3A_62 = arith.constant 0 : i32
      %dma_wait3A_63 = arith.constant 0 : i32
      %dma_wait3A_64 = tpu.memref_slice %arg8[%run_scoped3A, %dma_wait3A_62, %dma_wait3A_63] : memref<1x128x128xf32, #tpu.memory_space<vmem>> -> memref<1x128x128xf32, #tpu.memory_space<vmem>>
      %dma_wait3A_65 = tpu.memref_squeeze %dma_wait3A_64 : memref<1x128x128xf32, #tpu.memory_space<vmem>> -> memref<128x128xf32, #tpu.memory_space<vmem>>
      tpu.wait_dma2 semaphore(%run_scoped3A_43 : memref<!tpu.dma_semaphore, #tpu.memory_space<semaphore_mem>>) src(%dma_wait3A_65 : memref<128x128xf32, #tpu.memory_space<vmem>>) dst(%dma_wait3A_61 : memref<128x128xf32, #tpu.memory_space<vmem_shared>>)
      tpu.yield
    }) : () -> ()
    %add3A_14 = arith.constant 128 : i32
    %add3A_15 = arith.addi %mul3A_11, %add3A_14 : i32
    %run_scoped3A_16 = arith.constant 0 : i32
    "tpu.region"() ({
      %run_scoped3A_43 = tpu.sem_alloc : memref<!tpu.dma_semaphore, #tpu.memory_space<semaphore_mem>>
      %dma_start3A = arith.constant 0 : i32
      %dma_start3A_44 = arith.constant 0 : i32
      %dma_start3A_45 = tpu.memref_slice %arg8[%run_scoped3A_16, %dma_start3A, %dma_start3A_44] : memref<1x128x128xf32, #tpu.memory_space<vmem>> -> memref<1x128x128xf32, #tpu.memory_space<vmem>>
      %dma_start3A_46 = tpu.memref_squeeze %dma_start3A_45 : memref<1x128x128xf32, #tpu.memory_space<vmem>> -> memref<128x128xf32, #tpu.memory_space<vmem>>
      %dma_start3A_47 = arith.constant 0 : i32
      %dma_start3A_48 = tpu.memref_slice %arg9[%add3A_15, %dma_start3A_47] : memref<10112x128xf32, #tpu.memory_space<vmem_shared>> -> memref<128x128xf32, #tpu.memory_space<vmem_shared>>
      %dma_start3A_49 = arith.constant 0 : i32
      %dma_start3A_50 = tpu.memref_slice %arg9[%add3A_15, %dma_start3A_49] : memref<10112x128xf32, #tpu.memory_space<vmem_shared>> -> memref<128x128xf32, #tpu.memory_space<vmem_shared>>
      %dma_start3A_51 = arith.constant 0 : i32
      %dma_start3A_52 = arith.constant 0 : i32
      %dma_start3A_53 = tpu.memref_slice %arg8[%run_scoped3A_16, %dma_start3A_51, %dma_start3A_52] : memref<1x128x128xf32, #tpu.memory_space<vmem>> -> memref<1x128x128xf32, #tpu.memory_space<vmem>>
      %dma_start3A_54 = tpu.memref_squeeze %dma_start3A_53 : memref<1x128x128xf32, #tpu.memory_space<vmem>> -> memref<128x128xf32, #tpu.memory_space<vmem>>
      tpu.enqueue_dma source(%dma_start3A_54 : memref<128x128xf32, #tpu.memory_space<vmem>>) target(%dma_start3A_50 : memref<128x128xf32, #tpu.memory_space<vmem_shared>>) target_semaphore(%run_scoped3A_43 : memref<!tpu.dma_semaphore, #tpu.memory_space<semaphore_mem>>)
      %dma_wait3A = arith.constant 0 : i32
      %dma_wait3A_55 = arith.constant 0 : i32
      %dma_wait3A_56 = tpu.memref_slice %arg8[%run_scoped3A_16, %dma_wait3A, %dma_wait3A_55] : memref<1x128x128xf32, #tpu.memory_space<vmem>> -> memref<1x128x128xf32, #tpu.memory_space<vmem>>
      %dma_wait3A_57 = tpu.memref_squeeze %dma_wait3A_56 : memref<1x128x128xf32, #tpu.memory_space<vmem>> -> memref<128x128xf32, #tpu.memory_space<vmem>>
      %dma_wait3A_58 = arith.constant 0 : i32
      %dma_wait3A_59 = tpu.memref_slice %arg9[%add3A_15, %dma_wait3A_58] : memref<10112x128xf32, #tpu.memory_space<vmem_shared>> -> memref<128x128xf32, #tpu.memory_space<vmem_shared>>
      %dma_wait3A_60 = arith.constant 0 : i32
      %dma_wait3A_61 = tpu.memref_slice %arg9[%add3A_15, %dma_wait3A_60] : memref<10112x128xf32, #tpu.memory_space<vmem_shared>> -> memref<128x128xf32, #tpu.memory_space<vmem_shared>>
      %dma_wait3A_62 = arith.constant 0 : i32
      %dma_wait3A_63 = arith.constant 0 : i32
      %dma_wait3A_64 = tpu.memref_slice %arg8[%run_scoped3A_16, %dma_wait3A_62, %dma_wait3A_63] : memref<1x128x128xf32, #tpu.memory_space<vmem>> -> memref<1x128x128xf32, #tpu.memory_space<vmem>>
      %dma_wait3A_65 = tpu.memref_squeeze %dma_wait3A_64 : memref<1x128x128xf32, #tpu.memory_space<vmem>> -> memref<128x128xf32, #tpu.memory_space<vmem>>
      tpu.wait_dma2 semaphore(%run_scoped3A_43 : memref<!tpu.dma_semaphore, #tpu.memory_space<semaphore_mem>>) src(%dma_wait3A_65 : memref<128x128xf32, #tpu.memory_space<vmem>>) dst(%dma_wait3A_61 : memref<128x128xf32, #tpu.memory_space<vmem_shared>>)
      tpu.yield
    }) : () -> ()
    %add3A_17 = arith.constant 256 : i32
    %add3A_18 = arith.addi %mul3A_11, %add3A_17 : i32
    %run_scoped3A_19 = arith.constant 0 : i32
    "tpu.region"() ({
      %run_scoped3A_43 = tpu.sem_alloc : memref<!tpu.dma_semaphore, #tpu.memory_space<semaphore_mem>>
      %dma_start3A = arith.constant 0 : i32
      %dma_start3A_44 = arith.constant 0 : i32
      %dma_start3A_45 = tpu.memref_slice %arg8[%run_scoped3A_19, %dma_start3A, %dma_start3A_44] : memref<1x128x128xf32, #tpu.memory_space<vmem>> -> memref<1x128x128xf32, #tpu.memory_space<vmem>>
      %dma_start3A_46 = tpu.memref_squeeze %dma_start3A_45 : memref<1x128x128xf32, #tpu.memory_space<vmem>> -> memref<128x128xf32, #tpu.memory_space<vmem>>
      %dma_start3A_47 = arith.constant 0 : i32
      %dma_start3A_48 = tpu.memref_slice %arg9[%add3A_18, %dma_start3A_47] : memref<10112x128xf32, #tpu.memory_space<vmem_shared>> -> memref<128x128xf32, #tpu.memory_space<vmem_shared>>
      %dma_start3A_49 = arith.constant 0 : i32
      %dma_start3A_50 = tpu.memref_slice %arg9[%add3A_18, %dma_start3A_49] : memref<10112x128xf32, #tpu.memory_space<vmem_shared>> -> memref<128x128xf32, #tpu.memory_space<vmem_shared>>
      %dma_start3A_51 = arith.constant 0 : i32
      %dma_start3A_52 = arith.constant 0 : i32
      %dma_start3A_53 = tpu.memref_slice %arg8[%run_scoped3A_19, %dma_start3A_51, %dma_start3A_52] : memref<1x128x128xf32, #tpu.memory_space<vmem>> -> memref<1x128x128xf32, #tpu.memory_space<vmem>>
      %dma_start3A_54 = tpu.memref_squeeze %dma_start3A_53 : memref<1x128x128xf32, #tpu.memory_space<vmem>> -> memref<128x128xf32, #tpu.memory_space<vmem>>
      tpu.enqueue_dma source(%dma_start3A_54 : memref<128x128xf32, #tpu.memory_space<vmem>>) target(%dma_start3A_50 : memref<128x128xf32, #tpu.memory_space<vmem_shared>>) target_semaphore(%run_scoped3A_43 : memref<!tpu.dma_semaphore, #tpu.memory_space<semaphore_mem>>)
      %dma_wait3A = arith.constant 0 : i32
      %dma_wait3A_55 = arith.constant 0 : i32
      %dma_wait3A_56 = tpu.memref_slice %arg8[%run_scoped3A_19, %dma_wait3A, %dma_wait3A_55] : memref<1x128x128xf32, #tpu.memory_space<vmem>> -> memref<1x128x128xf32, #tpu.memory_space<vmem>>
      %dma_wait3A_57 = tpu.memref_squeeze %dma_wait3A_56 : memref<1x128x128xf32, #tpu.memory_space<vmem>> -> memref<128x128xf32, #tpu.memory_space<vmem>>
      %dma_wait3A_58 = arith.constant 0 : i32
      %dma_wait3A_59 = tpu.memref_slice %arg9[%add3A_18, %dma_wait3A_58] : memref<10112x128xf32, #tpu.memory_space<vmem_shared>> -> memref<128x128xf32, #tpu.memory_space<vmem_shared>>
      %dma_wait3A_60 = arith.constant 0 : i32
      %dma_wait3A_61 = tpu.memref_slice %arg9[%add3A_18, %dma_wait3A_60] : memref<10112x128xf32, #tpu.memory_space<vmem_shared>> -> memref<128x128xf32, #tpu.memory_space<vmem_shared>>
      %dma_wait3A_62 = arith.constant 0 : i32
      %dma_wait3A_63 = arith.constant 0 : i32
      %dma_wait3A_64 = tpu.memref_slice %arg8[%run_scoped3A_19, %dma_wait3A_62, %dma_wait3A_63] : memref<1x128x128xf32, #tpu.memory_space<vmem>> -> memref<1x128x128xf32, #tpu.memory_space<vmem>>
      %dma_wait3A_65 = tpu.memref_squeeze %dma_wait3A_64 : memref<1x128x128xf32, #tpu.memory_space<vmem>> -> memref<128x128xf32, #tpu.memory_space<vmem>>
      tpu.wait_dma2 semaphore(%run_scoped3A_43 : memref<!tpu.dma_semaphore, #tpu.memory_space<semaphore_mem>>) src(%dma_wait3A_65 : memref<128x128xf32, #tpu.memory_space<vmem>>) dst(%dma_wait3A_61 : memref<128x128xf32, #tpu.memory_space<vmem_shared>>)
      tpu.yield
    }) : () -> ()
    %add3A_20 = arith.constant 384 : i32
    %add3A_21 = arith.addi %mul3A_11, %add3A_20 : i32
    %run_scoped3A_22 = arith.constant 0 : i32
    "tpu.region"() ({
      %run_scoped3A_43 = tpu.sem_alloc : memref<!tpu.dma_semaphore, #tpu.memory_space<semaphore_mem>>
      %dma_start3A = arith.constant 0 : i32
      %dma_start3A_44 = arith.constant 0 : i32
      %dma_start3A_45 = tpu.memref_slice %arg8[%run_scoped3A_22, %dma_start3A, %dma_start3A_44] : memref<1x128x128xf32, #tpu.memory_space<vmem>> -> memref<1x128x128xf32, #tpu.memory_space<vmem>>
      %dma_start3A_46 = tpu.memref_squeeze %dma_start3A_45 : memref<1x128x128xf32, #tpu.memory_space<vmem>> -> memref<128x128xf32, #tpu.memory_space<vmem>>
      %dma_start3A_47 = arith.constant 0 : i32
      %dma_start3A_48 = tpu.memref_slice %arg9[%add3A_21, %dma_start3A_47] : memref<10112x128xf32, #tpu.memory_space<vmem_shared>> -> memref<128x128xf32, #tpu.memory_space<vmem_shared>>
      %dma_start3A_49 = arith.constant 0 : i32
      %dma_start3A_50 = tpu.memref_slice %arg9[%add3A_21, %dma_start3A_49] : memref<10112x128xf32, #tpu.memory_space<vmem_shared>> -> memref<128x128xf32, #tpu.memory_space<vmem_shared>>
      %dma_start3A_51 = arith.constant 0 : i32
      %dma_start3A_52 = arith.constant 0 : i32
      %dma_start3A_53 = tpu.memref_slice %arg8[%run_scoped3A_22, %dma_start3A_51, %dma_start3A_52] : memref<1x128x128xf32, #tpu.memory_space<vmem>> -> memref<1x128x128xf32, #tpu.memory_space<vmem>>
      %dma_start3A_54 = tpu.memref_squeeze %dma_start3A_53 : memref<1x128x128xf32, #tpu.memory_space<vmem>> -> memref<128x128xf32, #tpu.memory_space<vmem>>
      tpu.enqueue_dma source(%dma_start3A_54 : memref<128x128xf32, #tpu.memory_space<vmem>>) target(%dma_start3A_50 : memref<128x128xf32, #tpu.memory_space<vmem_shared>>) target_semaphore(%run_scoped3A_43 : memref<!tpu.dma_semaphore, #tpu.memory_space<semaphore_mem>>)
      %dma_wait3A = arith.constant 0 : i32
      %dma_wait3A_55 = arith.constant 0 : i32
      %dma_wait3A_56 = tpu.memref_slice %arg8[%run_scoped3A_22, %dma_wait3A, %dma_wait3A_55] : memref<1x128x128xf32, #tpu.memory_space<vmem>> -> memref<1x128x128xf32, #tpu.memory_space<vmem>>
      %dma_wait3A_57 = tpu.memref_squeeze %dma_wait3A_56 : memref<1x128x128xf32, #tpu.memory_space<vmem>> -> memref<128x128xf32, #tpu.memory_space<vmem>>
      %dma_wait3A_58 = arith.constant 0 : i32
      %dma_wait3A_59 = tpu.memref_slice %arg9[%add3A_21, %dma_wait3A_58] : memref<10112x128xf32, #tpu.memory_space<vmem_shared>> -> memref<128x128xf32, #tpu.memory_space<vmem_shared>>
      %dma_wait3A_60 = arith.constant 0 : i32
      %dma_wait3A_61 = tpu.memref_slice %arg9[%add3A_21, %dma_wait3A_60] : memref<10112x128xf32, #tpu.memory_space<vmem_shared>> -> memref<128x128xf32, #tpu.memory_space<vmem_shared>>
      %dma_wait3A_62 = arith.constant 0 : i32
      %dma_wait3A_63 = arith.constant 0 : i32
      %dma_wait3A_64 = tpu.memref_slice %arg8[%run_scoped3A_22, %dma_wait3A_62, %dma_wait3A_63] : memref<1x128x128xf32, #tpu.memory_space<vmem>> -> memref<1x128x128xf32, #tpu.memory_space<vmem>>
      %dma_wait3A_65 = tpu.memref_squeeze %dma_wait3A_64 : memref<1x128x128xf32, #tpu.memory_space<vmem>> -> memref<128x128xf32, #tpu.memory_space<vmem>>
      tpu.wait_dma2 semaphore(%run_scoped3A_43 : memref<!tpu.dma_semaphore, #tpu.memory_space<semaphore_mem>>) src(%dma_wait3A_65 : memref<128x128xf32, #tpu.memory_space<vmem>>) dst(%dma_wait3A_61 : memref<128x128xf32, #tpu.memory_space<vmem_shared>>)
      tpu.yield
    }) : () -> ()
    %add3A_23 = arith.constant 512 : i32
    %add3A_24 = arith.addi %mul3A_11, %add3A_23 : i32
    %run_scoped3A_25 = arith.constant 0 : i32
    "tpu.region"() ({
      %run_scoped3A_43 = tpu.sem_alloc : memref<!tpu.dma_semaphore, #tpu.memory_space<semaphore_mem>>
      %dma_start3A = arith.constant 0 : i32
      %dma_start3A_44 = arith.constant 0 : i32
      %dma_start3A_45 = tpu.memref_slice %arg8[%run_scoped3A_25, %dma_start3A, %dma_start3A_44] : memref<1x128x128xf32, #tpu.memory_space<vmem>> -> memref<1x120x128xf32, #tpu.memory_space<vmem>>
      %dma_start3A_46 = tpu.memref_squeeze %dma_start3A_45 : memref<1x120x128xf32, #tpu.memory_space<vmem>> -> memref<120x128xf32, #tpu.memory_space<vmem>>
      %dma_start3A_47 = arith.constant 0 : i32
      %dma_start3A_48 = tpu.memref_slice %arg9[%add3A_24, %dma_start3A_47] : memref<10112x128xf32, #tpu.memory_space<vmem_shared>> -> memref<120x128xf32, #tpu.memory_space<vmem_shared>>
      %dma_start3A_49 = arith.constant 0 : i32
      %dma_start3A_50 = tpu.memref_slice %arg9[%add3A_24, %dma_start3A_49] : memref<10112x128xf32, #tpu.memory_space<vmem_shared>> -> memref<120x128xf32, #tpu.memory_space<vmem_shared>>
      %dma_start3A_51 = arith.constant 0 : i32
      %dma_start3A_52 = arith.constant 0 : i32
      %dma_start3A_53 = tpu.memref_slice %arg8[%run_scoped3A_25, %dma_start3A_51, %dma_start3A_52] : memref<1x128x128xf32, #tpu.memory_space<vmem>> -> memref<1x120x128xf32, #tpu.memory_space<vmem>>
      %dma_start3A_54 = tpu.memref_squeeze %dma_start3A_53 : memref<1x120x128xf32, #tpu.memory_space<vmem>> -> memref<120x128xf32, #tpu.memory_space<vmem>>
      tpu.enqueue_dma source(%dma_start3A_54 : memref<120x128xf32, #tpu.memory_space<vmem>>) target(%dma_start3A_50 : memref<120x128xf32, #tpu.memory_space<vmem_shared>>) target_semaphore(%run_scoped3A_43 : memref<!tpu.dma_semaphore, #tpu.memory_space<semaphore_mem>>)
      %dma_wait3A = arith.constant 0 : i32
      %dma_wait3A_55 = arith.constant 0 : i32
      %dma_wait3A_56 = tpu.memref_slice %arg8[%run_scoped3A_25, %dma_wait3A, %dma_wait3A_55] : memref<1x128x128xf32, #tpu.memory_space<vmem>> -> memref<1x120x128xf32, #tpu.memory_space<vmem>>
      %dma_wait3A_57 = tpu.memref_squeeze %dma_wait3A_56 : memref<1x120x128xf32, #tpu.memory_space<vmem>> -> memref<120x128xf32, #tpu.memory_space<vmem>>
      %dma_wait3A_58 = arith.constant 0 : i32
      %dma_wait3A_59 = tpu.memref_slice %arg9[%add3A_24, %dma_wait3A_58] : memref<10112x128xf32, #tpu.memory_space<vmem_shared>> -> memref<120x128xf32, #tpu.memory_space<vmem_shared>>
      %dma_wait3A_60 = arith.constant 0 : i32
      %dma_wait3A_61 = tpu.memref_slice %arg9[%add3A_24, %dma_wait3A_60] : memref<10112x128xf32, #tpu.memory_space<vmem_shared>> -> memref<120x128xf32, #tpu.memory_space<vmem_shared>>
      %dma_wait3A_62 = arith.constant 0 : i32
      %dma_wait3A_63 = arith.constant 0 : i32
      %dma_wait3A_64 = tpu.memref_slice %arg8[%run_scoped3A_25, %dma_wait3A_62, %dma_wait3A_63] : memref<1x128x128xf32, #tpu.memory_space<vmem>> -> memref<1x120x128xf32, #tpu.memory_space<vmem>>
      %dma_wait3A_65 = tpu.memref_squeeze %dma_wait3A_64 : memref<1x120x128xf32, #tpu.memory_space<vmem>> -> memref<120x128xf32, #tpu.memory_space<vmem>>
      tpu.wait_dma2 semaphore(%run_scoped3A_43 : memref<!tpu.dma_semaphore, #tpu.memory_space<semaphore_mem>>) src(%dma_wait3A_65 : memref<120x128xf32, #tpu.memory_space<vmem>>) dst(%dma_wait3A_61 : memref<120x128xf32, #tpu.memory_space<vmem_shared>>)
      tpu.yield
    }) : () -> ()
    %broadcast_in_dim3A_26 = arith.constant 1.000000e+00 : f32
    %broadcast_in_dim3A_27 = vector.broadcast %broadcast_in_dim3A_26 : f32 to vector<16xf32>
    %scan3A_28 = arith.constant 0 : i32
    %scan3A_29 = arith.constant 0 : i32
    %scan3A_30 = arith.constant 128 : i32
    %scan3A_31 = arith.addi %scan3A_29, %scan3A_30 : i32
    %scan3A_32 = arith.constant 1 : i32
    %scan3A_33 = scf.for %scan3A_43 = %scan3A_29 to %scan3A_31 step %scan3A_32 iter_args(%scan3A_44 = %scan3A_28) -> (i32)  : i32 {
      %swap3A = arith.constant 0 : i32
      %swap3A_45 = arith.index_cast %swap3A : i32 to index
      %swap3A_46 = arith.index_cast %scan3A_43 : i32 to index
      %swap3A_47 = arith.constant 0 : index
      %swap3A_48 = tpu.vector_load %arg8[%swap3A_45, %swap3A_46, %swap3A_47] {strides = array<i32>} : memref<1x128x128xf32, #tpu.memory_space<vmem>>, vector<1x1x16xf32>,
      %swap3A_49 = vector.shape_cast %swap3A_48 : vector<1x1x16xf32> to vector<16xf32>
      %swap3A_50 = vector.shape_cast %broadcast_in_dim3A_27 : vector<16xf32> to vector<1x1x16xf32>
      tpu.vector_store %arg8[%swap3A_45, %swap3A_46, %swap3A_47], %swap3A_50 {strides = array<i32>} : memref<1x128x128xf32, #tpu.memory_space<vmem>>, vector<1x1x16xf32>,
      %swap3A_51 = arith.constant 0 : i32
      %swap3A_52 = arith.index_cast %swap3A_51 : i32 to index
      %swap3A_53 = arith.index_cast %scan3A_43 : i32 to index
      %swap3A_54 = arith.constant 16 : index
      %swap3A_55 = tpu.vector_load %arg8[%swap3A_52, %swap3A_53, %swap3A_54] {strides = array<i32>} : memref<1x128x128xf32, #tpu.memory_space<vmem>>, vector<1x1x16xf32>,
      %swap3A_56 = vector.shape_cast %swap3A_55 : vector<1x1x16xf32> to vector<16xf32>
      %swap3A_57 = vector.shape_cast %broadcast_in_dim3A_27 : vector<16xf32> to vector<1x1x16xf32>
      tpu.vector_store %arg8[%swap3A_52, %swap3A_53, %swap3A_54], %swap3A_57 {strides = array<i32>} : memref<1x128x128xf32, #tpu.memory_space<vmem>>, vector<1x1x16xf32>,
      %swap3A_58 = arith.constant 0 : i32
      %swap3A_59 = arith.index_cast %swap3A_58 : i32 to index
      %swap3A_60 = arith.index_cast %scan3A_43 : i32 to index
      %swap3A_61 = arith.constant 32 : index
      %swap3A_62 = tpu.vector_load %arg8[%swap3A_59, %swap3A_60, %swap3A_61] {strides = array<i32>} : memref<1x128x128xf32, #tpu.memory_space<vmem>>, vector<1x1x16xf32>,
      %swap3A_63 = vector.shape_cast %swap3A_62 : vector<1x1x16xf32> to vector<16xf32>
      %swap3A_64 = vector.shape_cast %broadcast_in_dim3A_27 : vector<16xf32> to vector<1x1x16xf32>
      tpu.vector_store %arg8[%swap3A_59, %swap3A_60, %swap3A_61], %swap3A_64 {strides = array<i32>} : memref<1x128x128xf32, #tpu.memory_space<vmem>>, vector<1x1x16xf32>,
      %swap3A_65 = arith.constant 0 : i32
      %swap3A_66 = arith.index_cast %swap3A_65 : i32 to index
      %swap3A_67 = arith.index_cast %scan3A_43 : i32 to index
      %swap3A_68 = arith.constant 48 : index
      %swap3A_69 = tpu.vector_load %arg8[%swap3A_66, %swap3A_67, %swap3A_68] {strides = array<i32>} : memref<1x128x128xf32, #tpu.memory_space<vmem>>, vector<1x1x16xf32>,
      %swap3A_70 = vector.shape_cast %swap3A_69 : vector<1x1x16xf32> to vector<16xf32>
      %swap3A_71 = vector.shape_cast %broadcast_in_dim3A_27 : vector<16xf32> to vector<1x1x16xf32>
      tpu.vector_store %arg8[%swap3A_66, %swap3A_67, %swap3A_68], %swap3A_71 {strides = array<i32>} : memref<1x128x128xf32, #tpu.memory_space<vmem>>, vector<1x1x16xf32>,
      %swap3A_72 = arith.constant 0 : i32
      %swap3A_73 = arith.index_cast %swap3A_72 : i32 to index
      %swap3A_74 = arith.index_cast %scan3A_43 : i32 to index
      %swap3A_75 = arith.constant 64 : index
      %swap3A_76 = tpu.vector_load %arg8[%swap3A_73, %swap3A_74, %swap3A_75] {strides = array<i32>} : memref<1x128x128xf32, #tpu.memory_space<vmem>>, vector<1x1x16xf32>,
      %swap3A_77 = vector.shape_cast %swap3A_76 : vector<1x1x16xf32> to vector<16xf32>
      %swap3A_78 = vector.shape_cast %broadcast_in_dim3A_27 : vector<16xf32> to vector<1x1x16xf32>
      tpu.vector_store %arg8[%swap3A_73, %swap3A_74, %swap3A_75], %swap3A_78 {strides = array<i32>} : memref<1x128x128xf32, #tpu.memory_space<vmem>>, vector<1x1x16xf32>,
      %swap3A_79 = arith.constant 0 : i32
      %swap3A_80 = arith.index_cast %swap3A_79 : i32 to index
      %swap3A_81 = arith.index_cast %scan3A_43 : i32 to index
      %swap3A_82 = arith.constant 80 : index
      %swap3A_83 = tpu.vector_load %arg8[%swap3A_80, %swap3A_81, %swap3A_82] {strides = array<i32>} : memref<1x128x128xf32, #tpu.memory_space<vmem>>, vector<1x1x16xf32>,
      %swap3A_84 = vector.shape_cast %swap3A_83 : vector<1x1x16xf32> to vector<16xf32>
      %swap3A_85 = vector.shape_cast %broadcast_in_dim3A_27 : vector<16xf32> to vector<1x1x16xf32>
      tpu.vector_store %arg8[%swap3A_80, %swap3A_81, %swap3A_82], %swap3A_85 {strides = array<i32>} : memref<1x128x128xf32, #tpu.memory_space<vmem>>, vector<1x1x16xf32>,
      %swap3A_86 = arith.constant 0 : i32
      %swap3A_87 = arith.index_cast %swap3A_86 : i32 to index
      %swap3A_88 = arith.index_cast %scan3A_43 : i32 to index
      %swap3A_89 = arith.constant 96 : index
      %swap3A_90 = tpu.vector_load %arg8[%swap3A_87, %swap3A_88, %swap3A_89] {strides = array<i32>} : memref<1x128x128xf32, #tpu.memory_space<vmem>>, vector<1x1x16xf32>,
      %swap3A_91 = vector.shape_cast %swap3A_90 : vector<1x1x16xf32> to vector<16xf32>
      %swap3A_92 = vector.shape_cast %broadcast_in_dim3A_27 : vector<16xf32> to vector<1x1x16xf32>
      tpu.vector_store %arg8[%swap3A_87, %swap3A_88, %swap3A_89], %swap3A_92 {strides = array<i32>} : memref<1x128x128xf32, #tpu.memory_space<vmem>>, vector<1x1x16xf32>,
      %swap3A_93 = arith.constant 0 : i32
      %swap3A_94 = arith.index_cast %swap3A_93 : i32 to index
      %swap3A_95 = arith.index_cast %scan3A_43 : i32 to index
      %swap3A_96 = arith.constant 112 : index
      %swap3A_97 = tpu.vector_load %arg8[%swap3A_94, %swap3A_95, %swap3A_96] {strides = array<i32>} : memref<1x128x128xf32, #tpu.memory_space<vmem>>, vector<1x1x16xf32>,
      %swap3A_98 = vector.shape_cast %swap3A_97 : vector<1x1x16xf32> to vector<16xf32>
      %swap3A_99 = vector.shape_cast %broadcast_in_dim3A_27 : vector<16xf32> to vector<1x1x16xf32>
      tpu.vector_store %arg8[%swap3A_94, %swap3A_95, %swap3A_96], %swap3A_99 {strides = array<i32>} : memref<1x128x128xf32, #tpu.memory_space<vmem>>, vector<1x1x16xf32>,
      %scan3A_100 = arith.constant 0 : i32
      scf.yield %scan3A_100 : i32
    }
    %scan3A_34 = arith.constant 128 : i32
    %barrier3A = arith.constant 0 : index
    tpu.barrier barrier_id(%barrier3A)
    %scan3A_35 = arith.constant 0 : i32
    %scan3A_36 = arith.constant 0 : i32
    %scan3A_37 = arith.constant 5 : i32
    %scan3A_38 = arith.addi %scan3A_36, %scan3A_37 : i32
    %scan3A_39 = arith.constant 1 : i32
    %scan3A_40 = scf.for %scan3A_43 = %scan3A_36 to %scan3A_38 step %scan3A_39 iter_args(%scan3A_44 = %scan3A_35) -> (i32)  : i32 {
      %lt3A = arith.constant 5 : i32
      %lt3A_45 = arith.cmpi slt, %scan3A_43, %lt3A : i32
      %convert_element_type3A = arith.extui %lt3A_45 : i1 to i32
      %cond3A = arith.constant 0 : i32
      %cond3A_46 = arith.cmpi ne, %convert_element_type3A, %cond3A : i32
      scf.if %cond3A_46 {
        %mul3A_48 = arith.constant 16 : i32
        %mul3A_49 = arith.muli %scan3A_43, %mul3A_48 : i32
        %add3A_50 = arith.addi %mul3A_2, %mul3A_49 : i32
        %multiple_of3A = tpu.assume_multiple %add3A_50, 16 : i32
        "tpu.region"() ({
          %run_scoped3A_58 = tpu.sem_alloc : memref<!tpu.dma_semaphore, #tpu.memory_space<semaphore_mem>>
          %dma_start3A = arith.constant 0 : i32
          %dma_start3A_59 = tpu.memref_slice %arg4[%multiple_of3A, %dma_start3A] : memref<2560x128xi32, #tpu.memory_space<hbm>> -> memref<16x128xi32, #tpu.memory_space<hbm>>
          %dma_start3A_60 = arith.constant 0 : i32
          %dma_start3A_61 = tpu.memref_slice %arg4[%multiple_of3A, %dma_start3A_60] : memref<2560x128xi32, #tpu.memory_space<hbm>> -> memref<16x128xi32, #tpu.memory_space<hbm>>
          tpu.enqueue_dma source(%dma_start3A_61 : memref<16x128xi32, #tpu.memory_space<hbm>>) target(%arg7 : memref<16x128xi32, #tpu.memory_space<vmem>>) target_semaphore(%run_scoped3A_58 : memref<!tpu.dma_semaphore, #tpu.memory_space<semaphore_mem>>)
          %dma_wait3A = arith.constant 0 : i32
          %dma_wait3A_62 = tpu.memref_slice %arg4[%multiple_of3A, %dma_wait3A] : memref<2560x128xi32, #tpu.memory_space<hbm>> -> memref<16x128xi32, #tpu.memory_space<hbm>>
          %dma_wait3A_63 = arith.constant 0 : i32
          %dma_wait3A_64 = tpu.memref_slice %arg4[%multiple_of3A, %dma_wait3A_63] : memref<2560x128xi32, #tpu.memory_space<hbm>> -> memref<16x128xi32, #tpu.memory_space<hbm>>
          tpu.wait_dma2 semaphore(%run_scoped3A_58 : memref<!tpu.dma_semaphore, #tpu.memory_space<semaphore_mem>>) src(%dma_wait3A_64 : memref<16x128xi32, #tpu.memory_space<hbm>>) dst(%arg7 : memref<16x128xi32, #tpu.memory_space<vmem>>)
          tpu.yield
        }) : () -> ()
        %scan3A_51 = arith.constant 0 : i32
        %scan3A_52 = arith.constant 0 : i32
        %scan3A_53 = arith.constant 16 : i32
        %scan3A_54 = arith.addi %scan3A_52, %scan3A_53 : i32
        %scan3A_55 = arith.constant 1 : i32
        %scan3A_56 = scf.for %scan3A_58 = %scan3A_52 to %scan3A_54 step %scan3A_55 iter_args(%scan3A_59 = %scan3A_51) -> (i32)  : i32 {
          %run_scoped3A_60 = arith.constant 0 : i32
          "tpu.region"() ({
            %run_scoped3A_62 = tpu.sem_alloc : memref<!tpu.dma_semaphore, #tpu.memory_space<semaphore_mem>>
            %dma_start3A = arith.constant 0 : i32
            %dma_start3A_63 = arith.constant 0 : i32
            %dma_start3A_64 = tpu.memref_slice %arg8[%run_scoped3A_60, %dma_start3A, %dma_start3A_63] : memref<1x128x128xf32, #tpu.memory_space<vmem>> -> memref<1x128x128xf32, #tpu.memory_space<vmem>>
            %dma_start3A_65 = tpu.memref_squeeze %dma_start3A_64 : memref<1x128x128xf32, #tpu.memory_space<vmem>> -> memref<128x128xf32, #tpu.memory_space<vmem>>
            %dma_start3A_66 = arith.constant 0 : i32
            %dma_start3A_67 = tpu.memref_slice %arg7[%scan3A_58, %dma_start3A_66] : memref<16x128xi32, #tpu.memory_space<vmem>> -> memref<1x128xi32, #tpu.memory_space<vmem>>
            %dma_start3A_68 = tpu.memref_squeeze %dma_start3A_67 : memref<1x128xi32, #tpu.memory_space<vmem>> -> memref<128xi32, #tpu.memory_space<vmem>>
            %dma_start3A_69 = arith.constant 0 : i32
            %dma_start3A_70 = arith.constant 0 : i32
            %dma_start3A_71 = tpu.memref_slice %arg9[%dma_start3A_69, %dma_start3A_70] : memref<10112x128xf32, #tpu.memory_space<vmem_shared>> -> memref<10112x128xf32, #tpu.memory_space<vmem_shared>>
            tpu.enqueue_indirect_dma source(%dma_start3A_65 : memref<128x128xf32, #tpu.memory_space<vmem>>) target(%dma_start3A_71 : memref<10112x128xf32, #tpu.memory_space<vmem_shared>>) offsets(%dma_start3A_68 : memref<128xi32, #tpu.memory_space<vmem>>) semaphore(%run_scoped3A_62 : memref<!tpu.dma_semaphore, #tpu.memory_space<semaphore_mem>>) {add = true}
            %dma_wait3A = arith.constant 0 : i32
            %dma_wait3A_72 = arith.constant 0 : i32
            %dma_wait3A_73 = tpu.memref_slice %arg8[%run_scoped3A_60, %dma_wait3A, %dma_wait3A_72] : memref<1x128x128xf32, #tpu.memory_space<vmem>> -> memref<1x128x128xf32, #tpu.memory_space<vmem>>
            %dma_wait3A_74 = tpu.memref_squeeze %dma_wait3A_73 : memref<1x128x128xf32, #tpu.memory_space<vmem>> -> memref<128x128xf32, #tpu.memory_space<vmem>>
            %dma_wait3A_75 = arith.constant 0 : i32
            %dma_wait3A_76 = tpu.memref_slice %arg7[%scan3A_58, %dma_wait3A_75] : memref<16x128xi32, #tpu.memory_space<vmem>> -> memref<1x128xi32, #tpu.memory_space<vmem>>
            %dma_wait3A_77 = tpu.memref_squeeze %dma_wait3A_76 : memref<1x128xi32, #tpu.memory_space<vmem>> -> memref<128xi32, #tpu.memory_space<vmem>>
            %dma_wait3A_78 = arith.constant 0 : i32
            %dma_wait3A_79 = arith.constant 0 : i32
            %dma_wait3A_80 = tpu.memref_slice %arg9[%dma_wait3A_78, %dma_wait3A_79] : memref<10112x128xf32, #tpu.memory_space<vmem_shared>> -> memref<10112x128xf32, #tpu.memory_space<vmem_shared>>
            tpu.wait_indirect_dma semaphore(%run_scoped3A_62 : memref<!tpu.dma_semaphore, #tpu.memory_space<semaphore_mem>>) src(%dma_wait3A_74 : memref<128x128xf32, #tpu.memory_space<vmem>>) dst(%dma_wait3A_80 : memref<10112x128xf32, #tpu.memory_space<vmem_shared>>)
            tpu.yield
          }) : () -> ()
          %scan3A_61 = arith.constant 0 : i32
          scf.yield %scan3A_61 : i32
        }
        %scan3A_57 = arith.constant 16 : i32
      } else {
      }
      %scan3A_47 = arith.constant 0 : i32
      scf.yield %scan3A_47 : i32
    }
    %scan3A_41 = arith.constant 5 : i32
    %barrier3A_42 = arith.constant 0 : index
    tpu.barrier barrier_id(%barrier3A_42)
    "tpu.region"() ({
      %run_scoped3A_43 = tpu.sem_alloc : memref<!tpu.dma_semaphore, #tpu.memory_space<semaphore_mem>>
      %dma_start3A = arith.constant 0 : i32
      %dma_start3A_44 = tpu.memref_slice %arg5[%arg0, %mul3A_11, %dma_start3A] : memref<2x10112x128xf32, #tpu.memory_space<hbm>> -> memref<1x632x128xf32, #tpu.memory_space<hbm>>
      %dma_start3A_45 = tpu.memref_squeeze %dma_start3A_44 : memref<1x632x128xf32, #tpu.memory_space<hbm>> -> memref<632x128xf32, #tpu.memory_space<hbm>>
      %dma_start3A_46 = arith.constant 0 : i32
      %dma_start3A_47 = tpu.memref_slice %arg9[%mul3A_11, %dma_start3A_46] : memref<10112x128xf32, #tpu.memory_space<vmem_shared>> -> memref<632x128xf32, #tpu.memory_space<vmem_shared>>
      tpu.enqueue_dma source(%dma_start3A_47 : memref<632x128xf32, #tpu.memory_space<vmem_shared>>) target(%dma_start3A_45 : memref<632x128xf32, #tpu.memory_space<hbm>>) target_semaphore(%run_scoped3A_43 : memref<!tpu.dma_semaphore, #tpu.memory_space<semaphore_mem>>)
      %dma_wait3A = arith.constant 0 : i32
      %dma_wait3A_48 = tpu.memref_slice %arg5[%arg0, %mul3A_11, %dma_wait3A] : memref<2x10112x128xf32, #tpu.memory_space<hbm>> -> memref<1x632x128xf32, #tpu.memory_space<hbm>>
      %dma_wait3A_49 = tpu.memref_squeeze %dma_wait3A_48 : memref<1x632x128xf32, #tpu.memory_space<hbm>> -> memref<632x128xf32, #tpu.memory_space<hbm>>
      %dma_wait3A_50 = arith.constant 0 : i32
      %dma_wait3A_51 = tpu.memref_slice %arg9[%mul3A_11, %dma_wait3A_50] : memref<10112x128xf32, #tpu.memory_space<vmem_shared>> -> memref<632x128xf32, #tpu.memory_space<vmem_shared>>
      tpu.wait_dma2 semaphore(%run_scoped3A_43 : memref<!tpu.dma_semaphore, #tpu.memory_space<semaphore_mem>>) src(%dma_wait3A_51 : memref<632x128xf32, #tpu.memory_space<vmem_shared>>) dst(%dma_wait3A_49 : memref<632x128xf32, #tpu.memory_space<hbm>>)
      tpu.yield
    }) : () -> ()
    return
  }
}

module attributes {stable_mosaic.version = 14 : i64} {
  func.func @_combine1_body(%arg0: i32, %arg1: memref<1000x128xf32, #tpu.memory_space<vmem>>, %arg2: memref<2x1000x128xf32, #tpu.memory_space<vmem>>, %arg3: memref<2x1000x128xf32, #tpu.memory_space<vmem>>, %arg4: memref<1x128xf32, #tpu.memory_space<vmem>>, %arg5: memref<128x128xf32, #tpu.memory_space<vmem>>, %arg6: memref<128x128xf32, #tpu.memory_space<vmem>>, %arg7: memref<1000x128xf32, #tpu.memory_space<vmem>>, %arg8: memref<1000x128xf32, #tpu.memory_space<vmem>>) attributes {dimension_semantics = [#tpu.dimension_semantics<arbitrary>], iteration_bounds = array<i64: 10>, scalar_prefetch = 0 : i64, scratch_operands = 0 : i64, tpu.core_type = #tpu.core_type<tc>, window_params = [{transform_indices = @transform_0, window_bounds = array<i64: 1000, 128>}, {transform_indices = @transform_1, window_bounds = array<i64: 2, 1000, 128>}, {transform_indices = @transform_2, window_bounds = array<i64: 2, 1000, 128>}, {pipeline_mode = #tpu.pipeline_mode<synchronous>, transform_indices = @transform_3, window_bounds = array<i64: 1, 128>}, {pipeline_mode = #tpu.pipeline_mode<synchronous>, transform_indices = @transform_4, window_bounds = array<i64: 128, 128>}, {pipeline_mode = #tpu.pipeline_mode<synchronous>, transform_indices = @transform_5, window_bounds = array<i64: 128, 128>}, {transform_indices = @transform_6, window_bounds = array<i64: 1000, 128>}, {transform_indices = @transform_7, window_bounds = array<i64: 1000, 128>}]} {
    %get3A = arith.constant 0 : index
    %get3A_0 = arith.constant 0 : index
    %get3A_1 = arith.constant 0 : index
    %get3A_2 = vector.load %arg2[%get3A, %get3A_0, %get3A_1] : memref<2x1000x128xf32, #tpu.memory_space<vmem>>, vector<1x1000x128xf32>
    %get3A_3 = vector.shape_cast %get3A_2 : vector<1x1000x128xf32> to vector<1000x128xf32>
    %get3A_4 = arith.constant 1 : index
    %get3A_5 = arith.constant 0 : index
    %get3A_6 = arith.constant 0 : index
    %get3A_7 = vector.load %arg2[%get3A_4, %get3A_5, %get3A_6] : memref<2x1000x128xf32, #tpu.memory_space<vmem>>, vector<1x1000x128xf32>
    %get3A_8 = vector.shape_cast %get3A_7 : vector<1x1000x128xf32> to vector<1000x128xf32>
    %add3A = arith.addf %get3A_3, %get3A_8 : vector<1000x128xf32>
    %get3A_9 = arith.constant 0 : index
    %get3A_10 = arith.constant 0 : index
    %get3A_11 = arith.constant 0 : index
    %get3A_12 = vector.load %arg3[%get3A_9, %get3A_10, %get3A_11] : memref<2x1000x128xf32, #tpu.memory_space<vmem>>, vector<1x1000x1xf32>
    %get3A_13 = vector.shape_cast %get3A_12 : vector<1x1000x1xf32> to vector<1000x1xf32>
    %get3A_14 = arith.constant 1 : index
    %get3A_15 = arith.constant 0 : index
    %get3A_16 = arith.constant 0 : index
    %get3A_17 = vector.load %arg3[%get3A_14, %get3A_15, %get3A_16] : memref<2x1000x128xf32, #tpu.memory_space<vmem>>, vector<1x1000x1xf32>
    %get3A_18 = vector.shape_cast %get3A_17 : vector<1x1000x1xf32> to vector<1000x1xf32>
    %add3A_19 = arith.addf %get3A_13, %get3A_18 : vector<1000x1xf32>
    %max3A = arith.constant 1.000000e+00 : f32
    %max3A_20 = vector.broadcast %max3A : f32 to vector<1000x1xf32>
    %max3A_21 = arith.maximumf %add3A_19, %max3A_20 : vector<1000x1xf32>
    %div3A = arith.constant 1.000000e+00 : f32
    %div3A_22 = vector.broadcast %div3A : f32 to vector<1000x1xf32>
    %div3A_23 = arith.divf %div3A_22, %max3A_21 : vector<1000x1xf32>
    %get3A_24 = arith.constant 0 : index
    %get3A_25 = arith.constant 0 : index
    %get3A_26 = vector.load %arg1[%get3A_24, %get3A_25] : memref<1000x128xf32, #tpu.memory_space<vmem>>, vector<1000x128xf32>
    %mul3A = vector.broadcast %div3A_23 : vector<1000x1xf32> to vector<1000x128xf32>
    %mul3A_27 = arith.mulf %add3A, %mul3A : vector<1000x128xf32>
    %add3A_28 = arith.addf %get3A_26, %mul3A_27 : vector<1000x128xf32>
    %get3A_29 = arith.constant 0 : index
    %get3A_30 = arith.constant 0 : index
    %get3A_31 = vector.load %arg4[%get3A_29, %get3A_30] : memref<1x128xf32, #tpu.memory_space<vmem>>, vector<1x128xf32>
    %add3A_32 = vector.broadcast %get3A_31 : vector<1x128xf32> to vector<1000x128xf32>
    %add3A_33 = arith.addf %add3A_28, %add3A_32 : vector<1000x128xf32>
    %max3A_34 = arith.constant 0.000000e+00 : f32
    %max3A_35 = vector.broadcast %max3A_34 : f32 to vector<1000x128xf32>
    %max3A_36 = arith.maximumf %add3A_33, %max3A_35 : vector<1000x128xf32>
    %get3A_37 = arith.constant 0 : index
    %get3A_38 = arith.constant 0 : index
    %get3A_39 = vector.load %arg5[%get3A_37, %get3A_38] : memref<128x128xf32, #tpu.memory_space<vmem>>, vector<128x128xf32>
    %dot_general3A = arith.constant dense<0.000000e+00> : vector<1000x128xf32>
    %dot_general3A_40 = tpu.matmul %max3A_36, %get3A_39, %dot_general3A {dimension_numbers = #tpu.dot_dimension_numbers<[1], [0], [0], [1], [0, 0, 1, 1], [], []>, transpose_lhs_hint = false} : vector<1000x128xf32>, vector<128x128xf32>, vector<1000x128xf32> -> vector<1000x128xf32>
    %swap3A = arith.constant 0 : index
    %swap3A_41 = arith.constant 0 : index
    %swap3A_42 = vector.load %arg7[%swap3A, %swap3A_41] : memref<1000x128xf32, #tpu.memory_space<vmem>>, vector<1000x128xf32>
    tpu.vector_store %arg7[%swap3A, %swap3A_41], %dot_general3A_40 {strides = array<i32>} : memref<1000x128xf32, #tpu.memory_space<vmem>>, vector<1000x128xf32>,
    %get3A_43 = arith.constant 0 : index
    %get3A_44 = arith.constant 0 : index
    %get3A_45 = vector.load %arg6[%get3A_43, %get3A_44] : memref<128x128xf32, #tpu.memory_space<vmem>>, vector<128x128xf32>
    %dot_general3A_46 = arith.constant dense<0.000000e+00> : vector<1000x128xf32>
    %dot_general3A_47 = tpu.matmul %max3A_36, %get3A_45, %dot_general3A_46 {dimension_numbers = #tpu.dot_dimension_numbers<[1], [0], [0], [1], [0, 0, 1, 1], [], []>, transpose_lhs_hint = false} : vector<1000x128xf32>, vector<128x128xf32>, vector<1000x128xf32> -> vector<1000x128xf32>
    %swap3A_48 = arith.constant 0 : index
    %swap3A_49 = arith.constant 0 : index
    %swap3A_50 = vector.load %arg8[%swap3A_48, %swap3A_49] : memref<1000x128xf32, #tpu.memory_space<vmem>>, vector<1000x128xf32>
    tpu.vector_store %arg8[%swap3A_48, %swap3A_49], %dot_general3A_47 {strides = array<i32>} : memref<1000x128xf32, #tpu.memory_space<vmem>>, vector<1000x128xf32>,
    return
  }
  func.func @transform_0(%arg0: i32) -> (i32, i32) {
    %c0_i32 = arith.constant 0 : i32
    %c0_i32_0 = arith.constant 0 : i32
    return %arg0, %c0_i32 : i32, i32
  }
  func.func @transform_1(%arg0: i32) -> (i32, i32, i32) {
    %c0_i32 = arith.constant 0 : i32
    %c0_i32_0 = arith.constant 0 : i32
    %c0_i32_1 = arith.constant 0 : i32
    return %c0_i32, %arg0, %c0_i32_0 : i32, i32, i32
  }
  func.func @transform_2(%arg0: i32) -> (i32, i32, i32) {
    %c0_i32 = arith.constant 0 : i32
    %c0_i32_0 = arith.constant 0 : i32
    %c0_i32_1 = arith.constant 0 : i32
    return %c0_i32, %arg0, %c0_i32_0 : i32, i32, i32
  }
  func.func @transform_3(%arg0: i32) -> (i32, i32) {
    %c0_i32 = arith.constant 0 : i32
    %c0_i32_0 = arith.constant 0 : i32
    %c0_i32_1 = arith.constant 0 : i32
    return %c0_i32, %c0_i32_0 : i32, i32
  }
  func.func @transform_4(%arg0: i32) -> (i32, i32) {
    %c0_i32 = arith.constant 0 : i32
    %c0_i32_0 = arith.constant 0 : i32
    %c0_i32_1 = arith.constant 0 : i32
    return %c0_i32, %c0_i32_0 : i32, i32
  }
  func.func @transform_5(%arg0: i32) -> (i32, i32) {
    %c0_i32 = arith.constant 0 : i32
    %c0_i32_0 = arith.constant 0 : i32
    %c0_i32_1 = arith.constant 0 : i32
    return %c0_i32, %c0_i32_0 : i32, i32
  }
  func.func @transform_6(%arg0: i32) -> (i32, i32) {
    %c0_i32 = arith.constant 0 : i32
    %c0_i32_0 = arith.constant 0 : i32
    return %arg0, %c0_i32 : i32, i32
  }
  func.func @transform_7(%arg0: i32) -> (i32, i32) {
    %c0_i32 = arith.constant 0 : i32
    %c0_i32_0 = arith.constant 0 : i32
    return %arg0, %c0_i32 : i32, i32
  }
}

module attributes {stable_mosaic.version = 14 : i64} {
  func.func @_mm2_body(%arg0: i32, %arg1: memref<1000x128xf32, #tpu.memory_space<vmem>>, %arg2: memref<128x128xf32, #tpu.memory_space<vmem>>, %arg3: memref<128x128xf32, #tpu.memory_space<vmem>>, %arg4: memref<1000x128xf32, #tpu.memory_space<vmem>>, %arg5: memref<1000x128xf32, #tpu.memory_space<vmem>>) attributes {dimension_semantics = [#tpu.dimension_semantics<arbitrary>], iteration_bounds = array<i64: 10>, scalar_prefetch = 0 : i64, scratch_operands = 0 : i64, tpu.core_type = #tpu.core_type<tc>, window_params = [{transform_indices = @transform_0, window_bounds = array<i64: 1000, 128>}, {pipeline_mode = #tpu.pipeline_mode<synchronous>, transform_indices = @transform_1, window_bounds = array<i64: 128, 128>}, {pipeline_mode = #tpu.pipeline_mode<synchronous>, transform_indices = @transform_2, window_bounds = array<i64: 128, 128>}, {transform_indices = @transform_3, window_bounds = array<i64: 1000, 128>}, {transform_indices = @transform_4, window_bounds = array<i64: 1000, 128>}]} {
    %get3A = arith.constant 0 : index
    %get3A_0 = arith.constant 0 : index
    %get3A_1 = vector.load %arg1[%get3A, %get3A_0] : memref<1000x128xf32, #tpu.memory_space<vmem>>, vector<1000x128xf32>
    %get3A_2 = arith.constant 0 : index
    %get3A_3 = arith.constant 0 : index
    %get3A_4 = vector.load %arg2[%get3A_2, %get3A_3] : memref<128x128xf32, #tpu.memory_space<vmem>>, vector<128x128xf32>
    %dot_general3A = arith.constant dense<0.000000e+00> : vector<1000x128xf32>
    %dot_general3A_5 = tpu.matmul %get3A_1, %get3A_4, %dot_general3A {dimension_numbers = #tpu.dot_dimension_numbers<[1], [0], [0], [1], [0, 0, 1, 1], [], []>, transpose_lhs_hint = false} : vector<1000x128xf32>, vector<128x128xf32>, vector<1000x128xf32> -> vector<1000x128xf32>
    %swap3A = arith.constant 0 : index
    %swap3A_6 = arith.constant 0 : index
    %swap3A_7 = vector.load %arg4[%swap3A, %swap3A_6] : memref<1000x128xf32, #tpu.memory_space<vmem>>, vector<1000x128xf32>
    tpu.vector_store %arg4[%swap3A, %swap3A_6], %dot_general3A_5 {strides = array<i32>} : memref<1000x128xf32, #tpu.memory_space<vmem>>, vector<1000x128xf32>,
    %get3A_8 = arith.constant 0 : index
    %get3A_9 = arith.constant 0 : index
    %get3A_10 = vector.load %arg3[%get3A_8, %get3A_9] : memref<128x128xf32, #tpu.memory_space<vmem>>, vector<128x128xf32>
    %dot_general3A_11 = arith.constant dense<0.000000e+00> : vector<1000x128xf32>
    %dot_general3A_12 = tpu.matmul %get3A_1, %get3A_10, %dot_general3A_11 {dimension_numbers = #tpu.dot_dimension_numbers<[1], [0], [0], [1], [0, 0, 1, 1], [], []>, transpose_lhs_hint = false} : vector<1000x128xf32>, vector<128x128xf32>, vector<1000x128xf32> -> vector<1000x128xf32>
    %swap3A_13 = arith.constant 0 : index
    %swap3A_14 = arith.constant 0 : index
    %swap3A_15 = vector.load %arg5[%swap3A_13, %swap3A_14] : memref<1000x128xf32, #tpu.memory_space<vmem>>, vector<1000x128xf32>
    tpu.vector_store %arg5[%swap3A_13, %swap3A_14], %dot_general3A_12 {strides = array<i32>} : memref<1000x128xf32, #tpu.memory_space<vmem>>, vector<1000x128xf32>,
    return
  }
  func.func @transform_0(%arg0: i32) -> (i32, i32) {
    %c0_i32 = arith.constant 0 : i32
    %c0_i32_0 = arith.constant 0 : i32
    return %arg0, %c0_i32 : i32, i32
  }
  func.func @transform_1(%arg0: i32) -> (i32, i32) {
    %c0_i32 = arith.constant 0 : i32
    %c0_i32_0 = arith.constant 0 : i32
    %c0_i32_1 = arith.constant 0 : i32
    return %c0_i32, %c0_i32_0 : i32, i32
  }
  func.func @transform_2(%arg0: i32) -> (i32, i32) {
    %c0_i32 = arith.constant 0 : i32
    %c0_i32_0 = arith.constant 0 : i32
    %c0_i32_1 = arith.constant 0 : i32
    return %c0_i32, %c0_i32_0 : i32, i32
  }
  func.func @transform_3(%arg0: i32) -> (i32, i32) {
    %c0_i32 = arith.constant 0 : i32
    %c0_i32_0 = arith.constant 0 : i32
    return %arg0, %c0_i32 : i32, i32
  }
  func.func @transform_4(%arg0: i32) -> (i32, i32) {
    %c0_i32 = arith.constant 0 : i32
    %c0_i32_0 = arith.constant 0 : i32
    return %arg0, %c0_i32 : i32, i32
  }
}

module attributes {stable_mosaic.version = 14 : i64} {
  func.func @_combine2_body(%arg0: i32, %arg1: memref<1000x128xf32, #tpu.memory_space<vmem>>, %arg2: memref<2x1000x128xf32, #tpu.memory_space<vmem>>, %arg3: memref<2x1000x128xf32, #tpu.memory_space<vmem>>, %arg4: memref<1x128xf32, #tpu.memory_space<vmem>>, %arg5: memref<1000x128xf32, #tpu.memory_space<vmem>>) attributes {dimension_semantics = [#tpu.dimension_semantics<arbitrary>], iteration_bounds = array<i64: 10>, scalar_prefetch = 0 : i64, scratch_operands = 0 : i64, tpu.core_type = #tpu.core_type<tc>, window_params = [{transform_indices = @transform_0, window_bounds = array<i64: 1000, 128>}, {transform_indices = @transform_1, window_bounds = array<i64: 2, 1000, 128>}, {transform_indices = @transform_2, window_bounds = array<i64: 2, 1000, 128>}, {pipeline_mode = #tpu.pipeline_mode<synchronous>, transform_indices = @transform_3, window_bounds = array<i64: 1, 128>}, {transform_indices = @transform_4, window_bounds = array<i64: 1000, 128>}]} {
    %get3A = arith.constant 0 : index
    %get3A_0 = arith.constant 0 : index
    %get3A_1 = arith.constant 0 : index
    %get3A_2 = vector.load %arg2[%get3A, %get3A_0, %get3A_1] : memref<2x1000x128xf32, #tpu.memory_space<vmem>>, vector<1x1000x128xf32>
    %get3A_3 = vector.shape_cast %get3A_2 : vector<1x1000x128xf32> to vector<1000x128xf32>
    %get3A_4 = arith.constant 1 : index
    %get3A_5 = arith.constant 0 : index
    %get3A_6 = arith.constant 0 : index
    %get3A_7 = vector.load %arg2[%get3A_4, %get3A_5, %get3A_6] : memref<2x1000x128xf32, #tpu.memory_space<vmem>>, vector<1x1000x128xf32>
    %get3A_8 = vector.shape_cast %get3A_7 : vector<1x1000x128xf32> to vector<1000x128xf32>
    %add3A = arith.addf %get3A_3, %get3A_8 : vector<1000x128xf32>
    %get3A_9 = arith.constant 0 : index
    %get3A_10 = arith.constant 0 : index
    %get3A_11 = arith.constant 0 : index
    %get3A_12 = vector.load %arg3[%get3A_9, %get3A_10, %get3A_11] : memref<2x1000x128xf32, #tpu.memory_space<vmem>>, vector<1x1000x1xf32>
    %get3A_13 = vector.shape_cast %get3A_12 : vector<1x1000x1xf32> to vector<1000x1xf32>
    %get3A_14 = arith.constant 1 : index
    %get3A_15 = arith.constant 0 : index
    %get3A_16 = arith.constant 0 : index
    %get3A_17 = vector.load %arg3[%get3A_14, %get3A_15, %get3A_16] : memref<2x1000x128xf32, #tpu.memory_space<vmem>>, vector<1x1000x1xf32>
    %get3A_18 = vector.shape_cast %get3A_17 : vector<1x1000x1xf32> to vector<1000x1xf32>
    %add3A_19 = arith.addf %get3A_13, %get3A_18 : vector<1000x1xf32>
    %max3A = arith.constant 1.000000e+00 : f32
    %max3A_20 = vector.broadcast %max3A : f32 to vector<1000x1xf32>
    %max3A_21 = arith.maximumf %add3A_19, %max3A_20 : vector<1000x1xf32>
    %div3A = arith.constant 1.000000e+00 : f32
    %div3A_22 = vector.broadcast %div3A : f32 to vector<1000x1xf32>
    %div3A_23 = arith.divf %div3A_22, %max3A_21 : vector<1000x1xf32>
    %get3A_24 = arith.constant 0 : index
    %get3A_25 = arith.constant 0 : index
    %get3A_26 = vector.load %arg1[%get3A_24, %get3A_25] : memref<1000x128xf32, #tpu.memory_space<vmem>>, vector<1000x128xf32>
    %mul3A = vector.broadcast %div3A_23 : vector<1000x1xf32> to vector<1000x128xf32>
    %mul3A_27 = arith.mulf %add3A, %mul3A : vector<1000x128xf32>
    %add3A_28 = arith.addf %get3A_26, %mul3A_27 : vector<1000x128xf32>
    %get3A_29 = arith.constant 0 : index
    %get3A_30 = arith.constant 0 : index
    %get3A_31 = vector.load %arg4[%get3A_29, %get3A_30] : memref<1x128xf32, #tpu.memory_space<vmem>>, vector<1x128xf32>
    %add3A_32 = vector.broadcast %get3A_31 : vector<1x128xf32> to vector<1000x128xf32>
    %add3A_33 = arith.addf %add3A_28, %add3A_32 : vector<1000x128xf32>
    %swap3A = arith.constant 0 : index
    %swap3A_34 = arith.constant 0 : index
    %swap3A_35 = vector.load %arg5[%swap3A, %swap3A_34] : memref<1000x128xf32, #tpu.memory_space<vmem>>, vector<1000x128xf32>
    tpu.vector_store %arg5[%swap3A, %swap3A_34], %add3A_33 {strides = array<i32>} : memref<1000x128xf32, #tpu.memory_space<vmem>>, vector<1000x128xf32>,
    return
  }
  func.func @transform_0(%arg0: i32) -> (i32, i32) {
    %c0_i32 = arith.constant 0 : i32
    %c0_i32_0 = arith.constant 0 : i32
    return %arg0, %c0_i32 : i32, i32
  }
  func.func @transform_1(%arg0: i32) -> (i32, i32, i32) {
    %c0_i32 = arith.constant 0 : i32
    %c0_i32_0 = arith.constant 0 : i32
    %c0_i32_1 = arith.constant 0 : i32
    return %c0_i32, %arg0, %c0_i32_0 : i32, i32, i32
  }
  func.func @transform_2(%arg0: i32) -> (i32, i32, i32) {
    %c0_i32 = arith.constant 0 : i32
    %c0_i32_0 = arith.constant 0 : i32
    %c0_i32_1 = arith.constant 0 : i32
    return %c0_i32, %arg0, %c0_i32_0 : i32, i32, i32
  }
  func.func @transform_3(%arg0: i32) -> (i32, i32) {
    %c0_i32 = arith.constant 0 : i32
    %c0_i32_0 = arith.constant 0 : i32
    %c0_i32_1 = arith.constant 0 : i32
    return %c0_i32, %c0_i32_0 : i32, i32
  }
  func.func @transform_4(%arg0: i32) -> (i32, i32) {
    %c0_i32 = arith.constant 0 : i32
    %c0_i32_0 = arith.constant 0 : i32
    return %arg0, %c0_i32 : i32, i32
  }
}

</mosaic_0001>

<sc_bundles>
// kernel: degcnt.3.cloned.1.call-start
scs
__scs_entry_jumppad:
0x0: {  	(pc) =	sbr.rel $0x88, $3  }
0x1: {  	(tag) =	ssettag $0x0;
	lr =	simm.s32 $0x1  }
0x2: {  	[smem:$0x3F99] =	sst lr;
	_ =	strace $0xD0000000  }
0x3: {  	_ = 	snop  }
0x4: {  	_ = 	snop  }
0x5: {  	_ = 	snop  }
0x6: {  	_ = 	snop  }
0x7: {  	_ = 	snop  }
__scs_overlays_trampoline_lowered:
0x8: {  	[smem:$0x3FA8] =	sst s0  }
0x9: {  	[smem:$0x3FA9] =	sst s1  }
0xa: {  	[smem:$0x3FAA] =	sst s2  }
0xb: {  	[smem:$0x3FAB] =	sst s3  }
0xc: {  	[smem:$0x3FAC] =	sst s4  }
0xd: {  	[smem:$0x3FAD] =	sst s5  }
0xe: {  	[smem:$0x3FAE] =	sst s6  }
0xf: {  	[smem:$0x3FAF] =	sst s7  }
0x10: {  	[smem:$0x3FB0] =	sst s8  }
0x11: {  	[smem:$0x3FB1] =	sst s9;
	s0 =	simm.s32 @!p0 $0x0  }
0x12: {  	s1 =	sld [smem:$0x3F97];
	s0 =	simm.s32 @p0 $0x1  }
0x13: {  	[smem:$0x3FB2] =	sst s0;
	s0 =	simm.s32 @!p1 $0x0  }
0x14: {  	s2 =	sld [smem:$0x3F96];
	s0 =	simm.s32 @p1 $0x1  }
0x15: {  	[smem:$0x3FB3] =	sst s0;
	s0 =	simm.s32 @!p2 $0x0  }
0x16: {  	s3 =	sld [smem:$0x3FDB];
	s0 =	simm.s32 @p2 $0x1  }
0x17: {  	s4 =	simm.s32 $0x1BF5;
	[smem:$0x3FB5] =	sst s0  }
0x18: {  	s0 =	sld [smem:$0x3F98];
	_ =	swait.ge [sflag:s4], $0x0  }
0x19: {  	s7 =	sld [smem:$0x3F99]  }
0x1a: {  	s8 =	sadd.s32 $0xFFFFE003, lr  }
0x1b: {  	s9 =	sadd.s32 $0xFFFFFEF7, lr;
	s5 =	simm.s32 $0xFFFFFFFF;
	p2 =	slt.u32 s8, $0xFFFFF086  }
0x1c: {  	p1 =	slt.u32 s9, $0xF7A;
	s5 =	simm.s32 @!p2 $0x0  }
0x1d: {  	s5 =	simm.s32 @p1 $0x1;
	p0 =	seq.s32 s7, s2  }
0x1e: {  	s7 =	smul.u32 @!p0 $0xF7A, s2;
	p2 =	seq.s32 @!p0 s5, $0x0  }
0x1f: {  	s9 =	smul.u32 $0xF7A, s1;
	s8 =	simm.s32 @!p0 $0x1BF5;
	p2 =	por !p2, p0  }
0x20: {  	[sflag:s8] =	ssyncset.s32 @!p0 $0xFFFFF086;
	s6 =	sadd.s32 @!p0 s3, s7;
	s7 =	simm.s32 @!p0 $0x108  }
0x21: {  	s3 =	sadd.s32 s3, s9;
	s6 =	sadd.s32 @!p0 $0x88, s6;
	s7 =	simm.s32 @p2 $0x1082  }
0x22: {  	[simem:s7], [sflag:s8] =	dma.local @!p0 [hbm:s6], $0xF7A  }
0x23: {  	s9 =	sor.u32 $0xD0000000, s2;
	s6 =	simm.s32 $0x108;
	_ =	swait.ge @!p0 [sflag:s8], $0x0  }
0x24: {  	s3 =	sadd.s32 $0x88, s3;
	s6 =	simm.s32 @!p1 $0x1082;
	[sflag:s4] =	ssyncset.s32 $0xFFFFF086  }
0x25: {  	[simem:s6], [sflag:s4] =	dma.local [hbm:s3], $0xF7A  }
0x26: {  	[smem:$0x3F99] =	sst s1;
	(tag) =	ssettag s2;
	_ =	strace s9  }
0x27: {  	s1 =	sld [smem:$0x3FA9]  }
0x28: {  	s2 =	sld [smem:$0x3FAA]  }
0x29: {  	s4 =	sld [smem:$0x3FAC]  }
0x2a: {  	p0 =	seq.s32 s5, $0x0;
	s5 =	sld [smem:$0x3FAD]  }
0x2b: {  	s6 =	sld [smem:$0x3FAE]  }
0x2c: {  	s7 =	sld [smem:$0x3FAF]  }
0x2d: {  	s3 =	simm.s32 $0x108;
	s8 =	sld [smem:$0x3FB0]  }
0x2e: {  	s3 =	simm.s32 @!p0 $0x1082;
	s9 =	sld [smem:$0x3FB1]  }
0x2f: {  	lr =	sadd.s32 s0, s3;
	s0 =	sld [smem:$0x3FA8]  }
0x30: {  	s3 =	sld [smem:$0x3FAB]  }
0x31: {  	[smem:$0x3FB4] =	sst s10  }
0x32: {  	s10 =	sld [smem:$0x3FB2];
	_ =	sdelay $0x3  }
0x33: {  	p0 =	seq.s32 s10, $0x1;
	s10 =	sld [smem:$0x3FB4];
	_ =	sdelay $0x3  }
0x34: {  	[smem:$0x3FB4] =	sst s10  }
0x35: {  	s10 =	sld [smem:$0x3FB3];
	_ =	sdelay $0x3  }
0x36: {  	p1 =	seq.s32 s10, $0x1;
	s10 =	sld [smem:$0x3FB4];
	_ =	sdelay $0x3  }
0x37: {  	[smem:$0x3FB4] =	sst s10  }
0x38: {  	s10 =	sld [smem:$0x3FB5]  }
0x39: {  	_ = 	snop;
	(pc) =	sbr.ind lr, $3  }
0x3a: {  	_ = 	snop  }
0x3b: {  	_ = 	snop  }
0x3c: {  	p2 =	seq.s32 s10, $0x1;
	s10 =	sld [smem:$0x3FB4]  }
0x3d: {  	_ =	shalt  }
0x3e: {  	_ =	shalt  }
0x3f: {  	_ =	shalt  }
0x40: {  	_ =	shalt  }
0x41: {  	_ =	shalt  }
0x42: {  	_ =	shalt  }
0x43: {  	_ =	shalt  }
0x44: {  	_ =	shalt  }
0x45: {  	_ =	shalt  }
0x46: {  	_ =	shalt  }
0x47: {  	_ =	shalt  }
0x48: {  	_ =	shalt  }
0x49: {  	_ =	shalt  }
0x4a: {  	_ =	shalt  }
0x4b: {  	_ =	shalt  }
0x4c: {  	_ =	shalt  }
0x4d: {  	_ =	shalt  }
0x4e: {  	_ =	shalt  }
0x4f: {  	_ =	shalt  }
0x50: {  	_ =	shalt  }
0x51: {  	_ =	shalt  }
0x52: {  	_ =	shalt  }
0x53: {  	_ =	shalt  }
0x54: {  	_ =	shalt  }
0x55: {  	_ =	shalt  }
0x56: {  	_ =	shalt  }
0x57: {  	_ =	shalt  }
0x58: {  	_ =	shalt  }
0x59: {  	_ =	shalt  }
0x5a: {  	_ =	shalt  }
0x5b: {  	_ =	shalt  }
0x5c: {  	_ =	shalt  }
0x5d: {  	_ =	shalt  }
0x5e: {  	_ =	shalt  }
0x5f: {  	_ =	shalt  }
0x60: {  	_ =	shalt  }
0x61: {  	_ =	shalt  }
0x62: {  	_ =	shalt  }
0x63: {  	_ =	shalt  }
0x64: {  	_ =	shalt  }
0x65: {  	_ =	shalt  }
0x66: {  	_ =	shalt  }
0x67: {  	_ =	shalt  }
0x68: {  	_ =	shalt  }
0x69: {  	_ =	shalt  }
0x6a: {  	_ =	shalt  }
0x6b: {  	_ =	shalt  }
0x6c: {  	_ =	shalt  }
0x6d: {  	_ =	shalt  }
0x6e: {  	_ =	shalt  }
0x6f: {  	_ =	shalt  }
0x70: {  	_ =	shalt  }
0x71: {  	_ =	shalt  }
0x72: {  	_ =	shalt  }
0x73: {  	_ =	shalt  }
0x74: {  	_ =	shalt  }
0x75: {  	_ =	shalt  }
0x76: {  	_ =	shalt  }
0x77: {  	_ =	shalt  }
0x78: {  	_ =	shalt  }
0x79: {  	_ =	shalt  }
0x7a: {  	_ =	shalt  }
0x7b: {  	_ =	shalt  }
0x7c: {  	_ =	shalt  }
0x7d: {  	_ =	shalt  }
0x7e: {  	_ =	shalt  }
0x7f: {  	_ =	shalt  }
0x80: {  	_ =	shalt  }
0x81: {  	_ =	shalt  }
0x82: {  	_ =	shalt  }
0x83: {  	_ =	shalt  }
0x84: {  	_ =	shalt  }
0x85: {  	_ =	shalt  }
0x86: {  	_ =	shalt  }
0x87: {  	_ =	shalt  }
.Lfunc_end0:
.L_simem_size_0:
called_computation_lowered:
.L_overlay_start_0:
0x88: {  	s2 =	sld [smem:$0x3FD9]  }
0x89: {  	s3 =	sld [smem:$0x3FFE];
	_ =	sdelay $0x1  }
0x8a: {  	s1 =	srdreg.scid  }
0x8b: {  	s0 =	sand.u32 $0x1, s1  }
0x8c: {  	s17 =	sshll.u32 s0, $0xA;
	s2 =	sadd.s32 s3, s2  }
0x8d: {  	s2 =	sadd.s32 s2, s17  }
0x8e: {  	[smem:$0x3FC0] =	sst s2  }
0x8f: {  	_ = 	snop  }
0x90: {  	(tm) =	ssettm $0x1  }
0x91: {  	s18 =	sld [smem:$0x3FFB];
	_ =	sdelay $0x3  }
0x92: {  	_ =	strace s18  }
0x93: {  	s2 =	sld [smem:$0x3FFC];
	_ =	sdelay $0x3  }
0x94: {  	_ =	strace s2  }
0x95: {  	s2 =	sld [smem:$0x3FFD];
	_ =	sdelay $0x3  }
0x96: {  	_ =	strace s2  }
0x97: {  	_ =	strace $0x8FFFFFFF  }
0x98: {  	s19 =	sld [smem:$0x3FDB];
	_ =	sdelay $0x1  }
0x99: {  	s20 =	simm.s32 $_scs_section_size  }
0x9a: {  	s4 =	simm.s32 $_size__tile_overlayer_lowered;
	s5 =	simm.s32 $_tile_overlayer_lowered  }
0x9b: {  	s6 =	simm.s32 $0x1BFF;
	s21 =	sshll.u32 s5, $0x1;
	s3 =	sadd.s32 s20, s19  }
0x9c: {  	s22 =	simm.s32 $0x0;
	s4 =	sshll.u32 s4, $0x1;
	s5 =	sadd.s32 s21, s3  }
0x9d: {  	[timem:s22], [sflag:s6] =	dma.local [hbm:s5], s4  }
0x9e: {  	_ =	swait.ge [sflag:s6], s4  }
0x9f: {  	s4 =	ssub.s32 $0x0, s4;
	[sflag:s6] =	ssyncset.done $0x0  }
0xa0: {  	[sflag:s6] =	ssyncadd.s32 s4;
	_ =	sdelay $0x1  }
0xa1: {  	s23 =	simm.s32 $0x1B8B  }
0xa2: {  	_ =	swait.ge [sflag:s23], $0x1  }
0xa3: {  	[sflag:s23] =	ssyncset.done $0x0  }
0xa4: {  	[sflag:s23] =	ssyncadd.s32 $0xFFFFFFFF  }
0xa5: {  	s4 =	sld [smem:$0x0]  }
0xa6: {  	s5 =	sand.u32 $0xFFFFFFFE, s1  }
0xa7: {  	p0 =	sne.s32 s1, s5  }
0xa8: {  	s5 =	sshll.u32 @p0 s5, $0xE  }
0xa9: {  	s5 =	sadd.s32 @p0 $0x11B8D, s5;
	s6 =	sshll.u32 @p0 s4, $0x11  }
0xaa: {  	s5 =	sor.u32 @p0 s6, s5  }
0xab: {  	[sflag:s5] =	ssyncadd.remote.s32 @p0 $0x1;
	_ =	sdelay $0x1  }
0xac: {  	s5 =	simm.s32 @p0 $0x1B8D  }
0xad: {  	_ =	swait.eq @p0 [sflag:s5], $0x1  }
0xae: {  	[sflag:s5] =	ssyncadd.s32 @p0 $0xFFFFFFFF  }
0xaf: {  	s6 =	sshll.u32 @!p0 s1, $0xE  }
0xb0: {  	s6 =	sor.u32 @!p0 $0x4000, s6;
	s5 =	simm.s32 @!p0 $0x1B8D  }
0xb1: {  	s4 =	sshll.u32 @!p0 s4, $0x11;
	s6 =	sadd.s32 @!p0 $0x11B8D, s6;
	_ =	swait.eq @!p0 [sflag:s5], $0x1  }
0xb2: {  	s4 =	sor.u32 @!p0 s4, s6;
	[sflag:s5] =	ssyncadd.s32 @!p0 $0xFFFFFFFF  }
0xb3: {  	s25 =	simm.s32 $0x1B8E;
	s24 =	sld [smem:$0x3FFE];
	[sflag:s4] =	ssyncadd.remote.s32 @!p0 $0x1  }
0xb4: {  	s26 =	simm.s32 $execute0_lowered;
	[smem:$0x3FD2] =	sst s25  }
0xb5: {  	s5 =	sshll.u32 s26, $0x1;
	_ =	strace $0x80000049;
	[dreg:$0x1] =	wrdreg $0xFFFFFFFF  }
0xb6: {  	s28 =	simm.s32 $_size_execute0_lowered;
	s3 =	sadd.s32 s3, s5;
	[dreg:$0x0] =	wrdreg $0x0  }
0xb7: {  	s5 =	sshll.u32 s28, $0x1;
	[dreg:$0x2] =	wrdreg s3  }
0xb8: {  	[dreg:$0x3] =	wrdreg s5  }
0xb9: {  	[dreg:$0x4] =	wrdreg $0xC0  }
0xba: {  	_ =	task [dreg:s22], $0x5FFFF  }
0xbb: {  	[dreg:$0x1] =	wrdreg $0xFFFFFFFF  }
0xbc: {  	[dreg:$0x0] =	wrdreg $0x60  }
0xbd: {  	[dreg:$0x2] =	wrdreg s24  }
0xbe: {  	[dreg:$0x3] =	wrdreg $0x48000  }
0xbf: {  	[dreg:$0x4] =	wrdreg $0x9  }
0xc0: {  	_ =	task.clear_ibuf [dreg:s22], $0x5FFFF;
	_ =	strace $0x90000049  }
0xc1: {  	s29 =	simm.s32 $0x9;
	_ =	strace $0x8000004B  }
0xc2: {  	_ =	swait.ge [sflag:s29], $0x1  }
0xc3: {  	[sflag:s29] =	ssyncadd.s32 $0xFFFFFFFF  }
0xc4: {  	_ =	strace $0x9000004B  }
0xc5: {  	_ =	sfence  }
0xc6: {  	s30 =	sld [smem:$0x0];
	_ =	sdelay $0x2  }
0xc7: {  	s31 =	sshll.u32 s1, $0xD;
	s1 =	sshrl.u32 s1, $0x2  }
0xc8: {  	s4 =	sand.u32 $0x4000, s31;
	s1 =	sadd.s32 s1, s30  }
0xc9: {  	s0 =	sor.u32 s4, s0;
	s1 =	sshll.u32 s1, $0x11  }
0xca: {  	s0 =	sor.u32 s1, s0  }
0xcb: {  	s0 =	sadd.s32 $0x8F2B, s0  }
0xcc: {  	[sflag:s0] =	ssyncadd.remote.s32 $0x1  }
0xcd: {  	_ =	sfence.sel $0xFFFF  }
0xce: {  	[dreg:$0x0] =	wrdreg $0xFFFFFFFF;
	(pc) =	sbr.abs _section_cstart, $3  }
0xcf: {  	[dreg:$0x1] =	wrdreg $0xFFFFFFFF  }
0xd0: {  	_ =	task.clear_ibuf [dreg:s22], $0x2FFFF;
	_ =	strace $0x9FFFFFFF  }
0xd1: {  	(tm) =	ssettm $0x7FFFFFFF  }
tec
execute0_lowered:
.L_overlay_start_1:
0x0: {  	(tag) =	ssettag $0x1  }
0x1: {  	s0 =	srdreg.scid;
	s1 =	rddreg [dreg:$0x0]  }
0x2: {  	s7 =	stileid.u32;
	s2 =	rddreg [dreg:$0x1];
	s3 =	simm.s32 $0x0  }
0x3: {  	s12 =	simm.s32 $0x800;
	s13 =	simm.s32 $0x1;
	s14 =	simm.s32 $0x80  }
0x4: {  	s15 =	simm.s32 $0x100;
	s16 =	simm.s32 $0x180;
	s17 =	simm.s32 $0x200  }
0x5: {  	s18 =	simm.s32 $0x280;
	s19 =	simm.s32 $0x300;
	s20 =	simm.s32 $0x380  }
0x6: {  	s21 =	simm.s32 $0x400;
	s22 =	simm.s32 $0x480;
	s5 =	smul.u32 $0x2800, s7  }
0x7: {  	s23 =	simm.s32 $0x500;
	s28 =	simm.s32 $0x700;
	s24 =	smul.u32 $0x13C00, s7  }
0x8: {  	s29 =	simm.s32 $0x780;
	s0 =	sand.u32 $0x1, s0;
	s7 =	smul.u32 $0x4F000, s7  }
0x9: {  	s30 =	simm.s32 $0x0;
	[smem:$0x7FF] =	sst s3;
	s4 =	smul.u32 $0x28000, s0  }
0xa: {  	s6 =	smul.u32 $0x13C000, s0;
	_ =	strace $0x8000004A;
	s0 =	ssub.s32 $0x2, s0  }
0xb: {  	s26 =	sshrl.u32 s7, $0x2;
	s31 =	sshrl.u32 s0, $0x1;
	s4 =	sadd.s32 s5, s4  }
0xc: {  	s25 =	sadd.s32 s24, s6;
	s0 =	ssub.s32 s0, s31;
	s24 =	simm.s32 $0x580  }
0xd: {  	s4 =	sshrl.u32 s4, $0x3;
	s6 =	sshrl.u32 s25, $0x3;
	s10 =	smax.u32 s0, $0x1  }
0xe: {  	s25 =	simm.s32 $0x600;
	s11 =	sadd.s32 s4, s1;
	s4 =	sadd.s32 s26, s2  }
0xf: {  	s1 =	sadd.s32 s6, s1;
	s26 =	simm.s32 $0x680;
	s5 =	sadd.s32 $0x4000, s4  }
0x10: {  	s6 =	sadd.s32 $0x8000, s4;
	s7 =	sadd.s32 $0xC000, s4;
	s8 =	sadd.s32 $0x10000, s4  }
0x11: {  	v0 =	vimm.f32 $0.0e+00;
	v1 =	vimm.f32 $1.000000000e+00;
	s9 =	sadd.s32 $0x64E00, s1;
	s11 =	sadd.s32 $0x1E00, s11;
	[dreg:$0x3] =	wrdreg s5  }
.LBB2_1:
0x12: {  	s1 =	simm.s32 $0x0;
	s31 =	simm.s32 $0x200  }
.LBB2_2:
0x13: {  	p0 =	sne.s32 s31, $0xFE00;
	[tilespmem:s1+$0x870] =	vst v0  }
0x14: {  	[tilespmem:s1+$0x800] =	vst v0  }
0x15: {  	[tilespmem:s1+$0x810] =	vst v0  }
.Ltmp0:
0x16: {  	[tilespmem:s1+$0x820] =	vst v0;
	(pc) =	sbr.rel @p0 .LBB2_2-.Ltmp0, $4  }
0x17: {  	[tilespmem:s1+$0x830] =	vst v0  }
0x18: {  	[tilespmem:s1+$0x840] =	vst v0  }
0x19: {  	[tilespmem:s1+$0x850] =	vst v0  }
0x1a: {  	[tilespmem:s1+$0x860] =	vst v0;
	s1 =	sshra.s32 s31, $0x2;
	s31 =	sadd.s32 $0x200, s31  }
0x1b: {  	[tilespmem:s1+$0x870] =	vst v0  }
0x1c: {  	[tilespmem:s1+$0x800] =	vst v0  }
0x1d: {  	[tilespmem:s1+$0x810] =	vst v0  }
0x1e: {  	[tilespmem:s1+$0x820] =	vst v0  }
0x1f: {  	[tilespmem:s1+$0x830] =	vst v0  }
0x20: {  	[tilespmem:s1+$0x840] =	vst v0  }
0x21: {  	[tilespmem:s1+$0x850] =	vst v0  }
0x22: {  	[tilespmem:s1+$0x860] =	vst v0  }
0x23: {  	[spmem:s4] =	stream.linear.scatter [tilespmem:s12], [sflag:$0x1], $0x4000, $0x38;
	[tilespmem:$0x18400] =	vst v63  }
0x24: {  	_ =	swait.ge [sflag:s13], $0x4000  }
0x25: {  	[sflag:s13] =	ssyncset.done $0x0  }
0x26: {  	s0 =	rddreg [dreg:$0x3];
	[sflag:s13] =	ssyncadd.s32 $0xFFFFC000  }
0x27: {  	[spmem:s0] =	stream.linear.scatter [tilespmem:s12], [sflag:$0x1], $0x4000, $0x38;
	[tilespmem:$0x18400] =	vst v63  }
0x28: {  	_ =	swait.ge [sflag:s13], $0x4000  }
0x29: {  	[sflag:s13] =	ssyncset.done $0x0  }
0x2a: {  	[sflag:s13] =	ssyncadd.s32 $0xFFFFC000  }
0x2b: {  	[spmem:s6] =	stream.linear.scatter [tilespmem:s12], [sflag:$0x1], $0x4000, $0x38;
	[tilespmem:$0x18400] =	vst v63  }
0x2c: {  	_ =	swait.ge [sflag:s13], $0x4000  }
0x2d: {  	[sflag:s13] =	ssyncset.done $0x0  }
0x2e: {  	[sflag:s13] =	ssyncadd.s32 $0xFFFFC000  }
0x2f: {  	[spmem:s7] =	stream.linear.scatter [tilespmem:s12], [sflag:$0x1], $0x4000, $0x38;
	[tilespmem:$0x18400] =	vst v63  }
0x30: {  	_ =	swait.ge [sflag:s13], $0x4000  }
0x31: {  	[sflag:s13] =	ssyncset.done $0x0  }
0x32: {  	[sflag:s13] =	ssyncadd.s32 $0xFFFFC000  }
0x33: {  	[spmem:s8] =	stream.linear.scatter [tilespmem:s12], [sflag:$0x1], $0x3C00, $0x38;
	[tilespmem:$0x18400] =	vst v63  }
0x34: {  	_ =	swait.ge [sflag:s13], $0x3C00  }
0x35: {  	[sflag:s13] =	ssyncset.done $0x0  }
0x36: {  	s1 =	simm.s32 $0x0;
	s31 =	simm.s32 $0x200;
	[sflag:s13] =	ssyncadd.s32 $0xFFFFC400  }
.LBB2_4:
0x37: {  	p0 =	sne.s32 s31, $0xFE00;
	[tilespmem:s1+$0x870] =	vst v1  }
0x38: {  	[tilespmem:s1+$0x800] =	vst v1  }
0x39: {  	[tilespmem:s1+$0x810] =	vst v1  }
.Ltmp1:
0x3a: {  	[tilespmem:s1+$0x820] =	vst v1;
	(pc) =	sbr.rel @p0 .LBB2_4-.Ltmp1, $4  }
0x3b: {  	[tilespmem:s1+$0x830] =	vst v1  }
0x3c: {  	[tilespmem:s1+$0x840] =	vst v1  }
0x3d: {  	[tilespmem:s1+$0x850] =	vst v1  }
0x3e: {  	[tilespmem:s1+$0x860] =	vst v1;
	s1 =	sshra.s32 s31, $0x2;
	s31 =	sadd.s32 $0x200, s31  }
0x3f: {  	[tilespmem:s1+$0x870] =	vst v1  }
0x40: {  	[tilespmem:s1+$0x800] =	vst v1  }
0x41: {  	[tilespmem:s1+$0x810] =	vst v1  }
0x42: {  	[tilespmem:s1+$0x820] =	vst v1  }
0x43: {  	[tilespmem:s1+$0x830] =	vst v1  }
0x44: {  	[tilespmem:s1+$0x840] =	vst v1  }
0x45: {  	[tilespmem:s1+$0x850] =	vst v1  }
0x46: {  	[tilespmem:s1+$0x860] =	vst v1  }
0x47: {  	s0 =	sadd.s32 $0x0, s11;
	[bflag:$0x0] =	sbarrier.arrive $0xFFFF  }
0x48: {  	[tilespmem:s3], [sflag:$0x1] =	stream.linear.gather [hbm4b:s0+s3], $0x800, $0x38;
	[tilespmem:$0x18400] =	vst v63  }
0x49: {  	_ =	swait.ge [sflag:s13], $0x800  }
0x4a: {  	[sflag:s13] =	ssyncset.done $0x0  }
0x4b: {  	[sflag:s13] =	ssyncadd.s32 $0xFFFFF800  }
0x4c: {  	[spmem:s2] =	stream.indirect.scatter.add.f32 [tilespmem:s12], [sflag:$0x1], $0x80, s3, s14, $0xb8;
	[tilespmem:$0x18400] =	vst v63  }
0x4d: {  	_ =	swait.ge [sflag:s13], $0x4000  }
0x4e: {  	[sflag:s13] =	ssyncset.done $0x0  }
0x4f: {  	[sflag:s13] =	ssyncadd.s32 $0xFFFFC000  }
0x50: {  	[spmem:s2] =	stream.indirect.scatter.add.f32 [tilespmem:s12], [sflag:$0x1], $0x80, s14, s14, $0xb8;
	[tilespmem:$0x18400] =	vst v63  }
0x51: {  	_ =	swait.ge [sflag:s13], $0x4000  }
0x52: {  	[sflag:s13] =	ssyncset.done $0x0  }
0x53: {  	[sflag:s13] =	ssyncadd.s32 $0xFFFFC000  }
0x54: {  	[spmem:s2] =	stream.indirect.scatter.add.f32 [tilespmem:s12], [sflag:$0x1], $0x80, s15, s14, $0xb8;
	[tilespmem:$0x18400] =	vst v63  }
0x55: {  	_ =	swait.ge [sflag:s13], $0x4000  }
0x56: {  	[sflag:s13] =	ssyncset.done $0x0  }
0x57: {  	[sflag:s13] =	ssyncadd.s32 $0xFFFFC000  }
0x58: {  	[spmem:s2] =	stream.indirect.scatter.add.f32 [tilespmem:s12], [sflag:$0x1], $0x80, s16, s14, $0xb8;
	[tilespmem:$0x18400] =	vst v63  }
0x59: {  	_ =	swait.ge [sflag:s13], $0x4000  }
0x5a: {  	[sflag:s13] =	ssyncset.done $0x0  }
0x5b: {  	[sflag:s13] =	ssyncadd.s32 $0xFFFFC000  }
0x5c: {  	[spmem:s2] =	stream.indirect.scatter.add.f32 [tilespmem:s12], [sflag:$0x1], $0x80, s17, s14, $0xb8;
	[tilespmem:$0x18400] =	vst v63  }
0x5d: {  	_ =	swait.ge [sflag:s13], $0x4000  }
0x5e: {  	[sflag:s13] =	ssyncset.done $0x0  }
0x5f: {  	[sflag:s13] =	ssyncadd.s32 $0xFFFFC000  }
0x60: {  	[spmem:s2] =	stream.indirect.scatter.add.f32 [tilespmem:s12], [sflag:$0x1], $0x80, s18, s14, $0xb8;
	[tilespmem:$0x18400] =	vst v63  }
0x61: {  	_ =	swait.ge [sflag:s13], $0x4000  }
0x62: {  	[sflag:s13] =	ssyncset.done $0x0  }
0x63: {  	[sflag:s13] =	ssyncadd.s32 $0xFFFFC000  }
0x64: {  	[spmem:s2] =	stream.indirect.scatter.add.f32 [tilespmem:s12], [sflag:$0x1], $0x80, s19, s14, $0xb8;
	[tilespmem:$0x18400] =	vst v63  }
0x65: {  	_ =	swait.ge [sflag:s13], $0x4000  }
0x66: {  	[sflag:s13] =	ssyncset.done $0x0  }
0x67: {  	[sflag:s13] =	ssyncadd.s32 $0xFFFFC000  }
0x68: {  	[spmem:s2] =	stream.indirect.scatter.add.f32 [tilespmem:s12], [sflag:$0x1], $0x80, s20, s14, $0xb8;
	[tilespmem:$0x18400] =	vst v63  }
0x69: {  	_ =	swait.ge [sflag:s13], $0x4000  }
0x6a: {  	[sflag:s13] =	ssyncset.done $0x0  }
0x6b: {  	[sflag:s13] =	ssyncadd.s32 $0xFFFFC000  }
0x6c: {  	[spmem:s2] =	stream.indirect.scatter.add.f32 [tilespmem:s12], [sflag:$0x1], $0x80, s21, s14, $0xb8;
	[tilespmem:$0x18400] =	vst v63  }
0x6d: {  	_ =	swait.ge [sflag:s13], $0x4000  }
0x6e: {  	[sflag:s13] =	ssyncset.done $0x0  }
0x6f: {  	[sflag:s13] =	ssyncadd.s32 $0xFFFFC000  }
0x70: {  	[spmem:s2] =	stream.indirect.scatter.add.f32 [tilespmem:s12], [sflag:$0x1], $0x80, s22, s14, $0xb8;
	[tilespmem:$0x18400] =	vst v63  }
0x71: {  	_ =	swait.ge [sflag:s13], $0x4000  }
0x72: {  	[sflag:s13] =	ssyncset.done $0x0  }
0x73: {  	[sflag:s13] =	ssyncadd.s32 $0xFFFFC000  }
0x74: {  	[spmem:s2] =	stream.indirect.scatter.add.f32 [tilespmem:s12], [sflag:$0x1], $0x80, s23, s14, $0xb8;
	[tilespmem:$0x18400] =	vst v63  }
0x75: {  	_ =	swait.ge [sflag:s13], $0x4000  }
0x76: {  	[sflag:s13] =	ssyncset.done $0x0  }
0x77: {  	[sflag:s13] =	ssyncadd.s32 $0xFFFFC000  }
0x78: {  	[spmem:s2] =	stream.indirect.scatter.add.f32 [tilespmem:s12], [sflag:$0x1], $0x80, s24, s14, $0xb8;
	[tilespmem:$0x18400] =	vst v63  }
0x79: {  	_ =	swait.ge [sflag:s13], $0x4000  }
0x7a: {  	[sflag:s13] =	ssyncset.done $0x0  }
0x7b: {  	[sflag:s13] =	ssyncadd.s32 $0xFFFFC000  }
0x7c: {  	[spmem:s2] =	stream.indirect.scatter.add.f32 [tilespmem:s12], [sflag:$0x1], $0x80, s25, s14, $0xb8;
	[tilespmem:$0x18400] =	vst v63  }
0x7d: {  	_ =	swait.ge [sflag:s13], $0x4000  }
0x7e: {  	[sflag:s13] =	ssyncset.done $0x0  }
0x7f: {  	[sflag:s13] =	ssyncadd.s32 $0xFFFFC000  }
0x80: {  	[spmem:s2] =	stream.indirect.scatter.add.f32 [tilespmem:s12], [sflag:$0x1], $0x80, s26, s14, $0xb8;
	[tilespmem:$0x18400] =	vst v63  }
0x81: {  	_ =	swait.ge [sflag:s13], $0x4000  }
0x82: {  	[sflag:s13] =	ssyncset.done $0x0  }
0x83: {  	[sflag:s13] =	ssyncadd.s32 $0xFFFFC000  }
0x84: {  	[spmem:s2] =	stream.indirect.scatter.add.f32 [tilespmem:s12], [sflag:$0x1], $0x80, s28, s14, $0xb8;
	[tilespmem:$0x18400] =	vst v63  }
0x85: {  	_ =	swait.ge [sflag:s13], $0x4000  }
0x86: {  	[sflag:s13] =	ssyncset.done $0x0  }
0x87: {  	[sflag:s13] =	ssyncadd.s32 $0xFFFFC000  }
0x88: {  	[spmem:s2] =	stream.indirect.scatter.add.f32 [tilespmem:s12], [sflag:$0x1], $0x80, s29, s14, $0xb8;
	[tilespmem:$0x18400] =	vst v63  }
0x89: {  	_ =	swait.ge [sflag:s13], $0x4000  }
0x8a: {  	s31 =	simm.s32 $0x100;
	s1 =	simm.s32 $0x200;
	[sflag:s13] =	ssyncset.done $0x0  }
.LBB2_6:
0x8b: {  	s5 =	sadd.s32 s31, s11  }
0x8c: {  	[sflag:s13] =	ssyncadd.s32 $0xFFFFC000;
	s31 =	smov.u32 s1;
	s0 =	sadd.s32 $0x100, s1  }
0x8d: {  	[tilespmem:s3], [sflag:$0x1] =	stream.linear.gather [hbm4b:s5+s3], $0x800, $0x38;
	[tilespmem:$0x18400] =	vst v63  }
0x8e: {  	p0 =	sne.s32 s1, $0x400;
	_ =	swait.ge [sflag:s13], $0x800  }
0x8f: {  	[sflag:s13] =	ssyncset.done $0x0  }
0x90: {  	[sflag:s13] =	ssyncadd.s32 $0xFFFFF800  }
0x91: {  	[spmem:s2] =	stream.indirect.scatter.add.f32 [tilespmem:s12], [sflag:$0x1], $0x80, s3, s14, $0xb8;
	[tilespmem:$0x18400] =	vst v63  }
0x92: {  	_ =	swait.ge [sflag:s13], $0x4000  }
0x93: {  	[sflag:s13] =	ssyncset.done $0x0  }
0x94: {  	[sflag:s13] =	ssyncadd.s32 $0xFFFFC000  }
0x95: {  	[spmem:s2] =	stream.indirect.scatter.add.f32 [tilespmem:s12], [sflag:$0x1], $0x80, s14, s14, $0xb8;
	[tilespmem:$0x18400] =	vst v63  }
0x96: {  	_ =	swait.ge [sflag:s13], $0x4000  }
0x97: {  	[sflag:s13] =	ssyncset.done $0x0  }
0x98: {  	[sflag:s13] =	ssyncadd.s32 $0xFFFFC000  }
0x99: {  	[spmem:s2] =	stream.indirect.scatter.add.f32 [tilespmem:s12], [sflag:$0x1], $0x80, s15, s14, $0xb8;
	[tilespmem:$0x18400] =	vst v63  }
0x9a: {  	_ =	swait.ge [sflag:s13], $0x4000  }
0x9b: {  	[sflag:s13] =	ssyncset.done $0x0  }
0x9c: {  	[sflag:s13] =	ssyncadd.s32 $0xFFFFC000  }
0x9d: {  	[spmem:s2] =	stream.indirect.scatter.add.f32 [tilespmem:s12], [sflag:$0x1], $0x80, s16, s14, $0xb8;
	[tilespmem:$0x18400] =	vst v63  }
0x9e: {  	_ =	swait.ge [sflag:s13], $0x4000  }
0x9f: {  	[sflag:s13] =	ssyncset.done $0x0  }
0xa0: {  	[sflag:s13] =	ssyncadd.s32 $0xFFFFC000  }
0xa1: {  	[spmem:s2] =	stream.indirect.scatter.add.f32 [tilespmem:s12], [sflag:$0x1], $0x80, s17, s14, $0xb8;
	[tilespmem:$0x18400] =	vst v63  }
0xa2: {  	_ =	swait.ge [sflag:s13], $0x4000  }
0xa3: {  	[sflag:s13] =	ssyncset.done $0x0  }
0xa4: {  	[sflag:s13] =	ssyncadd.s32 $0xFFFFC000  }
0xa5: {  	[spmem:s2] =	stream.indirect.scatter.add.f32 [tilespmem:s12], [sflag:$0x1], $0x80, s18, s14, $0xb8;
	[tilespmem:$0x18400] =	vst v63  }
0xa6: {  	_ =	swait.ge [sflag:s13], $0x4000  }
0xa7: {  	[sflag:s13] =	ssyncset.done $0x0  }
0xa8: {  	[sflag:s13] =	ssyncadd.s32 $0xFFFFC000  }
0xa9: {  	[spmem:s2] =	stream.indirect.scatter.add.f32 [tilespmem:s12], [sflag:$0x1], $0x80, s19, s14, $0xb8;
	[tilespmem:$0x18400] =	vst v63  }
0xaa: {  	_ =	swait.ge [sflag:s13], $0x4000  }
0xab: {  	[sflag:s13] =	ssyncset.done $0x0  }
0xac: {  	[sflag:s13] =	ssyncadd.s32 $0xFFFFC000  }
0xad: {  	[spmem:s2] =	stream.indirect.scatter.add.f32 [tilespmem:s12], [sflag:$0x1], $0x80, s20, s14, $0xb8;
	[tilespmem:$0x18400] =	vst v63  }
0xae: {  	_ =	swait.ge [sflag:s13], $0x4000  }
0xaf: {  	[sflag:s13] =	ssyncset.done $0x0  }
0xb0: {  	[sflag:s13] =	ssyncadd.s32 $0xFFFFC000  }
0xb1: {  	[spmem:s2] =	stream.indirect.scatter.add.f32 [tilespmem:s12], [sflag:$0x1], $0x80, s21, s14, $0xb8;
	[tilespmem:$0x18400] =	vst v63  }
0xb2: {  	_ =	swait.ge [sflag:s13], $0x4000  }
0xb3: {  	[sflag:s13] =	ssyncset.done $0x0  }
0xb4: {  	[sflag:s13] =	ssyncadd.s32 $0xFFFFC000  }
0xb5: {  	[spmem:s2] =	stream.indirect.scatter.add.f32 [tilespmem:s12], [sflag:$0x1], $0x80, s22, s14, $0xb8;
	[tilespmem:$0x18400] =	vst v63  }
0xb6: {  	_ =	swait.ge [sflag:s13], $0x4000  }
0xb7: {  	[sflag:s13] =	ssyncset.done $0x0  }
0xb8: {  	[sflag:s13] =	ssyncadd.s32 $0xFFFFC000  }
0xb9: {  	[spmem:s2] =	stream.indirect.scatter.add.f32 [tilespmem:s12], [sflag:$0x1], $0x80, s23, s14, $0xb8;
	[tilespmem:$0x18400] =	vst v63  }
0xba: {  	_ =	swait.ge [sflag:s13], $0x4000  }
0xbb: {  	[sflag:s13] =	ssyncset.done $0x0  }
0xbc: {  	[sflag:s13] =	ssyncadd.s32 $0xFFFFC000  }
0xbd: {  	[spmem:s2] =	stream.indirect.scatter.add.f32 [tilespmem:s12], [sflag:$0x1], $0x80, s24, s14, $0xb8;
	[tilespmem:$0x18400] =	vst v63  }
0xbe: {  	_ =	swait.ge [sflag:s13], $0x4000  }
0xbf: {  	[sflag:s13] =	ssyncset.done $0x0  }
0xc0: {  	[sflag:s13] =	ssyncadd.s32 $0xFFFFC000  }
0xc1: {  	[spmem:s2] =	stream.indirect.scatter.add.f32 [tilespmem:s12], [sflag:$0x1], $0x80, s25, s14, $0xb8;
	[tilespmem:$0x18400] =	vst v63  }
0xc2: {  	_ =	swait.ge [sflag:s13], $0x4000  }
0xc3: {  	[sflag:s13] =	ssyncset.done $0x0  }
0xc4: {  	[sflag:s13] =	ssyncadd.s32 $0xFFFFC000  }
0xc5: {  	[spmem:s2] =	stream.indirect.scatter.add.f32 [tilespmem:s12], [sflag:$0x1], $0x80, s26, s14, $0xb8;
	[tilespmem:$0x18400] =	vst v63  }
0xc6: {  	_ =	swait.ge [sflag:s13], $0x4000  }
0xc7: {  	[sflag:s13] =	ssyncset.done $0x0  }
0xc8: {  	[sflag:s13] =	ssyncadd.s32 $0xFFFFC000  }
0xc9: {  	[spmem:s2] =	stream.indirect.scatter.add.f32 [tilespmem:s12], [sflag:$0x1], $0x80, s28, s14, $0xb8;
	[tilespmem:$0x18400] =	vst v63  }
0xca: {  	_ =	swait.ge [sflag:s13], $0x4000  }
.Ltmp2:
0xcb: {  	[sflag:s13] =	ssyncset.done $0x0;
	(pc) =	sbr.rel @p0 .LBB2_6-.Ltmp2, $4  }
0xcc: {  	[sflag:s13] =	ssyncadd.s32 $0xFFFFC000  }
0xcd: {  	[spmem:s2] =	stream.indirect.scatter.add.f32 [tilespmem:s12], [sflag:$0x1], $0x80, s29, s14, $0xb8;
	[tilespmem:$0x18400] =	vst v63  }
0xce: {  	_ =	swait.ge [sflag:s13], $0x4000  }
0xcf: {  	s1 =	smov.u32 s0;
	[sflag:s13] =	ssyncset.done $0x0  }
0xd0: {  	s0 =	sadd.s32 s31, s11;
	[sflag:s13] =	ssyncadd.s32 $0xFFFFC000  }
0xd1: {  	[tilespmem:s3], [sflag:$0x1] =	stream.linear.gather [hbm4b:s0+s3], $0x800, $0x38;
	[tilespmem:$0x18400] =	vst v63  }
0xd2: {  	_ =	swait.ge [sflag:s13], $0x800  }
0xd3: {  	[sflag:s13] =	ssyncset.done $0x0  }
0xd4: {  	[sflag:s13] =	ssyncadd.s32 $0xFFFFF800  }
0xd5: {  	[spmem:s2] =	stream.indirect.scatter.add.f32 [tilespmem:s12], [sflag:$0x1], $0x80, s3, s14, $0xb8;
	[tilespmem:$0x18400] =	vst v63  }
0xd6: {  	_ =	swait.ge [sflag:s13], $0x4000  }
0xd7: {  	[sflag:s13] =	ssyncset.done $0x0  }
0xd8: {  	[sflag:s13] =	ssyncadd.s32 $0xFFFFC000  }
0xd9: {  	[spmem:s2] =	stream.indirect.scatter.add.f32 [tilespmem:s12], [sflag:$0x1], $0x80, s14, s14, $0xb8;
	[tilespmem:$0x18400] =	vst v63  }
0xda: {  	_ =	swait.ge [sflag:s13], $0x4000  }
0xdb: {  	[sflag:s13] =	ssyncset.done $0x0  }
0xdc: {  	[sflag:s13] =	ssyncadd.s32 $0xFFFFC000  }
0xdd: {  	[spmem:s2] =	stream.indirect.scatter.add.f32 [tilespmem:s12], [sflag:$0x1], $0x80, s15, s14, $0xb8;
	[tilespmem:$0x18400] =	vst v63  }
0xde: {  	_ =	swait.ge [sflag:s13], $0x4000  }
0xdf: {  	[sflag:s13] =	ssyncset.done $0x0  }
0xe0: {  	[sflag:s13] =	ssyncadd.s32 $0xFFFFC000  }
0xe1: {  	[spmem:s2] =	stream.indirect.scatter.add.f32 [tilespmem:s12], [sflag:$0x1], $0x80, s16, s14, $0xb8;
	[tilespmem:$0x18400] =	vst v63  }
0xe2: {  	_ =	swait.ge [sflag:s13], $0x4000  }
0xe3: {  	[sflag:s13] =	ssyncset.done $0x0  }
0xe4: {  	[sflag:s13] =	ssyncadd.s32 $0xFFFFC000  }
0xe5: {  	[spmem:s2] =	stream.indirect.scatter.add.f32 [tilespmem:s12], [sflag:$0x1], $0x80, s17, s14, $0xb8;
	[tilespmem:$0x18400] =	vst v63  }
0xe6: {  	_ =	swait.ge [sflag:s13], $0x4000  }
0xe7: {  	[sflag:s13] =	ssyncset.done $0x0  }
0xe8: {  	[sflag:s13] =	ssyncadd.s32 $0xFFFFC000  }
0xe9: {  	[spmem:s2] =	stream.indirect.scatter.add.f32 [tilespmem:s12], [sflag:$0x1], $0x80, s18, s14, $0xb8;
	[tilespmem:$0x18400] =	vst v63  }
0xea: {  	_ =	swait.ge [sflag:s13], $0x4000  }
0xeb: {  	[sflag:s13] =	ssyncset.done $0x0  }
0xec: {  	[sflag:s13] =	ssyncadd.s32 $0xFFFFC000  }
0xed: {  	[spmem:s2] =	stream.indirect.scatter.add.f32 [tilespmem:s12], [sflag:$0x1], $0x80, s19, s14, $0xb8;
	[tilespmem:$0x18400] =	vst v63  }
0xee: {  	_ =	swait.ge [sflag:s13], $0x4000  }
0xef: {  	[sflag:s13] =	ssyncset.done $0x0  }
0xf0: {  	[sflag:s13] =	ssyncadd.s32 $0xFFFFC000  }
0xf1: {  	[spmem:s2] =	stream.indirect.scatter.add.f32 [tilespmem:s12], [sflag:$0x1], $0x80, s20, s14, $0xb8;
	[tilespmem:$0x18400] =	vst v63  }
0xf2: {  	_ =	swait.ge [sflag:s13], $0x4000  }
0xf3: {  	[sflag:s13] =	ssyncset.done $0x0  }
0xf4: {  	[sflag:s13] =	ssyncadd.s32 $0xFFFFC000  }
0xf5: {  	[spmem:s2] =	stream.indirect.scatter.add.f32 [tilespmem:s12], [sflag:$0x1], $0x80, s21, s14, $0xb8;
	[tilespmem:$0x18400] =	vst v63  }
0xf6: {  	_ =	swait.ge [sflag:s13], $0x4000  }
0xf7: {  	[sflag:s13] =	ssyncset.done $0x0  }
0xf8: {  	[sflag:s13] =	ssyncadd.s32 $0xFFFFC000  }
0xf9: {  	[spmem:s2] =	stream.indirect.scatter.add.f32 [tilespmem:s12], [sflag:$0x1], $0x80, s22, s14, $0xb8;
	[tilespmem:$0x18400] =	vst v63  }
0xfa: {  	_ =	swait.ge [sflag:s13], $0x4000  }
0xfb: {  	[sflag:s13] =	ssyncset.done $0x0  }
0xfc: {  	[sflag:s13] =	ssyncadd.s32 $0xFFFFC000  }
0xfd: {  	[spmem:s2] =	stream.indirect.scatter.add.f32 [tilespmem:s12], [sflag:$0x1], $0x80, s23, s14, $0xb8;
	[tilespmem:$0x18400] =	vst v63  }
0xfe: {  	_ =	swait.ge [sflag:s13], $0x4000  }
0xff: {  	[sflag:s13] =	ssyncset.done $0x0  }
0x100: {  	[sflag:s13] =	ssyncadd.s32 $0xFFFFC000  }
0x101: {  	[spmem:s2] =	stream.indirect.scatter.add.f32 [tilespmem:s12], [sflag:$0x1], $0x80, s24, s14, $0xb8;
	[tilespmem:$0x18400] =	vst v63  }
0x102: {  	_ =	swait.ge [sflag:s13], $0x4000  }
0x103: {  	[sflag:s13] =	ssyncset.done $0x0  }
0x104: {  	[sflag:s13] =	ssyncadd.s32 $0xFFFFC000  }
0x105: {  	[spmem:s2] =	stream.indirect.scatter.add.f32 [tilespmem:s12], [sflag:$0x1], $0x80, s25, s14, $0xb8;
	[tilespmem:$0x18400] =	vst v63  }
0x106: {  	_ =	swait.ge [sflag:s13], $0x4000  }
0x107: {  	[sflag:s13] =	ssyncset.done $0x0  }
0x108: {  	[sflag:s13] =	ssyncadd.s32 $0xFFFFC000  }
0x109: {  	[spmem:s2] =	stream.indirect.scatter.add.f32 [tilespmem:s12], [sflag:$0x1], $0x80, s26, s14, $0xb8;
	[tilespmem:$0x18400] =	vst v63  }
0x10a: {  	_ =	swait.ge [sflag:s13], $0x4000  }
0x10b: {  	[sflag:s13] =	ssyncset.done $0x0  }
0x10c: {  	[sflag:s13] =	ssyncadd.s32 $0xFFFFC000  }
0x10d: {  	[spmem:s2] =	stream.indirect.scatter.add.f32 [tilespmem:s12], [sflag:$0x1], $0x80, s28, s14, $0xb8;
	[tilespmem:$0x18400] =	vst v63  }
0x10e: {  	_ =	swait.ge [sflag:s13], $0x4000  }
0x10f: {  	[sflag:s13] =	ssyncset.done $0x0  }
0x110: {  	[sflag:s13] =	ssyncadd.s32 $0xFFFFC000  }
0x111: {  	[spmem:s2] =	stream.indirect.scatter.add.f32 [tilespmem:s12], [sflag:$0x1], $0x80, s29, s14, $0xb8;
	[tilespmem:$0x18400] =	vst v63  }
0x112: {  	s31 =	stileid.u32;
	_ =	swait.ge [sflag:s13], $0x4000  }
0x113: {  	s1 =	sshrl.u32 s4, $0x3;
	s30 =	sadd.s32 $0x1, s30;
	[sflag:s13] =	ssyncset.done $0x0  }
0x114: {  	s0 =	sshll.u32 s31, $0x6;
	p0 =	sne.s32 s30, s10;
	[sflag:s13] =	ssyncadd.s32 $0xFFFFC000  }
.Ltmp3:
0x115: {  	s0 =	sor.u32 $0x1C01, s0;
	[bflag:$0x0] =	sbarrier.arrive $0xFFFF;
	(pc) =	sbr.rel @p0 .LBB2_1-.Ltmp3, $4  }
0x116: {  	[hbm:s9], [sflag:s0] =	dma.local [spmem:s1], $0x2780  }
0x117: {  	_ =	swait.ge [sflag:s13], $0x2780  }
0x118: {  	[sflag:s13] =	ssyncset.done $0x0  }
0x119: {  	[sflag:s13] =	ssyncadd.s32 $0xFFFFD880  }
0x11a: {  	_ =	sfence.sel $0x180000  }
0x11b: {  	[bflag:$0x0] =	sbarrier.arrive $0xFFFF  }
0x11c: {  	_ =	strace $0x9000004A  }
0x11d: {  	s0 =	stileid.u32;
	[bflag:$0x2] =	sbarrier.arrive $0xFFFF  }
0x11e: {  	p0 =	sne.s32 s0, $0x0;
	s0 =	rddreg [dreg:$0x2]  }
0x11f: {  	s0 =	sadd.s32 @!p0 $0x100000, s0  }
0x120: {  	[sflag:s0] =	ssyncadd.tile.s32 @!p0 $0x1;
	_ =	shalt  }
.Lfunc_end2:
_tile_overlayer_lowered:
.L_overlay_start_2:
0x121: {  	(tag) =	ssettag $0x2  }
0x122: {  	s0 =	rddreg [dreg:$0x0];
	s2 =	stileid.u32  }
0x123: {  	s1 =	rddreg [dreg:$0x1];
	p0 =	sne.s32 s2, $0x0  }
0x124: {  	s3 =	rddreg [dreg:$0x2];
	[bflag:$0x3] =	sbarrier.arrive $0xFFFF;
	s2 =	simm.s32 @!p0 $0x1C01  }
0x125: {  	[timem:s3], [sflag:s2] =	dma.local @!p0 [hbm:s0], s1  }
0x126: {  	s0 =	simm.s32 @!p0 $0x1  }
0x127: {  	_ =	swait.ge @!p0 [sflag:s0], s1  }
0x128: {  	s1 =	ssub.s32 @!p0 $0x0, s1;
	[sflag:s0] =	ssyncset.done @!p0 $0x0  }
0x129: {  	[sflag:s0] =	ssyncadd.s32 @!p0 s1  }
0x12a: {  	[bflag:$0x3] =	sbarrier.arrive $0xFFFF  }
0x12b: {  	_ =	shalt  }

// kernel: segsum.4.cloned.1.call-start
scs
__scs_entry_jumppad:
0x0: {  	(pc) =	sbr.rel $0x88, $3  }
0x1: {  	(tag) =	ssettag $0x0;
	lr =	simm.s32 $0x1  }
0x2: {  	[smem:$0x3F99] =	sst lr;
	_ =	strace $0xD0000000  }
0x3: {  	_ = 	snop  }
0x4: {  	_ = 	snop  }
0x5: {  	_ = 	snop  }
0x6: {  	_ = 	snop  }
0x7: {  	_ = 	snop  }
__scs_overlays_trampoline_lowered:
0x8: {  	[smem:$0x3FA8] =	sst s0  }
0x9: {  	[smem:$0x3FA9] =	sst s1  }
0xa: {  	[smem:$0x3FAA] =	sst s2  }
0xb: {  	[smem:$0x3FAB] =	sst s3  }
0xc: {  	[smem:$0x3FAC] =	sst s4  }
0xd: {  	[smem:$0x3FAD] =	sst s5  }
0xe: {  	[smem:$0x3FAE] =	sst s6  }
0xf: {  	[smem:$0x3FAF] =	sst s7  }
0x10: {  	[smem:$0x3FB0] =	sst s8  }
0x11: {  	[smem:$0x3FB1] =	sst s9;
	s0 =	simm.s32 @!p0 $0x0  }
0x12: {  	s1 =	sld [smem:$0x3F97];
	s0 =	simm.s32 @p0 $0x1  }
0x13: {  	[smem:$0x3FB2] =	sst s0;
	s0 =	simm.s32 @!p1 $0x0  }
0x14: {  	s2 =	sld [smem:$0x3F96];
	s0 =	simm.s32 @p1 $0x1  }
0x15: {  	[smem:$0x3FB3] =	sst s0;
	s0 =	simm.s32 @!p2 $0x0  }
0x16: {  	s3 =	sld [smem:$0x3FDB];
	s0 =	simm.s32 @p2 $0x1  }
0x17: {  	s4 =	simm.s32 $0x1BF5;
	[smem:$0x3FB5] =	sst s0  }
0x18: {  	s0 =	sld [smem:$0x3F98];
	_ =	swait.ge [sflag:s4], $0x0  }
0x19: {  	s7 =	sld [smem:$0x3F99]  }
0x1a: {  	s8 =	sadd.s32 $0xFFFFE003, lr  }
0x1b: {  	s9 =	sadd.s32 $0xFFFFFEF7, lr;
	s5 =	simm.s32 $0xFFFFFFFF;
	p2 =	slt.u32 s8, $0xFFFFF086  }
0x1c: {  	p1 =	slt.u32 s9, $0xF7A;
	s5 =	simm.s32 @!p2 $0x0  }
0x1d: {  	s5 =	simm.s32 @p1 $0x1;
	p0 =	seq.s32 s7, s2  }
0x1e: {  	s7 =	smul.u32 @!p0 $0xF7A, s2;
	p2 =	seq.s32 @!p0 s5, $0x0  }
0x1f: {  	s9 =	smul.u32 $0xF7A, s1;
	s8 =	simm.s32 @!p0 $0x1BF5;
	p2 =	por !p2, p0  }
0x20: {  	[sflag:s8] =	ssyncset.s32 @!p0 $0xFFFFF086;
	s6 =	sadd.s32 @!p0 s3, s7;
	s7 =	simm.s32 @!p0 $0x108  }
0x21: {  	s3 =	sadd.s32 s3, s9;
	s6 =	sadd.s32 @!p0 $0x88, s6;
	s7 =	simm.s32 @p2 $0x1082  }
0x22: {  	[simem:s7], [sflag:s8] =	dma.local @!p0 [hbm:s6], $0xF7A  }
0x23: {  	s9 =	sor.u32 $0xD0000000, s2;
	s6 =	simm.s32 $0x108;
	_ =	swait.ge @!p0 [sflag:s8], $0x0  }
0x24: {  	s3 =	sadd.s32 $0x88, s3;
	s6 =	simm.s32 @!p1 $0x1082;
	[sflag:s4] =	ssyncset.s32 $0xFFFFF086  }
0x25: {  	[simem:s6], [sflag:s4] =	dma.local [hbm:s3], $0xF7A  }
0x26: {  	[smem:$0x3F99] =	sst s1;
	(tag) =	ssettag s2;
	_ =	strace s9  }
0x27: {  	s1 =	sld [smem:$0x3FA9]  }
0x28: {  	s2 =	sld [smem:$0x3FAA]  }
0x29: {  	s4 =	sld [smem:$0x3FAC]  }
0x2a: {  	p0 =	seq.s32 s5, $0x0;
	s5 =	sld [smem:$0x3FAD]  }
0x2b: {  	s6 =	sld [smem:$0x3FAE]  }
0x2c: {  	s7 =	sld [smem:$0x3FAF]  }
0x2d: {  	s3 =	simm.s32 $0x108;
	s8 =	sld [smem:$0x3FB0]  }
0x2e: {  	s3 =	simm.s32 @!p0 $0x1082;
	s9 =	sld [smem:$0x3FB1]  }
0x2f: {  	lr =	sadd.s32 s0, s3;
	s0 =	sld [smem:$0x3FA8]  }
0x30: {  	s3 =	sld [smem:$0x3FAB]  }
0x31: {  	[smem:$0x3FB4] =	sst s10  }
0x32: {  	s10 =	sld [smem:$0x3FB2];
	_ =	sdelay $0x3  }
0x33: {  	p0 =	seq.s32 s10, $0x1;
	s10 =	sld [smem:$0x3FB4];
	_ =	sdelay $0x3  }
0x34: {  	[smem:$0x3FB4] =	sst s10  }
0x35: {  	s10 =	sld [smem:$0x3FB3];
	_ =	sdelay $0x3  }
0x36: {  	p1 =	seq.s32 s10, $0x1;
	s10 =	sld [smem:$0x3FB4];
	_ =	sdelay $0x3  }
0x37: {  	[smem:$0x3FB4] =	sst s10  }
0x38: {  	s10 =	sld [smem:$0x3FB5]  }
0x39: {  	_ = 	snop;
	(pc) =	sbr.ind lr, $3  }
0x3a: {  	_ = 	snop  }
0x3b: {  	_ = 	snop  }
0x3c: {  	p2 =	seq.s32 s10, $0x1;
	s10 =	sld [smem:$0x3FB4]  }
0x3d: {  	_ =	shalt  }
0x3e: {  	_ =	shalt  }
0x3f: {  	_ =	shalt  }
0x40: {  	_ =	shalt  }
0x41: {  	_ =	shalt  }
0x42: {  	_ =	shalt  }
0x43: {  	_ =	shalt  }
0x44: {  	_ =	shalt  }
0x45: {  	_ =	shalt  }
0x46: {  	_ =	shalt  }
0x47: {  	_ =	shalt  }
0x48: {  	_ =	shalt  }
0x49: {  	_ =	shalt  }
0x4a: {  	_ =	shalt  }
0x4b: {  	_ =	shalt  }
0x4c: {  	_ =	shalt  }
0x4d: {  	_ =	shalt  }
0x4e: {  	_ =	shalt  }
0x4f: {  	_ =	shalt  }
0x50: {  	_ =	shalt  }
0x51: {  	_ =	shalt  }
0x52: {  	_ =	shalt  }
0x53: {  	_ =	shalt  }
0x54: {  	_ =	shalt  }
0x55: {  	_ =	shalt  }
0x56: {  	_ =	shalt  }
0x57: {  	_ =	shalt  }
0x58: {  	_ =	shalt  }
0x59: {  	_ =	shalt  }
0x5a: {  	_ =	shalt  }
0x5b: {  	_ =	shalt  }
0x5c: {  	_ =	shalt  }
0x5d: {  	_ =	shalt  }
0x5e: {  	_ =	shalt  }
0x5f: {  	_ =	shalt  }
0x60: {  	_ =	shalt  }
0x61: {  	_ =	shalt  }
0x62: {  	_ =	shalt  }
0x63: {  	_ =	shalt  }
0x64: {  	_ =	shalt  }
0x65: {  	_ =	shalt  }
0x66: {  	_ =	shalt  }
0x67: {  	_ =	shalt  }
0x68: {  	_ =	shalt  }
0x69: {  	_ =	shalt  }
0x6a: {  	_ =	shalt  }
0x6b: {  	_ =	shalt  }
0x6c: {  	_ =	shalt  }
0x6d: {  	_ =	shalt  }
0x6e: {  	_ =	shalt  }
0x6f: {  	_ =	shalt  }
0x70: {  	_ =	shalt  }
0x71: {  	_ =	shalt  }
0x72: {  	_ =	shalt  }
0x73: {  	_ =	shalt  }
0x74: {  	_ =	shalt  }
0x75: {  	_ =	shalt  }
0x76: {  	_ =	shalt  }
0x77: {  	_ =	shalt  }
0x78: {  	_ =	shalt  }
0x79: {  	_ =	shalt  }
0x7a: {  	_ =	shalt  }
0x7b: {  	_ =	shalt  }
0x7c: {  	_ =	shalt  }
0x7d: {  	_ =	shalt  }
0x7e: {  	_ =	shalt  }
0x7f: {  	_ =	shalt  }
0x80: {  	_ =	shalt  }
0x81: {  	_ =	shalt  }
0x82: {  	_ =	shalt  }
0x83: {  	_ =	shalt  }
0x84: {  	_ =	shalt  }
0x85: {  	_ =	shalt  }
0x86: {  	_ =	shalt  }
0x87: {  	_ =	shalt  }
.Lfunc_end0:
.L_simem_size_0:
called_computation.1_lowered:
.L_overlay_start_0:
0x88: {  	s2 =	sld [smem:$0x3FD9]  }
0x89: {  	s3 =	sld [smem:$0x3FFE];
	_ =	sdelay $0x1  }
0x8a: {  	s1 =	srdreg.scid  }
0x8b: {  	s0 =	sand.u32 $0x1, s1  }
0x8c: {  	s17 =	sshll.u32 s0, $0xA;
	s2 =	sadd.s32 s3, s2  }
0x8d: {  	s2 =	sadd.s32 s2, s17  }
0x8e: {  	[smem:$0x3FC0] =	sst s2  }
0x8f: {  	_ = 	snop  }
0x90: {  	s2 =	sld [smem:$0x3FD0];
	(tm) =	ssettm $0x1  }
0x91: {  	s18 =	sld [smem:$0x3FFB];
	_ =	sdelay $0x3  }
0x92: {  	_ =	strace s18  }
0x93: {  	s3 =	sld [smem:$0x3FFC];
	_ =	sdelay $0x3  }
0x94: {  	_ =	strace s3  }
0x95: {  	s3 =	sld [smem:$0x3FFD];
	_ =	sdelay $0x3  }
0x96: {  	_ =	strace s3  }
0x97: {  	_ =	strace $0x8FFFFFFF  }
0x98: {  	s19 =	sld [smem:$0x3FDB];
	_ =	sdelay $0x1  }
0x99: {  	s4 =	simm.s32 $_scs_section_size  }
0x9a: {  	s5 =	simm.s32 $_size__tile_overlayer_lowered;
	s6 =	simm.s32 $_tile_overlayer_lowered  }
0x9b: {  	s22 =	simm.s32 $0x1BFF;
	s21 =	sshll.u32 s6, $0x1;
	s3 =	sadd.s32 s4, s19  }
0x9c: {  	s7 =	simm.s32 $0x0;
	s20 =	sshll.u32 s5, $0x1;
	s5 =	sadd.s32 s21, s3  }
0x9d: {  	[timem:s7], [sflag:s22] =	dma.local [hbm:s5], s20  }
0x9e: {  	_ =	swait.ge [sflag:s22], s20  }
0x9f: {  	s4 =	ssub.s32 $0x0, s20;
	[sflag:s22] =	ssyncset.done $0x0  }
0xa0: {  	[sflag:s22] =	ssyncadd.s32 s4;
	_ =	sdelay $0x1  }
0xa1: {  	s23 =	simm.s32 $0x1B8B  }
0xa2: {  	_ =	swait.ge [sflag:s23], $0x1  }
0xa3: {  	[sflag:s23] =	ssyncset.done $0x0  }
0xa4: {  	s25 =	simm.s32 $0x1B8E;
	s24 =	sld [smem:$0x3FFE];
	[sflag:s23] =	ssyncadd.s32 $0xFFFFFFFF  }
0xa5: {  	s26 =	simm.s32 $execute0_lowered;
	[smem:$0x3FD2] =	sst s25  }
0xa6: {  	s5 =	sshll.u32 s26, $0x1;
	_ =	strace $0x80000046;
	[dreg:$0x1] =	wrdreg $0xFFFFFFFF  }
0xa7: {  	s28 =	simm.s32 $_size_execute0_lowered;
	s3 =	sadd.s32 s3, s5;
	[dreg:$0x0] =	wrdreg $0x0  }
0xa8: {  	s5 =	sshll.u32 s28, $0x1;
	[dreg:$0x2] =	wrdreg s3  }
0xa9: {  	[dreg:$0x3] =	wrdreg s5  }
0xaa: {  	[dreg:$0x4] =	wrdreg $0xC0  }
0xab: {  	_ =	task [dreg:s7], $0x5FFFF  }
0xac: {  	[dreg:$0x1] =	wrdreg $0xFFFFFFFF  }
0xad: {  	[dreg:$0x0] =	wrdreg $0x60  }
0xae: {  	[dreg:$0x2] =	wrdreg s2  }
0xaf: {  	[dreg:$0x3] =	wrdreg s24  }
0xb0: {  	[dreg:$0x4] =	wrdreg $0x90000  }
0xb1: {  	[dreg:$0x5] =	wrdreg $0xA  }
0xb2: {  	_ =	task.clear_ibuf [dreg:s7], $0x6FFFF;
	_ =	strace $0x90000046  }
0xb3: {  	s29 =	simm.s32 $0xA;
	_ =	strace $0x80000048  }
0xb4: {  	_ =	swait.ge [sflag:s29], $0x1  }
0xb5: {  	[sflag:s29] =	ssyncadd.s32 $0xFFFFFFFF  }
0xb6: {  	_ =	strace $0x90000048  }
0xb7: {  	_ =	sfence  }
0xb8: {  	s30 =	sld [smem:$0x0];
	_ =	sdelay $0x2  }
0xb9: {  	s31 =	sshll.u32 s1, $0xD;
	s1 =	sshrl.u32 s1, $0x2  }
0xba: {  	s3 =	sand.u32 $0x4000, s31;
	s1 =	sadd.s32 s1, s30  }
0xbb: {  	s0 =	sor.u32 s3, s0;
	s1 =	sshll.u32 s1, $0x11  }
0xbc: {  	s0 =	sor.u32 s1, s0  }
0xbd: {  	s0 =	sadd.s32 $0x8F2B, s0  }
0xbe: {  	[sflag:s0] =	ssyncadd.remote.s32 $0x1  }
0xbf: {  	_ =	sfence.sel $0xFFFF  }
0xc0: {  	[dreg:$0x0] =	wrdreg $0xFFFFFFFF;
	(pc) =	sbr.abs _section_cstart, $3  }
0xc1: {  	[dreg:$0x1] =	wrdreg $0xFFFFFFFF  }
0xc2: {  	_ =	task.clear_ibuf [dreg:s7], $0x2FFFF;
	_ =	strace $0x9FFFFFFF  }
0xc3: {  	(tm) =	ssettm $0x7FFFFFFF  }
tec
execute0_lowered:
.L_overlay_start_1:
0x0: {  	(tag) =	ssettag $0x1  }
0x1: {  	s1 =	rddreg [dreg:$0x0]  }
0x2: {  	s7 =	rddreg [dreg:$0x1]  }
0x3: {  	s3 =	rddreg [dreg:$0x2]  }
0x4: {  	s2 =	srdreg.scid;
	s0 =	rddreg [dreg:$0x3]  }
0x5: {  	s4 =	simm.s32 $0x0;
	s17 =	simm.s32 $0x2;
	s18 =	simm.s32 $0x1  }
0x6: {  	s19 =	simm.s32 $0x80;
	s20 =	simm.s32 $0xF80;
	s21 =	simm.s32 $0x5000  }
0x7: {  	s22 =	simm.s32 $0x0;
	s8 =	sand.u32 $0x1, s2;
	s2 =	stileid.u32  }
0x8: {  	[smem:$0x7FF] =	sst s4;
	s5 =	sadd.s32 $0xBE00, s7;
	s9 =	smul.u32 $0x13C000, s8  }
0x9: {  	s6 =	sadd.s32 $0x1E00, s7;
	s10 =	smul.u32 $0x13C00, s2;
	s11 =	sxor.u32 $0x1, s8  }
0xa: {  	_ =	strace $0x80000047;
	s13 =	smul.u32 $0x4F000, s2;
	s29 =	ssub.s32 $0x2, s8  }
0xb: {  	s28 =	sshll.u32 s2, $0x4;
	s12 =	smul.u32 s11, s2;
	s31 =	sshrl.u32 s29, $0x1  }
0xc: {  	s11 =	smul.u32 $0x9, s11;
	s9 =	sadd.s32 s10, s9;
	s13 =	sshrl.u32 s13, $0x2  }
0xd: {  	s15 =	ssub.s32 s29, s31;
	s26 =	smul.u32 $0x90, s12;
	s9 =	sshrl.u32 s9, $0x3  }
.Ltmp0:
0xe: {  	s12 =	sor.u32 $0x900, s28;
	s15 =	smax.u32 s15, $0x1;
	(pc) =	sbr.rel .LBB2_1-.Ltmp0, $4  }
0xf: {  	s14 =	sadd.s32 s9, s7;
	s30 =	smul.u32 s8, s12;
	s7 =	sadd.s32 s13, s3  }
0x10: {  	s8 =	sadd.s32 s8, s11;
	s9 =	sadd.s32 $0x4000, s7;
	s10 =	sadd.s32 $0x8000, s7  }
0x11: {  	s11 =	sadd.s32 $0xC000, s7;
	s12 =	sadd.s32 $0x10000, s7;
	s16 =	sadd.s32 s26, s30  }
0x12: {  	v0 =	vimm.f32 $0.0e+00;
	s14 =	sadd.s32 $0x15E00, s14;
	s13 =	sshll.u32 s16, $0x4;
	s16 =	simm.s32 $0x1000  }
.LBB2_9:
0x13: {  	s22 =	sadd.s32 $0x1, s22  }
0x14: {  	s23 =	sshll.u32 s2, $0x6;
	[bflag:$0x0] =	sbarrier.arrive $0xFFFF;
	p0 =	sne.s32 s22, s15  }
.Ltmp1:
0x15: {  	s24 =	sshrl.u32 s7, $0x3;
	s23 =	sor.u32 $0x1C02, s23;
	(pc) =	sbr.rel @!p0 .LBB2_10-.Ltmp1, $4  }
0x16: {  	[hbm:s14], [sflag:s23] =	dma.local [spmem:s24], $0x2780  }
0x17: {  	_ =	swait.ge [sflag:s17], $0x2780  }
0x18: {  	[sflag:s17] =	ssyncset.done $0x0  }
0x19: {  	[sflag:s17] =	ssyncadd.s32 $0xFFFFD880  }
.LBB2_1:
0x1a: {  	s23 =	simm.s32 $0x0;
	s24 =	simm.s32 $0x200  }
.LBB2_2:
0x1b: {  	p0 =	sne.s32 s24, $0xFE00;
	[tilespmem:s23+$0x1070] =	vst v0  }
0x1c: {  	[tilespmem:s23+$0x1000] =	vst v0  }
0x1d: {  	[tilespmem:s23+$0x1010] =	vst v0  }
.Ltmp2:
0x1e: {  	[tilespmem:s23+$0x1020] =	vst v0;
	(pc) =	sbr.rel @p0 .LBB2_2-.Ltmp2, $4  }
0x1f: {  	[tilespmem:s23+$0x1030] =	vst v0  }
0x20: {  	[tilespmem:s23+$0x1040] =	vst v0  }
0x21: {  	[tilespmem:s23+$0x1050] =	vst v0  }
0x22: {  	[tilespmem:s23+$0x1060] =	vst v0;
	s23 =	sshra.s32 s24, $0x2;
	s24 =	sadd.s32 $0x200, s24  }
0x23: {  	[tilespmem:s23+$0x1070] =	vst v0  }
0x24: {  	[tilespmem:s23+$0x1000] =	vst v0  }
0x25: {  	[tilespmem:s23+$0x1010] =	vst v0  }
0x26: {  	[tilespmem:s23+$0x1020] =	vst v0  }
0x27: {  	[tilespmem:s23+$0x1030] =	vst v0  }
0x28: {  	[tilespmem:s23+$0x1040] =	vst v0  }
0x29: {  	[tilespmem:s23+$0x1050] =	vst v0  }
0x2a: {  	[tilespmem:s23+$0x1060] =	vst v0  }
0x2b: {  	[spmem:s7] =	stream.linear.scatter [tilespmem:s16], [sflag:$0x2], $0x4000, $0x38;
	[tilespmem:$0x1CC00] =	vst v63  }
0x2c: {  	_ =	swait.ge [sflag:s17], $0x4000  }
0x2d: {  	[sflag:s17] =	ssyncset.done $0x0  }
0x2e: {  	[sflag:s17] =	ssyncadd.s32 $0xFFFFC000  }
0x2f: {  	[spmem:s9] =	stream.linear.scatter [tilespmem:s16], [sflag:$0x2], $0x4000, $0x38;
	[tilespmem:$0x1CC00] =	vst v63  }
0x30: {  	_ =	swait.ge [sflag:s17], $0x4000  }
0x31: {  	[sflag:s17] =	ssyncset.done $0x0  }
0x32: {  	[sflag:s17] =	ssyncadd.s32 $0xFFFFC000  }
0x33: {  	[spmem:s10] =	stream.linear.scatter [tilespmem:s16], [sflag:$0x2], $0x4000, $0x38;
	[tilespmem:$0x1CC00] =	vst v63  }
0x34: {  	_ =	swait.ge [sflag:s17], $0x4000  }
0x35: {  	[sflag:s17] =	ssyncset.done $0x0  }
0x36: {  	[sflag:s17] =	ssyncadd.s32 $0xFFFFC000  }
0x37: {  	[spmem:s11] =	stream.linear.scatter [tilespmem:s16], [sflag:$0x2], $0x4000, $0x38;
	[tilespmem:$0x1CC00] =	vst v63  }
0x38: {  	_ =	swait.ge [sflag:s17], $0x4000  }
0x39: {  	[sflag:s17] =	ssyncset.done $0x0  }
0x3a: {  	[sflag:s17] =	ssyncadd.s32 $0xFFFFC000  }
0x3b: {  	[spmem:s12] =	stream.linear.scatter [tilespmem:s16], [sflag:$0x2], $0x3C00, $0x38;
	[tilespmem:$0x1CC00] =	vst v63  }
.Ltmp3:
0x3c: {  	_ =	swait.ge [sflag:s17], $0x3C00;
	(pc) =	sbr.rel .LBB2_4-.Ltmp3, $4  }
0x3d: {  	[sflag:s17] =	ssyncset.done $0x0  }
0x3e: {  	[sflag:s17] =	ssyncadd.s32 $0xFFFFC400  }
0x3f: {  	[bflag:$0x0] =	sbarrier.arrive $0xFFFF  }
0x40: {  	s23 =	simm.s32 $0x0  }
.LBB2_8:
0x41: {  	s23 =	sadd.s32 $0x1, s23  }
0x42: {  	p0 =	sne.s32 s23, $0x9  }
.Ltmp4:
0x43: {  	_ = 	snop;
	(pc) =	sbr.rel @!p0 .LBB2_9-.Ltmp4, $1  }
0x44: {  	_ =	sdelay $0x3  }
.LBB2_4:
0x45: {  	p0 =	sge.u32 s23, s8  }
.Ltmp5:
0x46: {  	_ = 	snop;
	(pc) =	sbr.rel @p0 .LBB2_8-.Ltmp5, $1  }
0x47: {  	_ =	sdelay $0x3  }
0x48: {  	s24 =	sshll.u32 s23, $0x8  }
0x49: {  	s24 =	sadd.s32 s13, s24  }
0x4a: {  	s25 =	sadd.s32 s5, s24  }
0x4b: {  	[tilespmem:s4], [sflag:$0x2] =	stream.linear.gather [hbm4b:s25+s4], $0x800, $0x38;
	[tilespmem:$0x1CC00] =	vst v63  }
0x4c: {  	_ =	swait.ge [sflag:s17], $0x800  }
0x4d: {  	[sflag:s17] =	ssyncset.done $0x0  }
0x4e: {  	s30 =	sadd.s32 s6, s24;
	s24 =	simm.s32 $0x800;
	[sflag:s17] =	ssyncadd.s32 $0xFFFFF800  }
0x4f: {  	[tilespmem:s24], [sflag:$0x2] =	stream.linear.gather [hbm4b:s30+s4], $0x800, $0x38;
	[tilespmem:$0x1CC00] =	vst v63  }
0x50: {  	_ =	swait.ge [sflag:s17], $0x800  }
0x51: {  	[sflag:s17] =	ssyncset.done $0x0  }
0x52: {  	s26 =	simm.s32 $0x10000;
	s25 =	simm.s32 $0x80;
	[sflag:s17] =	ssyncadd.s32 $0xFFFFF800  }
0x53: {  	[tilespmem:s16], [sflag:$0x1] =	stream.indirect.gather [hbm4b:s1+s25], $0x80, s4, s25, $0xb8;
	[tilespmem:$0x1CC00] =	vst v63  }
0x54: {  	s28 =	simm.s32 $0x0;
	s26 =	sand.u32 $0x10000, s26;
	_ =	swait.ge [sflag:s18], $0x4000  }
0x55: {  	s28 =	sand.u32 $0x10000, s28;
	s26 =	sshrl.u32 s26, $0x2;
	[sflag:s18] =	ssyncset.done $0x0  }
0x56: {  	s31 =	sshrl.u32 s28, $0x2;
	s26 =	sor.u32 $0x1000, s26;
	[sflag:s18] =	ssyncadd.s32 $0xFFFFC000  }
0x57: {  	[tilespmem:s26], [sflag:$0x1] =	stream.indirect.gather [hbm4b:s1+s19], $0x80, s25, s19, $0xb8;
	[tilespmem:$0x1CC00] =	vst v63  }
0x58: {  	s26 =	sor.u32 $0x1000, s31  }
0x59: {  	[spmem:s3] =	stream.indirect.scatter.add.f32 [tilespmem:s26], [sflag:$0x2], $0x80, s24, s19, $0xb8;
	[tilespmem:$0x1CC00] =	vst v63  }
0x5a: {  	s26 =	simm.s32 $0x20000;
	_ =	swait.ge [sflag:s17], $0x4000  }
.LBB2_6:
0x5b: {  	[sflag:s17] =	ssyncset.done $0x0  }
0x5c: {  	s24 =	sadd.s32 $0x80, s24;
	s25 =	sadd.s32 $0x80, s25;
	s28 =	smov.u32 s26  }
0x5d: {  	p0 =	sne.s32 s26, $0xF0000;
	s26 =	sadd.s32 $0x10000, s26;
	[sflag:s17] =	ssyncadd.s32 $0xFFFFC000  }
0x5e: {  	s29 =	sand.u32 $0x10000, s28;
	_ =	swait.ge [sflag:s18], $0x4000  }
0x5f: {  	s28 =	sadd.s32 $0xFFFF0000, s28;
	s29 =	sshrl.u32 s29, $0x2;
	[sflag:s18] =	ssyncset.done $0x0  }
0x60: {  	s28 =	sand.u32 $0x10000, s28;
	s29 =	sor.u32 $0x1000, s29;
	[sflag:s18] =	ssyncadd.s32 $0xFFFFC000  }
0x61: {  	[tilespmem:s29], [sflag:$0x1] =	stream.indirect.gather [hbm4b:s1+s19], $0x80, s25, s19, $0xb8;
	[tilespmem:$0x1CC00] =	vst v63  }
.Ltmp6:
0x62: {  	_ = 	snop;
	(pc) =	sbr.rel @p0 .LBB2_6-.Ltmp6, $4  }
0x63: {  	s28 =	sshrl.u32 s28, $0x2  }
0x64: {  	s28 =	sor.u32 $0x1000, s28  }
0x65: {  	[spmem:s3] =	stream.indirect.scatter.add.f32 [tilespmem:s28], [sflag:$0x2], $0x80, s24, s19, $0xb8;
	[tilespmem:$0x1CC00] =	vst v63  }
0x66: {  	_ =	swait.ge [sflag:s17], $0x4000  }
0x67: {  	[sflag:s17] =	ssyncset.done $0x0  }
0x68: {  	[sflag:s17] =	ssyncadd.s32 $0xFFFFC000  }
0x69: {  	_ =	swait.ge [sflag:s18], $0x4000  }
0x6a: {  	[sflag:s18] =	ssyncset.done $0x0  }
.Ltmp7:
0x6b: {  	[sflag:s18] =	ssyncadd.s32 $0xFFFFC000;
	(pc) =	sbr.rel .LBB2_8-.Ltmp7, $4  }
0x6c: {  	[spmem:s3] =	stream.indirect.scatter.add.f32 [tilespmem:s21], [sflag:$0x2], $0x80, s20, s19, $0xb8;
	[tilespmem:$0x1CC00] =	vst v63  }
0x6d: {  	_ =	swait.ge [sflag:s17], $0x4000  }
0x6e: {  	[sflag:s17] =	ssyncset.done $0x0  }
0x6f: {  	[sflag:s17] =	ssyncadd.s32 $0xFFFFC000  }
.LBB2_10:
0x70: {  	_ =	sfence.sel $0x180000  }
0x71: {  	[bflag:$0x0] =	sbarrier.arrive $0xFFFF  }
0x72: {  	p0 =	sne.s32 s2, $0x0;
	_ =	strace $0x90000047  }
0x73: {  	s0 =	sadd.s32 @!p0 $0x100000, s0;
	[bflag:$0x2] =	sbarrier.arrive $0xFFFF  }
0x74: {  	[sflag:s0] =	ssyncadd.tile.s32 @!p0 $0x1;
	_ =	shalt  }
.Lfunc_end2:
_tile_overlayer_lowered:
.L_overlay_start_2:
0x75: {  	(tag) =	ssettag $0x2  }
0x76: {  	s0 =	rddreg [dreg:$0x0];
	s2 =	stileid.u32  }
0x77: {  	s1 =	rddreg [dreg:$0x1];
	p0 =	sne.s32 s2, $0x0  }
0x78: {  	s3 =	rddreg [dreg:$0x2];
	[bflag:$0x3] =	sbarrier.arrive $0xFFFF;
	s2 =	simm.s32 @!p0 $0x1C02  }
0x79: {  	[timem:s3], [sflag:s2] =	dma.local @!p0 [hbm:s0], s1  }
0x7a: {  	s0 =	simm.s32 @!p0 $0x2  }
0x7b: {  	_ =	swait.ge @!p0 [sflag:s0], s1  }
0x7c: {  	s1 =	ssub.s32 @!p0 $0x0, s1;
	[sflag:s0] =	ssyncset.done @!p0 $0x0  }
0x7d: {  	[sflag:s0] =	ssyncadd.s32 @!p0 s1  }
0x7e: {  	[bflag:$0x3] =	sbarrier.arrive $0xFFFF  }
0x7f: {  	_ =	shalt  }

// kernel: segsum.7.cloned.1.call-start
scs
__scs_entry_jumppad:
0x0: {  	(pc) =	sbr.rel $0x88, $3  }
0x1: {  	(tag) =	ssettag $0x0;
	lr =	simm.s32 $0x1  }
0x2: {  	[smem:$0x3F99] =	sst lr;
	_ =	strace $0xD0000000  }
0x3: {  	_ = 	snop  }
0x4: {  	_ = 	snop  }
0x5: {  	_ = 	snop  }
0x6: {  	_ = 	snop  }
0x7: {  	_ = 	snop  }
__scs_overlays_trampoline_lowered:
0x8: {  	[smem:$0x3FA8] =	sst s0  }
0x9: {  	[smem:$0x3FA9] =	sst s1  }
0xa: {  	[smem:$0x3FAA] =	sst s2  }
0xb: {  	[smem:$0x3FAB] =	sst s3  }
0xc: {  	[smem:$0x3FAC] =	sst s4  }
0xd: {  	[smem:$0x3FAD] =	sst s5  }
0xe: {  	[smem:$0x3FAE] =	sst s6  }
0xf: {  	[smem:$0x3FAF] =	sst s7  }
0x10: {  	[smem:$0x3FB0] =	sst s8  }
0x11: {  	[smem:$0x3FB1] =	sst s9;
	s0 =	simm.s32 @!p0 $0x0  }
0x12: {  	s1 =	sld [smem:$0x3F97];
	s0 =	simm.s32 @p0 $0x1  }
0x13: {  	[smem:$0x3FB2] =	sst s0;
	s0 =	simm.s32 @!p1 $0x0  }
0x14: {  	s2 =	sld [smem:$0x3F96];
	s0 =	simm.s32 @p1 $0x1  }
0x15: {  	[smem:$0x3FB3] =	sst s0;
	s0 =	simm.s32 @!p2 $0x0  }
0x16: {  	s3 =	sld [smem:$0x3FDB];
	s0 =	simm.s32 @p2 $0x1  }
0x17: {  	s4 =	simm.s32 $0x1BF5;
	[smem:$0x3FB5] =	sst s0  }
0x18: {  	s0 =	sld [smem:$0x3F98];
	_ =	swait.ge [sflag:s4], $0x0  }
0x19: {  	s7 =	sld [smem:$0x3F99]  }
0x1a: {  	s8 =	sadd.s32 $0xFFFFE003, lr  }
0x1b: {  	s9 =	sadd.s32 $0xFFFFFEF7, lr;
	s5 =	simm.s32 $0xFFFFFFFF;
	p2 =	slt.u32 s8, $0xFFFFF086  }
0x1c: {  	p1 =	slt.u32 s9, $0xF7A;
	s5 =	simm.s32 @!p2 $0x0  }
0x1d: {  	s5 =	simm.s32 @p1 $0x1;
	p0 =	seq.s32 s7, s2  }
0x1e: {  	s7 =	smul.u32 @!p0 $0xF7A, s2;
	p2 =	seq.s32 @!p0 s5, $0x0  }
0x1f: {  	s9 =	smul.u32 $0xF7A, s1;
	s8 =	simm.s32 @!p0 $0x1BF5;
	p2 =	por !p2, p0  }
0x20: {  	[sflag:s8] =	ssyncset.s32 @!p0 $0xFFFFF086;
	s6 =	sadd.s32 @!p0 s3, s7;
	s7 =	simm.s32 @!p0 $0x108  }
0x21: {  	s3 =	sadd.s32 s3, s9;
	s6 =	sadd.s32 @!p0 $0x88, s6;
	s7 =	simm.s32 @p2 $0x1082  }
0x22: {  	[simem:s7], [sflag:s8] =	dma.local @!p0 [hbm:s6], $0xF7A  }
0x23: {  	s9 =	sor.u32 $0xD0000000, s2;
	s6 =	simm.s32 $0x108;
	_ =	swait.ge @!p0 [sflag:s8], $0x0  }
0x24: {  	s3 =	sadd.s32 $0x88, s3;
	s6 =	simm.s32 @!p1 $0x1082;
	[sflag:s4] =	ssyncset.s32 $0xFFFFF086  }
0x25: {  	[simem:s6], [sflag:s4] =	dma.local [hbm:s3], $0xF7A  }
0x26: {  	[smem:$0x3F99] =	sst s1;
	(tag) =	ssettag s2;
	_ =	strace s9  }
0x27: {  	s1 =	sld [smem:$0x3FA9]  }
0x28: {  	s2 =	sld [smem:$0x3FAA]  }
0x29: {  	s4 =	sld [smem:$0x3FAC]  }
0x2a: {  	p0 =	seq.s32 s5, $0x0;
	s5 =	sld [smem:$0x3FAD]  }
0x2b: {  	s6 =	sld [smem:$0x3FAE]  }
0x2c: {  	s7 =	sld [smem:$0x3FAF]  }
0x2d: {  	s3 =	simm.s32 $0x108;
	s8 =	sld [smem:$0x3FB0]  }
0x2e: {  	s3 =	simm.s32 @!p0 $0x1082;
	s9 =	sld [smem:$0x3FB1]  }
0x2f: {  	lr =	sadd.s32 s0, s3;
	s0 =	sld [smem:$0x3FA8]  }
0x30: {  	s3 =	sld [smem:$0x3FAB]  }
0x31: {  	[smem:$0x3FB4] =	sst s10  }
0x32: {  	s10 =	sld [smem:$0x3FB2];
	_ =	sdelay $0x3  }
0x33: {  	p0 =	seq.s32 s10, $0x1;
	s10 =	sld [smem:$0x3FB4];
	_ =	sdelay $0x3  }
0x34: {  	[smem:$0x3FB4] =	sst s10  }
0x35: {  	s10 =	sld [smem:$0x3FB3];
	_ =	sdelay $0x3  }
0x36: {  	p1 =	seq.s32 s10, $0x1;
	s10 =	sld [smem:$0x3FB4];
	_ =	sdelay $0x3  }
0x37: {  	[smem:$0x3FB4] =	sst s10  }
0x38: {  	s10 =	sld [smem:$0x3FB5]  }
0x39: {  	_ = 	snop;
	(pc) =	sbr.ind lr, $3  }
0x3a: {  	_ = 	snop  }
0x3b: {  	_ = 	snop  }
0x3c: {  	p2 =	seq.s32 s10, $0x1;
	s10 =	sld [smem:$0x3FB4]  }
0x3d: {  	_ =	shalt  }
0x3e: {  	_ =	shalt  }
0x3f: {  	_ =	shalt  }
0x40: {  	_ =	shalt  }
0x41: {  	_ =	shalt  }
0x42: {  	_ =	shalt  }
0x43: {  	_ =	shalt  }
0x44: {  	_ =	shalt  }
0x45: {  	_ =	shalt  }
0x46: {  	_ =	shalt  }
0x47: {  	_ =	shalt  }
0x48: {  	_ =	shalt  }
0x49: {  	_ =	shalt  }
0x4a: {  	_ =	shalt  }
0x4b: {  	_ =	shalt  }
0x4c: {  	_ =	shalt  }
0x4d: {  	_ =	shalt  }
0x4e: {  	_ =	shalt  }
0x4f: {  	_ =	shalt  }
0x50: {  	_ =	shalt  }
0x51: {  	_ =	shalt  }
0x52: {  	_ =	shalt  }
0x53: {  	_ =	shalt  }
0x54: {  	_ =	shalt  }
0x55: {  	_ =	shalt  }
0x56: {  	_ =	shalt  }
0x57: {  	_ =	shalt  }
0x58: {  	_ =	shalt  }
0x59: {  	_ =	shalt  }
0x5a: {  	_ =	shalt  }
0x5b: {  	_ =	shalt  }
0x5c: {  	_ =	shalt  }
0x5d: {  	_ =	shalt  }
0x5e: {  	_ =	shalt  }
0x5f: {  	_ =	shalt  }
0x60: {  	_ =	shalt  }
0x61: {  	_ =	shalt  }
0x62: {  	_ =	shalt  }
0x63: {  	_ =	shalt  }
0x64: {  	_ =	shalt  }
0x65: {  	_ =	shalt  }
0x66: {  	_ =	shalt  }
0x67: {  	_ =	shalt  }
0x68: {  	_ =	shalt  }
0x69: {  	_ =	shalt  }
0x6a: {  	_ =	shalt  }
0x6b: {  	_ =	shalt  }
0x6c: {  	_ =	shalt  }
0x6d: {  	_ =	shalt  }
0x6e: {  	_ =	shalt  }
0x6f: {  	_ =	shalt  }
0x70: {  	_ =	shalt  }
0x71: {  	_ =	shalt  }
0x72: {  	_ =	shalt  }
0x73: {  	_ =	shalt  }
0x74: {  	_ =	shalt  }
0x75: {  	_ =	shalt  }
0x76: {  	_ =	shalt  }
0x77: {  	_ =	shalt  }
0x78: {  	_ =	shalt  }
0x79: {  	_ =	shalt  }
0x7a: {  	_ =	shalt  }
0x7b: {  	_ =	shalt  }
0x7c: {  	_ =	shalt  }
0x7d: {  	_ =	shalt  }
0x7e: {  	_ =	shalt  }
0x7f: {  	_ =	shalt  }
0x80: {  	_ =	shalt  }
0x81: {  	_ =	shalt  }
0x82: {  	_ =	shalt  }
0x83: {  	_ =	shalt  }
0x84: {  	_ =	shalt  }
0x85: {  	_ =	shalt  }
0x86: {  	_ =	shalt  }
0x87: {  	_ =	shalt  }
.Lfunc_end0:
.L_simem_size_0:
called_computation.2_lowered:
.L_overlay_start_0:
0x88: {  	s2 =	sld [smem:$0x3FD9]  }
0x89: {  	s3 =	sld [smem:$0x3FFE];
	_ =	sdelay $0x1  }
0x8a: {  	s1 =	srdreg.scid  }
0x8b: {  	s0 =	sand.u32 $0x1, s1  }
0x8c: {  	s17 =	sshll.u32 s0, $0xA;
	s2 =	sadd.s32 s3, s2  }
0x8d: {  	s2 =	sadd.s32 s2, s17  }
0x8e: {  	[smem:$0x3FC0] =	sst s2  }
0x8f: {  	_ = 	snop  }
0x90: {  	s2 =	sld [smem:$0x3FD0];
	(tm) =	ssettm $0x1  }
0x91: {  	s18 =	sld [smem:$0x3FFB];
	_ =	sdelay $0x3  }
0x92: {  	_ =	strace s18  }
0x93: {  	s3 =	sld [smem:$0x3FFC];
	_ =	sdelay $0x3  }
0x94: {  	_ =	strace s3  }
0x95: {  	s3 =	sld [smem:$0x3FFD];
	_ =	sdelay $0x3  }
0x96: {  	_ =	strace s3  }
0x97: {  	_ =	strace $0x8FFFFFFF  }
0x98: {  	s19 =	sld [smem:$0x3FDB];
	_ =	sdelay $0x1  }
0x99: {  	s4 =	simm.s32 $_scs_section_size  }
0x9a: {  	s5 =	simm.s32 $_size__tile_overlayer_lowered;
	s6 =	simm.s32 $_tile_overlayer_lowered  }
0x9b: {  	s22 =	simm.s32 $0x1BFF;
	s21 =	sshll.u32 s6, $0x1;
	s3 =	sadd.s32 s4, s19  }
0x9c: {  	s7 =	simm.s32 $0x0;
	s20 =	sshll.u32 s5, $0x1;
	s5 =	sadd.s32 s21, s3  }
0x9d: {  	[timem:s7], [sflag:s22] =	dma.local [hbm:s5], s20  }
0x9e: {  	_ =	swait.ge [sflag:s22], s20  }
0x9f: {  	s4 =	ssub.s32 $0x0, s20;
	[sflag:s22] =	ssyncset.done $0x0  }
0xa0: {  	[sflag:s22] =	ssyncadd.s32 s4;
	_ =	sdelay $0x1  }
0xa1: {  	s23 =	simm.s32 $0x1B8B  }
0xa2: {  	_ =	swait.ge [sflag:s23], $0x1  }
0xa3: {  	[sflag:s23] =	ssyncset.done $0x0  }
0xa4: {  	s25 =	simm.s32 $0x1B8E;
	s24 =	sld [smem:$0x3FFE];
	[sflag:s23] =	ssyncadd.s32 $0xFFFFFFFF  }
0xa5: {  	s26 =	simm.s32 $execute0_lowered;
	[smem:$0x3FD2] =	sst s25  }
0xa6: {  	s5 =	sshll.u32 s26, $0x1;
	_ =	strace $0x8000004C;
	[dreg:$0x1] =	wrdreg $0xFFFFFFFF  }
0xa7: {  	s28 =	simm.s32 $_size_execute0_lowered;
	s3 =	sadd.s32 s3, s5;
	[dreg:$0x0] =	wrdreg $0x0  }
0xa8: {  	s5 =	sshll.u32 s28, $0x1;
	[dreg:$0x2] =	wrdreg s3  }
0xa9: {  	[dreg:$0x3] =	wrdreg s5  }
0xaa: {  	[dreg:$0x4] =	wrdreg $0xC0  }
0xab: {  	_ =	task [dreg:s7], $0x5FFFF  }
0xac: {  	[dreg:$0x1] =	wrdreg $0xFFFFFFFF  }
0xad: {  	[dreg:$0x0] =	wrdreg $0x60  }
0xae: {  	[dreg:$0x2] =	wrdreg s2  }
0xaf: {  	[dreg:$0x3] =	wrdreg s24  }
0xb0: {  	[dreg:$0x4] =	wrdreg $0x90000  }
0xb1: {  	[dreg:$0x5] =	wrdreg $0x9  }
0xb2: {  	_ =	task.clear_ibuf [dreg:s7], $0x6FFFF;
	_ =	strace $0x9000004C  }
0xb3: {  	s29 =	simm.s32 $0x9;
	_ =	strace $0x8000004E  }
0xb4: {  	_ =	swait.ge [sflag:s29], $0x1  }
0xb5: {  	[sflag:s29] =	ssyncadd.s32 $0xFFFFFFFF  }
0xb6: {  	_ =	strace $0x9000004E  }
0xb7: {  	_ =	sfence  }
0xb8: {  	s30 =	sld [smem:$0x0];
	_ =	sdelay $0x2  }
0xb9: {  	s31 =	sshll.u32 s1, $0xD;
	s1 =	sshrl.u32 s1, $0x2  }
0xba: {  	s3 =	sand.u32 $0x4000, s31;
	s1 =	sadd.s32 s1, s30  }
0xbb: {  	s0 =	sor.u32 s3, s0;
	s1 =	sshll.u32 s1, $0x11  }
0xbc: {  	s0 =	sor.u32 s1, s0  }
0xbd: {  	s0 =	sadd.s32 $0x8F2B, s0  }
0xbe: {  	[sflag:s0] =	ssyncadd.remote.s32 $0x1  }
0xbf: {  	_ =	sfence.sel $0xFFFF  }
0xc0: {  	[dreg:$0x0] =	wrdreg $0xFFFFFFFF;
	(pc) =	sbr.abs _section_cstart, $3  }
0xc1: {  	[dreg:$0x1] =	wrdreg $0xFFFFFFFF  }
0xc2: {  	_ =	task.clear_ibuf [dreg:s7], $0x2FFFF;
	_ =	strace $0x9FFFFFFF  }
0xc3: {  	(tm) =	ssettm $0x7FFFFFFF  }
tec
execute0_lowered:
.L_overlay_start_1:
0x0: {  	(tag) =	ssettag $0x1  }
0x1: {  	s1 =	rddreg [dreg:$0x0]  }
0x2: {  	s7 =	rddreg [dreg:$0x1]  }
0x3: {  	s3 =	rddreg [dreg:$0x2]  }
0x4: {  	s2 =	srdreg.scid;
	s0 =	rddreg [dreg:$0x3]  }
0x5: {  	s4 =	simm.s32 $0x0;
	s17 =	simm.s32 $0x2;
	s18 =	simm.s32 $0x1  }
0x6: {  	s19 =	simm.s32 $0x80;
	s20 =	simm.s32 $0xF80;
	s21 =	simm.s32 $0x5000  }
0x7: {  	s22 =	simm.s32 $0x0;
	s8 =	sand.u32 $0x1, s2;
	s2 =	stileid.u32  }
0x8: {  	[smem:$0x7FF] =	sst s4;
	s5 =	sadd.s32 $0xBE00, s7;
	s9 =	smul.u32 $0x13C000, s8  }
0x9: {  	s6 =	sadd.s32 $0x1E00, s7;
	s10 =	smul.u32 $0x13C00, s2;
	s11 =	sxor.u32 $0x1, s8  }
0xa: {  	_ =	strace $0x8000004D;
	s13 =	smul.u32 $0x4F000, s2;
	s29 =	ssub.s32 $0x2, s8  }
0xb: {  	s28 =	sshll.u32 s2, $0x4;
	s12 =	smul.u32 s11, s2;
	s31 =	sshrl.u32 s29, $0x1  }
0xc: {  	s11 =	smul.u32 $0x9, s11;
	s9 =	sadd.s32 s10, s9;
	s13 =	sshrl.u32 s13, $0x2  }
0xd: {  	s15 =	ssub.s32 s29, s31;
	s26 =	smul.u32 $0x90, s12;
	s9 =	sshrl.u32 s9, $0x3  }
.Ltmp0:
0xe: {  	s12 =	sor.u32 $0x900, s28;
	s15 =	smax.u32 s15, $0x1;
	(pc) =	sbr.rel .LBB2_1-.Ltmp0, $4  }
0xf: {  	s14 =	sadd.s32 s9, s7;
	s30 =	smul.u32 s8, s12;
	s7 =	sadd.s32 s13, s3  }
0x10: {  	s8 =	sadd.s32 s8, s11;
	s9 =	sadd.s32 $0x4000, s7;
	s10 =	sadd.s32 $0x8000, s7  }
0x11: {  	s11 =	sadd.s32 $0xC000, s7;
	s12 =	sadd.s32 $0x10000, s7;
	s16 =	sadd.s32 s26, s30  }
0x12: {  	v0 =	vimm.f32 $0.0e+00;
	s14 =	sadd.s32 $0x15E00, s14;
	s13 =	sshll.u32 s16, $0x4;
	s16 =	simm.s32 $0x1000  }
.LBB2_9:
0x13: {  	s22 =	sadd.s32 $0x1, s22  }
0x14: {  	s23 =	sshll.u32 s2, $0x6;
	[bflag:$0x0] =	sbarrier.arrive $0xFFFF;
	p0 =	sne.s32 s22, s15  }
.Ltmp1:
0x15: {  	s24 =	sshrl.u32 s7, $0x3;
	s23 =	sor.u32 $0x1C02, s23;
	(pc) =	sbr.rel @!p0 .LBB2_10-.Ltmp1, $4  }
0x16: {  	[hbm:s14], [sflag:s23] =	dma.local [spmem:s24], $0x2780  }
0x17: {  	_ =	swait.ge [sflag:s17], $0x2780  }
0x18: {  	[sflag:s17] =	ssyncset.done $0x0  }
0x19: {  	[sflag:s17] =	ssyncadd.s32 $0xFFFFD880  }
.LBB2_1:
0x1a: {  	s23 =	simm.s32 $0x0;
	s24 =	simm.s32 $0x200  }
.LBB2_2:
0x1b: {  	p0 =	sne.s32 s24, $0xFE00;
	[tilespmem:s23+$0x1070] =	vst v0  }
0x1c: {  	[tilespmem:s23+$0x1000] =	vst v0  }
0x1d: {  	[tilespmem:s23+$0x1010] =	vst v0  }
.Ltmp2:
0x1e: {  	[tilespmem:s23+$0x1020] =	vst v0;
	(pc) =	sbr.rel @p0 .LBB2_2-.Ltmp2, $4  }
0x1f: {  	[tilespmem:s23+$0x1030] =	vst v0  }
0x20: {  	[tilespmem:s23+$0x1040] =	vst v0  }
0x21: {  	[tilespmem:s23+$0x1050] =	vst v0  }
0x22: {  	[tilespmem:s23+$0x1060] =	vst v0;
	s23 =	sshra.s32 s24, $0x2;
	s24 =	sadd.s32 $0x200, s24  }
0x23: {  	[tilespmem:s23+$0x1070] =	vst v0  }
0x24: {  	[tilespmem:s23+$0x1000] =	vst v0  }
0x25: {  	[tilespmem:s23+$0x1010] =	vst v0  }
0x26: {  	[tilespmem:s23+$0x1020] =	vst v0  }
0x27: {  	[tilespmem:s23+$0x1030] =	vst v0  }
0x28: {  	[tilespmem:s23+$0x1040] =	vst v0  }
0x29: {  	[tilespmem:s23+$0x1050] =	vst v0  }
0x2a: {  	[tilespmem:s23+$0x1060] =	vst v0  }
0x2b: {  	[spmem:s7] =	stream.linear.scatter [tilespmem:s16], [sflag:$0x2], $0x4000, $0x38;
	[tilespmem:$0x1CC00] =	vst v63  }
0x2c: {  	_ =	swait.ge [sflag:s17], $0x4000  }
0x2d: {  	[sflag:s17] =	ssyncset.done $0x0  }
0x2e: {  	[sflag:s17] =	ssyncadd.s32 $0xFFFFC000  }
0x2f: {  	[spmem:s9] =	stream.linear.scatter [tilespmem:s16], [sflag:$0x2], $0x4000, $0x38;
	[tilespmem:$0x1CC00] =	vst v63  }
0x30: {  	_ =	swait.ge [sflag:s17], $0x4000  }
0x31: {  	[sflag:s17] =	ssyncset.done $0x0  }
0x32: {  	[sflag:s17] =	ssyncadd.s32 $0xFFFFC000  }
0x33: {  	[spmem:s10] =	stream.linear.scatter [tilespmem:s16], [sflag:$0x2], $0x4000, $0x38;
	[tilespmem:$0x1CC00] =	vst v63  }
0x34: {  	_ =	swait.ge [sflag:s17], $0x4000  }
0x35: {  	[sflag:s17] =	ssyncset.done $0x0  }
0x36: {  	[sflag:s17] =	ssyncadd.s32 $0xFFFFC000  }
0x37: {  	[spmem:s11] =	stream.linear.scatter [tilespmem:s16], [sflag:$0x2], $0x4000, $0x38;
	[tilespmem:$0x1CC00] =	vst v63  }
0x38: {  	_ =	swait.ge [sflag:s17], $0x4000  }
0x39: {  	[sflag:s17] =	ssyncset.done $0x0  }
0x3a: {  	[sflag:s17] =	ssyncadd.s32 $0xFFFFC000  }
0x3b: {  	[spmem:s12] =	stream.linear.scatter [tilespmem:s16], [sflag:$0x2], $0x3C00, $0x38;
	[tilespmem:$0x1CC00] =	vst v63  }
.Ltmp3:
0x3c: {  	_ =	swait.ge [sflag:s17], $0x3C00;
	(pc) =	sbr.rel .LBB2_4-.Ltmp3, $4  }
0x3d: {  	[sflag:s17] =	ssyncset.done $0x0  }
0x3e: {  	[sflag:s17] =	ssyncadd.s32 $0xFFFFC400  }
0x3f: {  	[bflag:$0x0] =	sbarrier.arrive $0xFFFF  }
0x40: {  	s23 =	simm.s32 $0x0  }
.LBB2_8:
0x41: {  	s23 =	sadd.s32 $0x1, s23  }
0x42: {  	p0 =	sne.s32 s23, $0x9  }
.Ltmp4:
0x43: {  	_ = 	snop;
	(pc) =	sbr.rel @!p0 .LBB2_9-.Ltmp4, $1  }
0x44: {  	_ =	sdelay $0x3  }
.LBB2_4:
0x45: {  	p0 =	sge.u32 s23, s8  }
.Ltmp5:
0x46: {  	_ = 	snop;
	(pc) =	sbr.rel @p0 .LBB2_8-.Ltmp5, $1  }
0x47: {  	_ =	sdelay $0x3  }
0x48: {  	s24 =	sshll.u32 s23, $0x8  }
0x49: {  	s24 =	sadd.s32 s13, s24  }
0x4a: {  	s25 =	sadd.s32 s5, s24  }
0x4b: {  	[tilespmem:s4], [sflag:$0x2] =	stream.linear.gather [hbm4b:s25+s4], $0x800, $0x38;
	[tilespmem:$0x1CC00] =	vst v63  }
0x4c: {  	_ =	swait.ge [sflag:s17], $0x800  }
0x4d: {  	[sflag:s17] =	ssyncset.done $0x0  }
0x4e: {  	s30 =	sadd.s32 s6, s24;
	s24 =	simm.s32 $0x800;
	[sflag:s17] =	ssyncadd.s32 $0xFFFFF800  }
0x4f: {  	[tilespmem:s24], [sflag:$0x2] =	stream.linear.gather [hbm4b:s30+s4], $0x800, $0x38;
	[tilespmem:$0x1CC00] =	vst v63  }
0x50: {  	_ =	swait.ge [sflag:s17], $0x800  }
0x51: {  	[sflag:s17] =	ssyncset.done $0x0  }
0x52: {  	s26 =	simm.s32 $0x10000;
	s25 =	simm.s32 $0x80;
	[sflag:s17] =	ssyncadd.s32 $0xFFFFF800  }
0x53: {  	[tilespmem:s16], [sflag:$0x1] =	stream.indirect.gather [hbm4b:s1+s25], $0x80, s4, s25, $0xb8;
	[tilespmem:$0x1CC00] =	vst v63  }
0x54: {  	s28 =	simm.s32 $0x0;
	s26 =	sand.u32 $0x10000, s26;
	_ =	swait.ge [sflag:s18], $0x4000  }
0x55: {  	s28 =	sand.u32 $0x10000, s28;
	s26 =	sshrl.u32 s26, $0x2;
	[sflag:s18] =	ssyncset.done $0x0  }
0x56: {  	s31 =	sshrl.u32 s28, $0x2;
	s26 =	sor.u32 $0x1000, s26;
	[sflag:s18] =	ssyncadd.s32 $0xFFFFC000  }
0x57: {  	[tilespmem:s26], [sflag:$0x1] =	stream.indirect.gather [hbm4b:s1+s19], $0x80, s25, s19, $0xb8;
	[tilespmem:$0x1CC00] =	vst v63  }
0x58: {  	s26 =	sor.u32 $0x1000, s31  }
0x59: {  	[spmem:s3] =	stream.indirect.scatter.add.f32 [tilespmem:s26], [sflag:$0x2], $0x80, s24, s19, $0xb8;
	[tilespmem:$0x1CC00] =	vst v63  }
0x5a: {  	s26 =	simm.s32 $0x20000;
	_ =	swait.ge [sflag:s17], $0x4000  }
.LBB2_6:
0x5b: {  	[sflag:s17] =	ssyncset.done $0x0  }
0x5c: {  	s24 =	sadd.s32 $0x80, s24;
	s25 =	sadd.s32 $0x80, s25;
	s28 =	smov.u32 s26  }
0x5d: {  	p0 =	sne.s32 s26, $0xF0000;
	s26 =	sadd.s32 $0x10000, s26;
	[sflag:s17] =	ssyncadd.s32 $0xFFFFC000  }
0x5e: {  	s29 =	sand.u32 $0x10000, s28;
	_ =	swait.ge [sflag:s18], $0x4000  }
0x5f: {  	s28 =	sadd.s32 $0xFFFF0000, s28;
	s29 =	sshrl.u32 s29, $0x2;
	[sflag:s18] =	ssyncset.done $0x0  }
0x60: {  	s28 =	sand.u32 $0x10000, s28;
	s29 =	sor.u32 $0x1000, s29;
	[sflag:s18] =	ssyncadd.s32 $0xFFFFC000  }
0x61: {  	[tilespmem:s29], [sflag:$0x1] =	stream.indirect.gather [hbm4b:s1+s19], $0x80, s25, s19, $0xb8;
	[tilespmem:$0x1CC00] =	vst v63  }
.Ltmp6:
0x62: {  	_ = 	snop;
	(pc) =	sbr.rel @p0 .LBB2_6-.Ltmp6, $4  }
0x63: {  	s28 =	sshrl.u32 s28, $0x2  }
0x64: {  	s28 =	sor.u32 $0x1000, s28  }
0x65: {  	[spmem:s3] =	stream.indirect.scatter.add.f32 [tilespmem:s28], [sflag:$0x2], $0x80, s24, s19, $0xb8;
	[tilespmem:$0x1CC00] =	vst v63  }
0x66: {  	_ =	swait.ge [sflag:s17], $0x4000  }
0x67: {  	[sflag:s17] =	ssyncset.done $0x0  }
0x68: {  	[sflag:s17] =	ssyncadd.s32 $0xFFFFC000  }
0x69: {  	_ =	swait.ge [sflag:s18], $0x4000  }
0x6a: {  	[sflag:s18] =	ssyncset.done $0x0  }
.Ltmp7:
0x6b: {  	[sflag:s18] =	ssyncadd.s32 $0xFFFFC000;
	(pc) =	sbr.rel .LBB2_8-.Ltmp7, $4  }
0x6c: {  	[spmem:s3] =	stream.indirect.scatter.add.f32 [tilespmem:s21], [sflag:$0x2], $0x80, s20, s19, $0xb8;
	[tilespmem:$0x1CC00] =	vst v63  }
0x6d: {  	_ =	swait.ge [sflag:s17], $0x4000  }
0x6e: {  	[sflag:s17] =	ssyncset.done $0x0  }
0x6f: {  	[sflag:s17] =	ssyncadd.s32 $0xFFFFC000  }
.LBB2_10:
0x70: {  	_ =	sfence.sel $0x180000  }
0x71: {  	[bflag:$0x0] =	sbarrier.arrive $0xFFFF  }
0x72: {  	p0 =	sne.s32 s2, $0x0;
	_ =	strace $0x9000004D  }
0x73: {  	s0 =	sadd.s32 @!p0 $0x100000, s0;
	[bflag:$0x2] =	sbarrier.arrive $0xFFFF  }
0x74: {  	[sflag:s0] =	ssyncadd.tile.s32 @!p0 $0x1;
	_ =	shalt  }
.Lfunc_end2:
_tile_overlayer_lowered:
.L_overlay_start_2:
0x75: {  	(tag) =	ssettag $0x2  }
0x76: {  	s0 =	rddreg [dreg:$0x0];
	s2 =	stileid.u32  }
0x77: {  	s1 =	rddreg [dreg:$0x1];
	p0 =	sne.s32 s2, $0x0  }
0x78: {  	s3 =	rddreg [dreg:$0x2];
	[bflag:$0x3] =	sbarrier.arrive $0xFFFF;
	s2 =	simm.s32 @!p0 $0x1C02  }
0x79: {  	[timem:s3], [sflag:s2] =	dma.local @!p0 [hbm:s0], s1  }
0x7a: {  	s0 =	simm.s32 @!p0 $0x2  }
0x7b: {  	_ =	swait.ge @!p0 [sflag:s0], s1  }
0x7c: {  	s1 =	ssub.s32 @!p0 $0x0, s1;
	[sflag:s0] =	ssyncset.done @!p0 $0x0  }
0x7d: {  	[sflag:s0] =	ssyncadd.s32 @!p0 s1  }
0x7e: {  	[bflag:$0x3] =	sbarrier.arrive $0xFFFF  }
0x7f: {  	_ =	shalt  }

</sc_bundles>
